<compile_context>
chip_gen: v7x
topology: tpu7x:2x2x1
jax: 0.10.2.dev20260603
libtpu: 0.0.44.dev20260713+nightly
codegen_flags: <defaults>
</compile_context>

<pallas_src>
import functools

import jax
import jax.numpy as jnp
from jax import lax
from jax.experimental import pallas as pl
from jax.experimental.pallas import tpu as pltpu
from jax.experimental.pallas import tpu_sc as plsc

N = 10000
E = 320000
D = 128
H = 128
OUT = 64
G = 64

NC = 2
NS = 16
NW = NC * NS
CHUNK = 128
CPG = 4
EPAD = 327680
NCHT = EPAD // CHUNK
RPT = 632
NR = NS * RPT
DPA = 72


def _sc_edge_agg(dp, split_features):
    mesh = plsc.VectorSubcoreMesh(
        core_axis_name="c", subcore_axis_name="s", num_cores=NC, num_subcores=NS
    )
    if split_features:
        nch = NCHT // NS
    else:
        nch = NCHT // NW
    ng = nch // CPG

    @functools.partial(
        pl.kernel,
        out_type=jax.ShapeDtypeStruct((NC, NR, dp), jnp.float32),
        mesh=mesh,
        scratch_types=[
            pltpu.VMEM((3, CPG, CHUNK), jnp.int32),
            pltpu.VMEM((3, CPG, CHUNK), jnp.int32),
            pltpu.VMEM((2, CPG, CHUNK, dp), jnp.float32),
            pltpu.VMEM_SHARED((NR, dp), jnp.float32),
            pltpu.SemaphoreType.DMA((3, 2)),
            pltpu.SemaphoreType.DMA((2, CPG)),
            pltpu.SemaphoreType.DMA((2, CPG)),
        ],
        compiler_params=pltpu.CompilerParams(use_tc_tiling_on_sc=False),
    )
    def k(table, srcp, dstp, zrows, out, sidx, didx, rows, agg, semi, semg, sems):
        c = lax.axis_index("c")
        s = lax.axis_index("s")
        tbl = table.at[c] if split_features else table
        base = (s if split_features else s * NC + (1 - c)) * nch
        pltpu.sync_copy(zrows, agg.at[pl.ds(s * RPT, RPT)])
        plsc.subcore_barrier()

        def issue_idx(g, ib):
            r0 = base + g * CPG
            pltpu.async_copy(srcp.at[pl.ds(r0, CPG)], sidx.at[ib], semi.at[ib, 0])
            pltpu.async_copy(dstp.at[pl.ds(r0, CPG)], didx.at[ib], semi.at[ib, 1])

        def wait_idx(ib):
            pltpu.make_async_copy(srcp.at[pl.ds(0, CPG)], sidx.at[ib], semi.at[ib, 0]).wait()
            pltpu.make_async_copy(dstp.at[pl.ds(0, CPG)], didx.at[ib], semi.at[ib, 1]).wait()

        def drain_scatters(rb, ib):
            for jj in range(CPG):
                pltpu.make_async_copy(
                    rows.at[rb, jj], agg.at[didx.at[ib, jj]], sems.at[rb, jj]
                ).wait()

        issue_idx(0, 0)

        def group(g, carry):
            rb = lax.rem(g, 2)
            ib = lax.rem(g, 3)

            @pl.when(g >= 2)
            def _():
                drain_scatters(rb, lax.rem(g - 2, 3))

            wait_idx(ib)

            @pl.when(g < ng - 1)
            def _():
                issue_idx(g + 1, lax.rem(g + 1, 3))

            descs = [
                pltpu.async_copy(
                    tbl.at[sidx.at[ib, jj]], rows.at[rb, jj], semg.at[rb, jj]
                )
                for jj in range(CPG)
            ]
            for jj in range(CPG):
                descs[jj].wait()
                pltpu.async_copy(
                    rows.at[rb, jj], agg.at[didx.at[ib, jj]], sems.at[rb, jj],
                    add=True,
                )
            return carry

        lax.fori_loop(0, ng, group, 0)
        drain_scatters((ng - 2) % 2, (ng - 2) % 3)
        drain_scatters((ng - 1) % 2, (ng - 1) % 3)
        plsc.subcore_barrier()
        pltpu.sync_copy(
            agg.at[pl.ds(s * RPT, RPT)], out.at[c, pl.ds(s * RPT, RPT)]
        )

    return k


def _tc_fuse1(x, a0, a1, WeT, beR, Wl1T, bl1R, Wr1T, Wl2T, Wr2T, bl2R):
    BR = 1000
    f32 = jnp.float32

    def body(x_r, a0_r, a1_r, WeT_r, beR_r, Wl1T_r, bl1R_r, Wr1T_r, Wl2T_r,
             Wr2T_r, bl2R_r, p2_r, r2_r, invd_r):
        aggx = jnp.concatenate([a0_r[:, :D // 2], a1_r[:, :D // 2]], axis=1)
        deg = a0_r[:, D // 2:D // 2 + 1]
        degc = jnp.maximum(deg, 1.0)
        num1 = jnp.dot(aggx, WeT_r[...], preferred_element_type=f32) + deg * beR_r[...]
        mean1 = num1 / degc
        h1 = jnp.dot(x_r[...], WeT_r[...], preferred_element_type=f32) + beR_r[...]
        h2 = jnp.maximum(
            jnp.dot(mean1, Wl1T_r[...], preferred_element_type=f32) + bl1R_r[...]
            + jnp.dot(h1, Wr1T_r[...], preferred_element_type=f32),
            0.0,
        )
        p2_r[...] = jnp.dot(h2, Wl2T_r[...], preferred_element_type=f32)
        r2_r[...] = jnp.dot(h2, Wr2T_r[...], preferred_element_type=f32) + bl2R_r[...]
        invd_r[...] = jnp.broadcast_to(1.0 / degc, (BR, 8))

    rb = lambda i: (i, 0)
    wb = lambda i: (0, 0)
    return pl.pallas_call(
        body,
        grid=(N // BR,),
        in_specs=[
            pl.BlockSpec((BR, D), rb),
            pl.BlockSpec((BR, DPA), rb),
            pl.BlockSpec((BR, DPA), rb),
            pl.BlockSpec((D, H), wb),
            pl.BlockSpec((1, H), wb),
            pl.BlockSpec((H, H), wb),
            pl.BlockSpec((1, H), wb),
            pl.BlockSpec((H, H), wb),
            pl.BlockSpec((H, OUT), wb),
            pl.BlockSpec((H, OUT), wb),
            pl.BlockSpec((1, OUT), wb),
        ],
        out_specs=[
            pl.BlockSpec((BR, OUT), rb),
            pl.BlockSpec((BR, OUT), rb),
            pl.BlockSpec((BR, 8), rb),
        ],
        out_shape=[
            jax.ShapeDtypeStruct((N, OUT), f32),
            jax.ShapeDtypeStruct((N, OUT), f32),
            jax.ShapeDtypeStruct((N, 8), f32),
        ],
    )(x, a0, a1, WeT, beR, Wl1T, bl1R, Wr1T, Wl2T, Wr2T, bl2R)


def _tc_fuse2(b0, b1a, invd, r2, batch2, W1T, b1R, W2T, b2R):
    BR = 1000
    NB = N // BR
    f32 = jnp.float32

    def body(b0_r, b1_r, invd_r, r2_r, bat_r, W1T_r, b1R_r, W2T_r, b2R_r,
             out_r, acc):
        i = pl.program_id(0)
        out2 = (b0_r[...] + b1_r[...]) * invd_r[:, 0:1] + r2_r[...]
        cols = lax.broadcasted_iota(jnp.int32, (BR, G), 1)
        oh = (bat_r[:, 0:1] == cols).astype(f32)
        contrib = lax.dot_general(
            oh, out2, (((0,), (0,)), ((), ())), preferred_element_type=f32
        )

        @pl.when(i == 0)
        def _():
            acc[...] = contrib

        @pl.when(i != 0)
        def _():
            acc[...] = acc[...] + contrib

        @pl.when(i == NB - 1)
        def _():
            pooled = acc[...]
            hid = jnp.maximum(
                jnp.dot(pooled, W1T_r[...], preferred_element_type=f32) + b1R_r[...],
                0.0,
            )
            out_r[...] = jnp.dot(hid, W2T_r[...], preferred_element_type=f32) + b2R_r[...]

    rb = lambda i: (i, 0)
    wb = lambda i: (0, 0)
    return pl.pallas_call(
        body,
        grid=(NB,),
        in_specs=[
            pl.BlockSpec((BR, OUT), rb),
            pl.BlockSpec((BR, OUT), rb),
            pl.BlockSpec((BR, 8), rb),
            pl.BlockSpec((BR, OUT), rb),
            pl.BlockSpec((BR, 8), rb),
            pl.BlockSpec((OUT, OUT), wb),
            pl.BlockSpec((1, OUT), wb),
            pl.BlockSpec((OUT, OUT), wb),
            pl.BlockSpec((1, OUT), wb),
        ],
        out_specs=pl.BlockSpec((G, OUT), wb),
        out_shape=jax.ShapeDtypeStruct((G, OUT), f32),
        scratch_shapes=[pltpu.VMEM((G, OUT), f32)],
    )(b0, b1a, invd, r2, batch2, W1T, b1R, W2T, b2R)


def kernel(x, edge_index, batch, We, be, Wl1, bl1, Wr1, Wl2, bl2, Wr2, W1, b1, W2, b2):
    f32 = jnp.float32
    src = edge_index[0]
    dst = edge_index[1]
    pad = EPAD - E
    srcp = jnp.concatenate([src, jnp.zeros((pad,), jnp.int32)]).reshape(
        EPAD // CHUNK, CHUNK
    )
    trash = N + jnp.arange(pad, dtype=jnp.int32) % (NR - N)
    dstp = jnp.concatenate([dst, trash]).reshape(EPAD // CHUNK, CHUNK)
    xa = jnp.concatenate(
        [x[:, : D // 2], jnp.ones((N, 1), f32), jnp.zeros((N, DPA - D // 2 - 1), f32)],
        axis=1,
    )
    xb = jnp.concatenate(
        [x[:, D // 2:], jnp.zeros((N, DPA - D // 2), f32)], axis=1
    )
    xs = jnp.stack([xa, xb])

    aggx2 = _sc_edge_agg(DPA, True)(xs, srcp, dstp, jnp.zeros((RPT, DPA), f32))
    a0 = aggx2[0, :N]
    a1 = aggx2[1, :N]

    p2, r2, invd = _tc_fuse1(
        x, a0, a1, We.T, be[None], Wl1.T, bl1[None], Wr1.T, Wl2.T, Wr2.T, bl2[None]
    )

    aggp2 = _sc_edge_agg(OUT, False)(p2, srcp, dstp, jnp.zeros((RPT, OUT), f32))
    b0 = aggp2[0, :N]
    b1a = aggp2[1, :N]

    batch2 = jnp.broadcast_to(batch[:, None], (N, 8))
    return _tc_fuse2(b0, b1a, invd, r2, batch2, W1.T, b1[None], W2.T, b2[None])

# --- scband reference (transcript-rebuilt; emitter-appended) ---
"""Pipeline reference for scband-graph-sage-43465069036218 (READ-ONLY COPY).

The authoritative reference and input builder live on the scoring server;
editing this copy changes nothing except your own understanding.
"""

import jax, jax.numpy as jnp
import numpy as np

N = 10000
E = 320000
D = 128
H = 128
OUT = 64
G = 64


def setup_inputs(seed: int = 0) -> dict:
    key = jax.random.key(seed)
    ks = jax.random.split(key, 16)
    x = jax.random.normal(ks[0], (N, D), dtype=jnp.float32)
    edge_index = jax.random.randint(ks[1], (2, E), 0, N, dtype=jnp.int32)
    batch = jnp.sort(jax.random.randint(ks[2], (N,), 0, G, dtype=jnp.int32))
    s_d = 1.0 / np.sqrt(D)
    s_h = 1.0 / np.sqrt(H)
    s_o = 1.0 / np.sqrt(OUT)
    We = jax.random.normal(ks[3], (H, D), dtype=jnp.float32) * s_d
    be = jnp.zeros((H,), dtype=jnp.float32)
    Wl1 = jax.random.normal(ks[4], (H, H), dtype=jnp.float32) * s_h
    bl1 = jnp.zeros((H,), dtype=jnp.float32)
    Wr1 = jax.random.normal(ks[5], (H, H), dtype=jnp.float32) * s_h
    Wl2 = jax.random.normal(ks[6], (OUT, H), dtype=jnp.float32) * s_h
    bl2 = jnp.zeros((OUT,), dtype=jnp.float32)
    Wr2 = jax.random.normal(ks[7], (OUT, H), dtype=jnp.float32) * s_h
    W1 = jax.random.normal(ks[8], (OUT, OUT), dtype=jnp.float32) * s_o
    b1 = jnp.zeros((OUT,), dtype=jnp.float32)
    W2 = jax.random.normal(ks[9], (OUT, OUT), dtype=jnp.float32) * s_o
    b2 = jnp.zeros((OUT,), dtype=jnp.float32)
    return {"x": x, "edge_index": edge_index, "batch": batch,
            "We": We, "be": be, "Wl1": Wl1, "bl1": bl1, "Wr1": Wr1,
            "Wl2": Wl2, "bl2": bl2, "Wr2": Wr2,
            "W1": W1, "b1": b1, "W2": W2, "b2": b2}


def _sage_conv(h, edge_index, Wl, bl, Wr):
    # PyG SAGEConv: out = lin_l(mean_aggr(x_j)) + lin_r(x_i), bias on lin_l
    src = edge_index[0]
    dst = edge_index[1]
    msg = jnp.take(h, src, axis=0)
    agg = jax.ops.segment_sum(msg, dst, num_segments=N)
    deg = jax.ops.segment_sum(jnp.ones((msg.shape[0],), dtype=h.dtype), dst, num_segments=N)
    mean = agg / jnp.clip(deg, 1.0, None)[:, None]
    return mean @ Wl.T + bl + h @ Wr.T


def reference(x, edge_index, batch, We, be, Wl1, bl1, Wr1, Wl2, bl2, Wr2, W1, b1, W2, b2):
    h = x @ We.T + be  # embedding layer
    h = _sage_conv(h, edge_index, Wl1, bl1, Wr1)
    h = jax.nn.relu(h)
    h = _sage_conv(h, edge_index, Wl2, bl2, Wr2)
    pooled = jax.ops.segment_sum(h, batch, num_segments=G)  # global_add_pool
    out = jax.nn.relu(pooled @ W1.T + b1)
    out = out @ W2.T + b2
    return out

if __name__ == "__main__":
    import jax
    _d = setup_inputs()
    print(jax.jit(kernel)(*tuple(_d.values())))

</pallas_src>

<mosaic_0001>
#map = affine_map<(d0, d1) -> (0, 0)>
#map1 = affine_map<(d0, d1) -> (0, 0, 0)>
module attributes {stable_mosaic.version = 14 : i64} {
  func.func @k(%arg0: i32, %arg1: i32, %arg2: memref<10000x64xf32, #tpu.memory_space<hbm>>, %arg3: memref<2560x128xi32, #tpu.memory_space<hbm>>, %arg4: memref<2560x128xi32, #tpu.memory_space<hbm>>, %arg5: memref<632x64xf32, #tpu.memory_space<hbm>>, %arg6: memref<2x10112x64xf32, #tpu.memory_space<hbm>>, %arg7: memref<3x4x128xi32, #tpu.memory_space<vmem>>, %arg8: memref<3x4x128xi32, #tpu.memory_space<vmem>>, %arg9: memref<2x4x128x64xf32, #tpu.memory_space<vmem>>, %arg10: memref<10112x64xf32, #tpu.memory_space<vmem_shared>>, %arg11: memref<3x2x!tpu.dma_semaphore, #tpu.memory_space<semaphore_mem>>, %arg12: memref<2x4x!tpu.dma_semaphore, #tpu.memory_space<semaphore_mem>>, %arg13: memref<2x4x!tpu.dma_semaphore, #tpu.memory_space<semaphore_mem>>) attributes {dimension_semantics = [#tpu.dimension_semantics<core_parallel>, #tpu.dimension_semantics<subcore_parallel>], iteration_bounds = array<i64: 2, 16>, scalar_prefetch = 0 : i64, scratch_operands = 7 : i64, tpu.core_type = #tpu.core_type<sc_vector_subcore>, window_params = [{transform_indices = #map}, {transform_indices = #map}, {transform_indices = #map}, {transform_indices = #map}, {transform_indices = #map1}]} {
    %mul3A = arith.constant 2 : i32
    %mul3A_0 = arith.muli %arg1, %mul3A : i32
    %sub3A = arith.constant 1 : i32
    %sub3A_1 = arith.subi %sub3A, %arg0 : i32
    %add3A = arith.addi %mul3A_0, %sub3A_1 : i32
    %mul3A_2 = arith.constant 80 : i32
    %mul3A_3 = arith.muli %add3A, %mul3A_2 : i32
    %mul3A_4 = arith.constant 632 : i32
    %mul3A_5 = arith.muli %arg1, %mul3A_4 : i32
    "tpu.region"() ({
      %run_scoped3A = tpu.sem_alloc : memref<!tpu.dma_semaphore, #tpu.memory_space<semaphore_mem>>
      %dma_start3A_194 = arith.constant 0 : i32
      %dma_start3A_195 = tpu.memref_slice %arg10[%mul3A_5, %dma_start3A_194] : memref<10112x64xf32, #tpu.memory_space<vmem_shared>> -> memref<632x64xf32, #tpu.memory_space<vmem_shared>>
      tpu.enqueue_dma source(%arg5 : memref<632x64xf32, #tpu.memory_space<hbm>>) target(%dma_start3A_195 : memref<632x64xf32, #tpu.memory_space<vmem_shared>>) target_semaphore(%run_scoped3A : memref<!tpu.dma_semaphore, #tpu.memory_space<semaphore_mem>>)
      %dma_wait3A_196 = arith.constant 0 : i32
      %dma_wait3A_197 = tpu.memref_slice %arg10[%mul3A_5, %dma_wait3A_196] : memref<10112x64xf32, #tpu.memory_space<vmem_shared>> -> memref<632x64xf32, #tpu.memory_space<vmem_shared>>
      tpu.wait_dma2 semaphore(%run_scoped3A : memref<!tpu.dma_semaphore, #tpu.memory_space<semaphore_mem>>) src(%arg5 : memref<632x64xf32, #tpu.memory_space<hbm>>) dst(%dma_wait3A_197 : memref<632x64xf32, #tpu.memory_space<vmem_shared>>)
      tpu.yield
    }) : () -> ()
    %barrier3A = arith.constant 0 : index
    tpu.barrier barrier_id(%barrier3A)
    %add3A_6 = arith.constant 0 : i32
    %add3A_7 = arith.addi %mul3A_3, %add3A_6 : i32
    %dma_start3A = arith.constant 0 : i32
    %dma_start3A_8 = arith.constant 0 : i32
    %dma_start3A_9 = arith.constant 0 : i32
    %dma_start3A_10 = arith.constant 0 : i32
    %dma_start3A_11 = arith.constant 0 : i32
    %dma_start3A_12 = tpu.memref_slice %arg7[%dma_start3A, %dma_start3A_10, %dma_start3A_11] : memref<3x4x128xi32, #tpu.memory_space<vmem>> -> memref<1x4x128xi32, #tpu.memory_space<vmem>>
    %dma_start3A_13 = tpu.memref_squeeze %dma_start3A_12 : memref<1x4x128xi32, #tpu.memory_space<vmem>> -> memref<4x128xi32, #tpu.memory_space<vmem>>
    %dma_start3A_14 = arith.constant 0 : i32
    %dma_start3A_15 = tpu.memref_slice %arg3[%add3A_7, %dma_start3A_14] : memref<2560x128xi32, #tpu.memory_space<hbm>> -> memref<4x128xi32, #tpu.memory_space<hbm>>
    %dma_start3A_16 = tpu.memref_slice %arg11[%dma_start3A_8, %dma_start3A_9] : memref<3x2x!tpu.dma_semaphore, #tpu.memory_space<semaphore_mem>> -> memref<1x1x!tpu.dma_semaphore, #tpu.memory_space<semaphore_mem>>
    %dma_start3A_17 = tpu.memref_squeeze %dma_start3A_16 : memref<1x1x!tpu.dma_semaphore, #tpu.memory_space<semaphore_mem>> -> memref<!tpu.dma_semaphore, #tpu.memory_space<semaphore_mem>>
    %dma_start3A_18 = arith.constant 0 : i32
    %dma_start3A_19 = arith.constant 0 : i32
    %dma_start3A_20 = tpu.memref_slice %arg7[%dma_start3A, %dma_start3A_18, %dma_start3A_19] : memref<3x4x128xi32, #tpu.memory_space<vmem>> -> memref<1x4x128xi32, #tpu.memory_space<vmem>>
    %dma_start3A_21 = tpu.memref_squeeze %dma_start3A_20 : memref<1x4x128xi32, #tpu.memory_space<vmem>> -> memref<4x128xi32, #tpu.memory_space<vmem>>
    %dma_start3A_22 = arith.constant 0 : i32
    %dma_start3A_23 = tpu.memref_slice %arg3[%add3A_7, %dma_start3A_22] : memref<2560x128xi32, #tpu.memory_space<hbm>> -> memref<4x128xi32, #tpu.memory_space<hbm>>
    tpu.enqueue_dma source(%dma_start3A_23 : memref<4x128xi32, #tpu.memory_space<hbm>>) target(%dma_start3A_21 : memref<4x128xi32, #tpu.memory_space<vmem>>) target_semaphore(%dma_start3A_17 : memref<!tpu.dma_semaphore, #tpu.memory_space<semaphore_mem>>)
    %dma_start3A_24 = arith.constant 0 : i32
    %dma_start3A_25 = arith.constant 0 : i32
    %dma_start3A_26 = arith.constant 1 : i32
    %dma_start3A_27 = arith.constant 0 : i32
    %dma_start3A_28 = arith.constant 0 : i32
    %dma_start3A_29 = tpu.memref_slice %arg8[%dma_start3A_24, %dma_start3A_27, %dma_start3A_28] : memref<3x4x128xi32, #tpu.memory_space<vmem>> -> memref<1x4x128xi32, #tpu.memory_space<vmem>>
    %dma_start3A_30 = tpu.memref_squeeze %dma_start3A_29 : memref<1x4x128xi32, #tpu.memory_space<vmem>> -> memref<4x128xi32, #tpu.memory_space<vmem>>
    %dma_start3A_31 = arith.constant 0 : i32
    %dma_start3A_32 = tpu.memref_slice %arg4[%add3A_7, %dma_start3A_31] : memref<2560x128xi32, #tpu.memory_space<hbm>> -> memref<4x128xi32, #tpu.memory_space<hbm>>
    %dma_start3A_33 = tpu.memref_slice %arg11[%dma_start3A_25, %dma_start3A_26] : memref<3x2x!tpu.dma_semaphore, #tpu.memory_space<semaphore_mem>> -> memref<1x1x!tpu.dma_semaphore, #tpu.memory_space<semaphore_mem>>
    %dma_start3A_34 = tpu.memref_squeeze %dma_start3A_33 : memref<1x1x!tpu.dma_semaphore, #tpu.memory_space<semaphore_mem>> -> memref<!tpu.dma_semaphore, #tpu.memory_space<semaphore_mem>>
    %dma_start3A_35 = arith.constant 0 : i32
    %dma_start3A_36 = arith.constant 0 : i32
    %dma_start3A_37 = tpu.memref_slice %arg8[%dma_start3A_24, %dma_start3A_35, %dma_start3A_36] : memref<3x4x128xi32, #tpu.memory_space<vmem>> -> memref<1x4x128xi32, #tpu.memory_space<vmem>>
    %dma_start3A_38 = tpu.memref_squeeze %dma_start3A_37 : memref<1x4x128xi32, #tpu.memory_space<vmem>> -> memref<4x128xi32, #tpu.memory_space<vmem>>
    %dma_start3A_39 = arith.constant 0 : i32
    %dma_start3A_40 = tpu.memref_slice %arg4[%add3A_7, %dma_start3A_39] : memref<2560x128xi32, #tpu.memory_space<hbm>> -> memref<4x128xi32, #tpu.memory_space<hbm>>
    tpu.enqueue_dma source(%dma_start3A_40 : memref<4x128xi32, #tpu.memory_space<hbm>>) target(%dma_start3A_38 : memref<4x128xi32, #tpu.memory_space<vmem>>) target_semaphore(%dma_start3A_34 : memref<!tpu.dma_semaphore, #tpu.memory_space<semaphore_mem>>)
    %scan3A = arith.constant 0 : i32
    %scan3A_41 = arith.constant 0 : i32
    %scan3A_42 = arith.constant 20 : i32
    %scan3A_43 = arith.addi %scan3A_41, %scan3A_42 : i32
    %scan3A_44 = arith.constant 1 : i32
    scf.for %scan3A_194 = %scan3A_41 to %scan3A_43 step %scan3A_44  : i32 {
      %rem3A = arith.constant 2 : i32
      %rem3A_195 = arith.remsi %scan3A_194, %rem3A : i32
      %rem3A_196 = arith.constant 3 : i32
      %rem3A_197 = arith.remsi %scan3A_194, %rem3A_196 : i32
      %ge3A = arith.constant 2 : i32
      %ge3A_198 = arith.cmpi sge, %scan3A_194, %ge3A : i32
      %convert_element_type3A = arith.extui %ge3A_198 : i1 to i32
      %cond3A = arith.constant 0 : i32
      %cond3A_199 = arith.cmpi ne, %convert_element_type3A, %cond3A : i32
      scf.if %cond3A_199 {
        %sub3A_418 = arith.constant 2 : i32
        %sub3A_419 = arith.subi %scan3A_194, %sub3A_418 : i32
        %rem3A_420 = arith.constant 3 : i32
        %rem3A_421 = arith.remsi %sub3A_419, %rem3A_420 : i32
        %dma_wait3A_422 = arith.constant 0 : i32
        %dma_wait3A_423 = arith.constant 0 : i32
        %dma_wait3A_424 = arith.constant 0 : i32
        %dma_wait3A_425 = arith.constant 0 : i32
        %dma_wait3A_426 = arith.constant 0 : i32
        %dma_wait3A_427 = tpu.memref_slice %arg9[%rem3A_195, %dma_wait3A_422, %dma_wait3A_425, %dma_wait3A_426] : memref<2x4x128x64xf32, #tpu.memory_space<vmem>> -> memref<1x1x128x64xf32, #tpu.memory_space<vmem>>
        %dma_wait3A_428 = tpu.memref_squeeze %dma_wait3A_427 : memref<1x1x128x64xf32, #tpu.memory_space<vmem>> -> memref<128x64xf32, #tpu.memory_space<vmem>>
        %dma_wait3A_429 = arith.constant 0 : i32
        %dma_wait3A_430 = tpu.memref_slice %arg8[%rem3A_421, %dma_wait3A_423, %dma_wait3A_429] : memref<3x4x128xi32, #tpu.memory_space<vmem>> -> memref<1x1x128xi32, #tpu.memory_space<vmem>>
        %dma_wait3A_431 = tpu.memref_squeeze %dma_wait3A_430 : memref<1x1x128xi32, #tpu.memory_space<vmem>> -> memref<128xi32, #tpu.memory_space<vmem>>
        %dma_wait3A_432 = arith.constant 0 : i32
        %dma_wait3A_433 = arith.constant 0 : i32
        %dma_wait3A_434 = tpu.memref_slice %arg10[%dma_wait3A_432, %dma_wait3A_433] : memref<10112x64xf32, #tpu.memory_space<vmem_shared>> -> memref<10112x64xf32, #tpu.memory_space<vmem_shared>>
        %dma_wait3A_435 = tpu.memref_slice %arg13[%rem3A_195, %dma_wait3A_424] : memref<2x4x!tpu.dma_semaphore, #tpu.memory_space<semaphore_mem>> -> memref<1x1x!tpu.dma_semaphore, #tpu.memory_space<semaphore_mem>>
        %dma_wait3A_436 = tpu.memref_squeeze %dma_wait3A_435 : memref<1x1x!tpu.dma_semaphore, #tpu.memory_space<semaphore_mem>> -> memref<!tpu.dma_semaphore, #tpu.memory_space<semaphore_mem>>
        tpu.wait_indirect_dma semaphore(%dma_wait3A_436 : memref<!tpu.dma_semaphore, #tpu.memory_space<semaphore_mem>>) src(%dma_wait3A_428 : memref<128x64xf32, #tpu.memory_space<vmem>>) dst(%dma_wait3A_434 : memref<10112x64xf32, #tpu.memory_space<vmem_shared>>)
        %dma_wait3A_437 = arith.constant 1 : i32
        %dma_wait3A_438 = arith.constant 1 : i32
        %dma_wait3A_439 = arith.constant 1 : i32
        %dma_wait3A_440 = arith.constant 0 : i32
        %dma_wait3A_441 = arith.constant 0 : i32
        %dma_wait3A_442 = tpu.memref_slice %arg9[%rem3A_195, %dma_wait3A_437, %dma_wait3A_440, %dma_wait3A_441] : memref<2x4x128x64xf32, #tpu.memory_space<vmem>> -> memref<1x1x128x64xf32, #tpu.memory_space<vmem>>
        %dma_wait3A_443 = tpu.memref_squeeze %dma_wait3A_442 : memref<1x1x128x64xf32, #tpu.memory_space<vmem>> -> memref<128x64xf32, #tpu.memory_space<vmem>>
        %dma_wait3A_444 = arith.constant 0 : i32
        %dma_wait3A_445 = tpu.memref_slice %arg8[%rem3A_421, %dma_wait3A_438, %dma_wait3A_444] : memref<3x4x128xi32, #tpu.memory_space<vmem>> -> memref<1x1x128xi32, #tpu.memory_space<vmem>>
        %dma_wait3A_446 = tpu.memref_squeeze %dma_wait3A_445 : memref<1x1x128xi32, #tpu.memory_space<vmem>> -> memref<128xi32, #tpu.memory_space<vmem>>
        %dma_wait3A_447 = arith.constant 0 : i32
        %dma_wait3A_448 = arith.constant 0 : i32
        %dma_wait3A_449 = tpu.memref_slice %arg10[%dma_wait3A_447, %dma_wait3A_448] : memref<10112x64xf32, #tpu.memory_space<vmem_shared>> -> memref<10112x64xf32, #tpu.memory_space<vmem_shared>>
        %dma_wait3A_450 = tpu.memref_slice %arg13[%rem3A_195, %dma_wait3A_439] : memref<2x4x!tpu.dma_semaphore, #tpu.memory_space<semaphore_mem>> -> memref<1x1x!tpu.dma_semaphore, #tpu.memory_space<semaphore_mem>>
        %dma_wait3A_451 = tpu.memref_squeeze %dma_wait3A_450 : memref<1x1x!tpu.dma_semaphore, #tpu.memory_space<semaphore_mem>> -> memref<!tpu.dma_semaphore, #tpu.memory_space<semaphore_mem>>
        tpu.wait_indirect_dma semaphore(%dma_wait3A_451 : memref<!tpu.dma_semaphore, #tpu.memory_space<semaphore_mem>>) src(%dma_wait3A_443 : memref<128x64xf32, #tpu.memory_space<vmem>>) dst(%dma_wait3A_449 : memref<10112x64xf32, #tpu.memory_space<vmem_shared>>)
        %dma_wait3A_452 = arith.constant 2 : i32
        %dma_wait3A_453 = arith.constant 2 : i32
        %dma_wait3A_454 = arith.constant 2 : i32
        %dma_wait3A_455 = arith.constant 0 : i32
        %dma_wait3A_456 = arith.constant 0 : i32
        %dma_wait3A_457 = tpu.memref_slice %arg9[%rem3A_195, %dma_wait3A_452, %dma_wait3A_455, %dma_wait3A_456] : memref<2x4x128x64xf32, #tpu.memory_space<vmem>> -> memref<1x1x128x64xf32, #tpu.memory_space<vmem>>
        %dma_wait3A_458 = tpu.memref_squeeze %dma_wait3A_457 : memref<1x1x128x64xf32, #tpu.memory_space<vmem>> -> memref<128x64xf32, #tpu.memory_space<vmem>>
        %dma_wait3A_459 = arith.constant 0 : i32
        %dma_wait3A_460 = tpu.memref_slice %arg8[%rem3A_421, %dma_wait3A_453, %dma_wait3A_459] : memref<3x4x128xi32, #tpu.memory_space<vmem>> -> memref<1x1x128xi32, #tpu.memory_space<vmem>>
        %dma_wait3A_461 = tpu.memref_squeeze %dma_wait3A_460 : memref<1x1x128xi32, #tpu.memory_space<vmem>> -> memref<128xi32, #tpu.memory_space<vmem>>
        %dma_wait3A_462 = arith.constant 0 : i32
        %dma_wait3A_463 = arith.constant 0 : i32
        %dma_wait3A_464 = tpu.memref_slice %arg10[%dma_wait3A_462, %dma_wait3A_463] : memref<10112x64xf32, #tpu.memory_space<vmem_shared>> -> memref<10112x64xf32, #tpu.memory_space<vmem_shared>>
        %dma_wait3A_465 = tpu.memref_slice %arg13[%rem3A_195, %dma_wait3A_454] : memref<2x4x!tpu.dma_semaphore, #tpu.memory_space<semaphore_mem>> -> memref<1x1x!tpu.dma_semaphore, #tpu.memory_space<semaphore_mem>>
        %dma_wait3A_466 = tpu.memref_squeeze %dma_wait3A_465 : memref<1x1x!tpu.dma_semaphore, #tpu.memory_space<semaphore_mem>> -> memref<!tpu.dma_semaphore, #tpu.memory_space<semaphore_mem>>
        tpu.wait_indirect_dma semaphore(%dma_wait3A_466 : memref<!tpu.dma_semaphore, #tpu.memory_space<semaphore_mem>>) src(%dma_wait3A_458 : memref<128x64xf32, #tpu.memory_space<vmem>>) dst(%dma_wait3A_464 : memref<10112x64xf32, #tpu.memory_space<vmem_shared>>)
        %dma_wait3A_467 = arith.constant 3 : i32
        %dma_wait3A_468 = arith.constant 3 : i32
        %dma_wait3A_469 = arith.constant 3 : i32
        %dma_wait3A_470 = arith.constant 0 : i32
        %dma_wait3A_471 = arith.constant 0 : i32
        %dma_wait3A_472 = tpu.memref_slice %arg9[%rem3A_195, %dma_wait3A_467, %dma_wait3A_470, %dma_wait3A_471] : memref<2x4x128x64xf32, #tpu.memory_space<vmem>> -> memref<1x1x128x64xf32, #tpu.memory_space<vmem>>
        %dma_wait3A_473 = tpu.memref_squeeze %dma_wait3A_472 : memref<1x1x128x64xf32, #tpu.memory_space<vmem>> -> memref<128x64xf32, #tpu.memory_space<vmem>>
        %dma_wait3A_474 = arith.constant 0 : i32
        %dma_wait3A_475 = tpu.memref_slice %arg8[%rem3A_421, %dma_wait3A_468, %dma_wait3A_474] : memref<3x4x128xi32, #tpu.memory_space<vmem>> -> memref<1x1x128xi32, #tpu.memory_space<vmem>>
        %dma_wait3A_476 = tpu.memref_squeeze %dma_wait3A_475 : memref<1x1x128xi32, #tpu.memory_space<vmem>> -> memref<128xi32, #tpu.memory_space<vmem>>
        %dma_wait3A_477 = arith.constant 0 : i32
        %dma_wait3A_478 = arith.constant 0 : i32
        %dma_wait3A_479 = tpu.memref_slice %arg10[%dma_wait3A_477, %dma_wait3A_478] : memref<10112x64xf32, #tpu.memory_space<vmem_shared>> -> memref<10112x64xf32, #tpu.memory_space<vmem_shared>>
        %dma_wait3A_480 = tpu.memref_slice %arg13[%rem3A_195, %dma_wait3A_469] : memref<2x4x!tpu.dma_semaphore, #tpu.memory_space<semaphore_mem>> -> memref<1x1x!tpu.dma_semaphore, #tpu.memory_space<semaphore_mem>>
        %dma_wait3A_481 = tpu.memref_squeeze %dma_wait3A_480 : memref<1x1x!tpu.dma_semaphore, #tpu.memory_space<semaphore_mem>> -> memref<!tpu.dma_semaphore, #tpu.memory_space<semaphore_mem>>
        tpu.wait_indirect_dma semaphore(%dma_wait3A_481 : memref<!tpu.dma_semaphore, #tpu.memory_space<semaphore_mem>>) src(%dma_wait3A_473 : memref<128x64xf32, #tpu.memory_space<vmem>>) dst(%dma_wait3A_479 : memref<10112x64xf32, #tpu.memory_space<vmem_shared>>)
      } else {
      }
      %dma_wait3A_200 = arith.constant 0 : i32
      %dma_wait3A_201 = arith.constant 0 : i32
      %dma_wait3A_202 = arith.constant 0 : i32
      %dma_wait3A_203 = tpu.memref_slice %arg7[%rem3A_197, %dma_wait3A_201, %dma_wait3A_202] : memref<3x4x128xi32, #tpu.memory_space<vmem>> -> memref<1x4x128xi32, #tpu.memory_space<vmem>>
      %dma_wait3A_204 = tpu.memref_squeeze %dma_wait3A_203 : memref<1x4x128xi32, #tpu.memory_space<vmem>> -> memref<4x128xi32, #tpu.memory_space<vmem>>
      %dma_wait3A_205 = arith.constant 0 : i32
      %dma_wait3A_206 = arith.constant 0 : i32
      %dma_wait3A_207 = tpu.memref_slice %arg3[%dma_wait3A_205, %dma_wait3A_206] : memref<2560x128xi32, #tpu.memory_space<hbm>> -> memref<4x128xi32, #tpu.memory_space<hbm>>
      %dma_wait3A_208 = tpu.memref_slice %arg11[%rem3A_197, %dma_wait3A_200] : memref<3x2x!tpu.dma_semaphore, #tpu.memory_space<semaphore_mem>> -> memref<1x1x!tpu.dma_semaphore, #tpu.memory_space<semaphore_mem>>
      %dma_wait3A_209 = tpu.memref_squeeze %dma_wait3A_208 : memref<1x1x!tpu.dma_semaphore, #tpu.memory_space<semaphore_mem>> -> memref<!tpu.dma_semaphore, #tpu.memory_space<semaphore_mem>>
      %dma_wait3A_210 = arith.constant 0 : i32
      %dma_wait3A_211 = arith.constant 0 : i32
      %dma_wait3A_212 = tpu.memref_slice %arg7[%rem3A_197, %dma_wait3A_210, %dma_wait3A_211] : memref<3x4x128xi32, #tpu.memory_space<vmem>> -> memref<1x4x128xi32, #tpu.memory_space<vmem>>
      %dma_wait3A_213 = tpu.memref_squeeze %dma_wait3A_212 : memref<1x4x128xi32, #tpu.memory_space<vmem>> -> memref<4x128xi32, #tpu.memory_space<vmem>>
      %dma_wait3A_214 = arith.constant 0 : i32
      %dma_wait3A_215 = arith.constant 0 : i32
      %dma_wait3A_216 = tpu.memref_slice %arg3[%dma_wait3A_214, %dma_wait3A_215] : memref<2560x128xi32, #tpu.memory_space<hbm>> -> memref<4x128xi32, #tpu.memory_space<hbm>>
      tpu.wait_dma2 semaphore(%dma_wait3A_209 : memref<!tpu.dma_semaphore, #tpu.memory_space<semaphore_mem>>) src(%dma_wait3A_216 : memref<4x128xi32, #tpu.memory_space<hbm>>) dst(%dma_wait3A_213 : memref<4x128xi32, #tpu.memory_space<vmem>>)
      %dma_wait3A_217 = arith.constant 1 : i32
      %dma_wait3A_218 = arith.constant 0 : i32
      %dma_wait3A_219 = arith.constant 0 : i32
      %dma_wait3A_220 = tpu.memref_slice %arg8[%rem3A_197, %dma_wait3A_218, %dma_wait3A_219] : memref<3x4x128xi32, #tpu.memory_space<vmem>> -> memref<1x4x128xi32, #tpu.memory_space<vmem>>
      %dma_wait3A_221 = tpu.memref_squeeze %dma_wait3A_220 : memref<1x4x128xi32, #tpu.memory_space<vmem>> -> memref<4x128xi32, #tpu.memory_space<vmem>>
      %dma_wait3A_222 = arith.constant 0 : i32
      %dma_wait3A_223 = arith.constant 0 : i32
      %dma_wait3A_224 = tpu.memref_slice %arg4[%dma_wait3A_222, %dma_wait3A_223] : memref<2560x128xi32, #tpu.memory_space<hbm>> -> memref<4x128xi32, #tpu.memory_space<hbm>>
      %dma_wait3A_225 = tpu.memref_slice %arg11[%rem3A_197, %dma_wait3A_217] : memref<3x2x!tpu.dma_semaphore, #tpu.memory_space<semaphore_mem>> -> memref<1x1x!tpu.dma_semaphore, #tpu.memory_space<semaphore_mem>>
      %dma_wait3A_226 = tpu.memref_squeeze %dma_wait3A_225 : memref<1x1x!tpu.dma_semaphore, #tpu.memory_space<semaphore_mem>> -> memref<!tpu.dma_semaphore, #tpu.memory_space<semaphore_mem>>
      %dma_wait3A_227 = arith.constant 0 : i32
      %dma_wait3A_228 = arith.constant 0 : i32
      %dma_wait3A_229 = tpu.memref_slice %arg8[%rem3A_197, %dma_wait3A_227, %dma_wait3A_228] : memref<3x4x128xi32, #tpu.memory_space<vmem>> -> memref<1x4x128xi32, #tpu.memory_space<vmem>>
      %dma_wait3A_230 = tpu.memref_squeeze %dma_wait3A_229 : memref<1x4x128xi32, #tpu.memory_space<vmem>> -> memref<4x128xi32, #tpu.memory_space<vmem>>
      %dma_wait3A_231 = arith.constant 0 : i32
      %dma_wait3A_232 = arith.constant 0 : i32
      %dma_wait3A_233 = tpu.memref_slice %arg4[%dma_wait3A_231, %dma_wait3A_232] : memref<2560x128xi32, #tpu.memory_space<hbm>> -> memref<4x128xi32, #tpu.memory_space<hbm>>
      tpu.wait_dma2 semaphore(%dma_wait3A_226 : memref<!tpu.dma_semaphore, #tpu.memory_space<semaphore_mem>>) src(%dma_wait3A_233 : memref<4x128xi32, #tpu.memory_space<hbm>>) dst(%dma_wait3A_230 : memref<4x128xi32, #tpu.memory_space<vmem>>)
      %lt3A = arith.constant 19 : i32
      %lt3A_234 = arith.cmpi slt, %scan3A_194, %lt3A : i32
      %convert_element_type3A_235 = arith.extui %lt3A_234 : i1 to i32
      %cond3A_236 = arith.constant 0 : i32
      %cond3A_237 = arith.cmpi ne, %convert_element_type3A_235, %cond3A_236 : i32
      scf.if %cond3A_237 {
        %add3A_418 = arith.constant 1 : i32
        %add3A_419 = arith.addi %scan3A_194, %add3A_418 : i32
        %add3A_420 = arith.constant 1 : i32
        %add3A_421 = arith.addi %scan3A_194, %add3A_420 : i32
        %rem3A_422 = arith.constant 3 : i32
        %rem3A_423 = arith.remsi %add3A_421, %rem3A_422 : i32
        %mul3A_424 = arith.constant 4 : i32
        %mul3A_425 = arith.muli %add3A_419, %mul3A_424 : i32
        %add3A_426 = arith.addi %mul3A_3, %mul3A_425 : i32
        %dma_start3A_427 = arith.constant 0 : i32
        %dma_start3A_428 = arith.constant 0 : i32
        %dma_start3A_429 = arith.constant 0 : i32
        %dma_start3A_430 = tpu.memref_slice %arg7[%rem3A_423, %dma_start3A_428, %dma_start3A_429] : memref<3x4x128xi32, #tpu.memory_space<vmem>> -> memref<1x4x128xi32, #tpu.memory_space<vmem>>
        %dma_start3A_431 = tpu.memref_squeeze %dma_start3A_430 : memref<1x4x128xi32, #tpu.memory_space<vmem>> -> memref<4x128xi32, #tpu.memory_space<vmem>>
        %dma_start3A_432 = arith.constant 0 : i32
        %dma_start3A_433 = tpu.memref_slice %arg3[%add3A_426, %dma_start3A_432] : memref<2560x128xi32, #tpu.memory_space<hbm>> -> memref<4x128xi32, #tpu.memory_space<hbm>>
        %dma_start3A_434 = tpu.memref_slice %arg11[%rem3A_423, %dma_start3A_427] : memref<3x2x!tpu.dma_semaphore, #tpu.memory_space<semaphore_mem>> -> memref<1x1x!tpu.dma_semaphore, #tpu.memory_space<semaphore_mem>>
        %dma_start3A_435 = tpu.memref_squeeze %dma_start3A_434 : memref<1x1x!tpu.dma_semaphore, #tpu.memory_space<semaphore_mem>> -> memref<!tpu.dma_semaphore, #tpu.memory_space<semaphore_mem>>
        %dma_start3A_436 = arith.constant 0 : i32
        %dma_start3A_437 = arith.constant 0 : i32
        %dma_start3A_438 = tpu.memref_slice %arg7[%rem3A_423, %dma_start3A_436, %dma_start3A_437] : memref<3x4x128xi32, #tpu.memory_space<vmem>> -> memref<1x4x128xi32, #tpu.memory_space<vmem>>
        %dma_start3A_439 = tpu.memref_squeeze %dma_start3A_438 : memref<1x4x128xi32, #tpu.memory_space<vmem>> -> memref<4x128xi32, #tpu.memory_space<vmem>>
        %dma_start3A_440 = arith.constant 0 : i32
        %dma_start3A_441 = tpu.memref_slice %arg3[%add3A_426, %dma_start3A_440] : memref<2560x128xi32, #tpu.memory_space<hbm>> -> memref<4x128xi32, #tpu.memory_space<hbm>>
        tpu.enqueue_dma source(%dma_start3A_441 : memref<4x128xi32, #tpu.memory_space<hbm>>) target(%dma_start3A_439 : memref<4x128xi32, #tpu.memory_space<vmem>>) target_semaphore(%dma_start3A_435 : memref<!tpu.dma_semaphore, #tpu.memory_space<semaphore_mem>>)
        %dma_start3A_442 = arith.constant 1 : i32
        %dma_start3A_443 = arith.constant 0 : i32
        %dma_start3A_444 = arith.constant 0 : i32
        %dma_start3A_445 = tpu.memref_slice %arg8[%rem3A_423, %dma_start3A_443, %dma_start3A_444] : memref<3x4x128xi32, #tpu.memory_space<vmem>> -> memref<1x4x128xi32, #tpu.memory_space<vmem>>
        %dma_start3A_446 = tpu.memref_squeeze %dma_start3A_445 : memref<1x4x128xi32, #tpu.memory_space<vmem>> -> memref<4x128xi32, #tpu.memory_space<vmem>>
        %dma_start3A_447 = arith.constant 0 : i32
        %dma_start3A_448 = tpu.memref_slice %arg4[%add3A_426, %dma_start3A_447] : memref<2560x128xi32, #tpu.memory_space<hbm>> -> memref<4x128xi32, #tpu.memory_space<hbm>>
        %dma_start3A_449 = tpu.memref_slice %arg11[%rem3A_423, %dma_start3A_442] : memref<3x2x!tpu.dma_semaphore, #tpu.memory_space<semaphore_mem>> -> memref<1x1x!tpu.dma_semaphore, #tpu.memory_space<semaphore_mem>>
        %dma_start3A_450 = tpu.memref_squeeze %dma_start3A_449 : memref<1x1x!tpu.dma_semaphore, #tpu.memory_space<semaphore_mem>> -> memref<!tpu.dma_semaphore, #tpu.memory_space<semaphore_mem>>
        %dma_start3A_451 = arith.constant 0 : i32
        %dma_start3A_452 = arith.constant 0 : i32
        %dma_start3A_453 = tpu.memref_slice %arg8[%rem3A_423, %dma_start3A_451, %dma_start3A_452] : memref<3x4x128xi32, #tpu.memory_space<vmem>> -> memref<1x4x128xi32, #tpu.memory_space<vmem>>
        %dma_start3A_454 = tpu.memref_squeeze %dma_start3A_453 : memref<1x4x128xi32, #tpu.memory_space<vmem>> -> memref<4x128xi32, #tpu.memory_space<vmem>>
        %dma_start3A_455 = arith.constant 0 : i32
        %dma_start3A_456 = tpu.memref_slice %arg4[%add3A_426, %dma_start3A_455] : memref<2560x128xi32, #tpu.memory_space<hbm>> -> memref<4x128xi32, #tpu.memory_space<hbm>>
        tpu.enqueue_dma source(%dma_start3A_456 : memref<4x128xi32, #tpu.memory_space<hbm>>) target(%dma_start3A_454 : memref<4x128xi32, #tpu.memory_space<vmem>>) target_semaphore(%dma_start3A_450 : memref<!tpu.dma_semaphore, #tpu.memory_space<semaphore_mem>>)
      } else {
      }
      %dma_start3A_238 = arith.constant 0 : i32
      %dma_start3A_239 = arith.constant 0 : i32
      %dma_start3A_240 = arith.constant 0 : i32
      %dma_start3A_241 = arith.constant 0 : i32
      %dma_start3A_242 = arith.constant 0 : i32
      %dma_start3A_243 = tpu.memref_slice %arg9[%rem3A_195, %dma_start3A_239, %dma_start3A_241, %dma_start3A_242] : memref<2x4x128x64xf32, #tpu.memory_space<vmem>> -> memref<1x1x128x64xf32, #tpu.memory_space<vmem>>
      %dma_start3A_244 = tpu.memref_squeeze %dma_start3A_243 : memref<1x1x128x64xf32, #tpu.memory_space<vmem>> -> memref<128x64xf32, #tpu.memory_space<vmem>>
      %dma_start3A_245 = arith.constant 0 : i32
      %dma_start3A_246 = tpu.memref_slice %arg7[%rem3A_197, %dma_start3A_238, %dma_start3A_245] : memref<3x4x128xi32, #tpu.memory_space<vmem>> -> memref<1x1x128xi32, #tpu.memory_space<vmem>>
      %dma_start3A_247 = tpu.memref_squeeze %dma_start3A_246 : memref<1x1x128xi32, #tpu.memory_space<vmem>> -> memref<128xi32, #tpu.memory_space<vmem>>
      %dma_start3A_248 = arith.constant 0 : i32
      %dma_start3A_249 = arith.constant 0 : i32
      %dma_start3A_250 = tpu.memref_slice %arg2[%dma_start3A_248, %dma_start3A_249] : memref<10000x64xf32, #tpu.memory_space<hbm>> -> memref<10000x64xf32, #tpu.memory_space<hbm>>
      %dma_start3A_251 = tpu.memref_slice %arg12[%rem3A_195, %dma_start3A_240] : memref<2x4x!tpu.dma_semaphore, #tpu.memory_space<semaphore_mem>> -> memref<1x1x!tpu.dma_semaphore, #tpu.memory_space<semaphore_mem>>
      %dma_start3A_252 = tpu.memref_squeeze %dma_start3A_251 : memref<1x1x!tpu.dma_semaphore, #tpu.memory_space<semaphore_mem>> -> memref<!tpu.dma_semaphore, #tpu.memory_space<semaphore_mem>>
      tpu.enqueue_indirect_dma source(%dma_start3A_250 : memref<10000x64xf32, #tpu.memory_space<hbm>>) target(%dma_start3A_244 : memref<128x64xf32, #tpu.memory_space<vmem>>) offsets(%dma_start3A_247 : memref<128xi32, #tpu.memory_space<vmem>>) semaphore(%dma_start3A_252 : memref<!tpu.dma_semaphore, #tpu.memory_space<semaphore_mem>>)
      %dma_start3A_253 = arith.constant 1 : i32
      %dma_start3A_254 = arith.constant 1 : i32
      %dma_start3A_255 = arith.constant 1 : i32
      %dma_start3A_256 = arith.constant 0 : i32
      %dma_start3A_257 = arith.constant 0 : i32
      %dma_start3A_258 = tpu.memref_slice %arg9[%rem3A_195, %dma_start3A_254, %dma_start3A_256, %dma_start3A_257] : memref<2x4x128x64xf32, #tpu.memory_space<vmem>> -> memref<1x1x128x64xf32, #tpu.memory_space<vmem>>
      %dma_start3A_259 = tpu.memref_squeeze %dma_start3A_258 : memref<1x1x128x64xf32, #tpu.memory_space<vmem>> -> memref<128x64xf32, #tpu.memory_space<vmem>>
      %dma_start3A_260 = arith.constant 0 : i32
      %dma_start3A_261 = tpu.memref_slice %arg7[%rem3A_197, %dma_start3A_253, %dma_start3A_260] : memref<3x4x128xi32, #tpu.memory_space<vmem>> -> memref<1x1x128xi32, #tpu.memory_space<vmem>>
      %dma_start3A_262 = tpu.memref_squeeze %dma_start3A_261 : memref<1x1x128xi32, #tpu.memory_space<vmem>> -> memref<128xi32, #tpu.memory_space<vmem>>
      %dma_start3A_263 = arith.constant 0 : i32
      %dma_start3A_264 = arith.constant 0 : i32
      %dma_start3A_265 = tpu.memref_slice %arg2[%dma_start3A_263, %dma_start3A_264] : memref<10000x64xf32, #tpu.memory_space<hbm>> -> memref<10000x64xf32, #tpu.memory_space<hbm>>
      %dma_start3A_266 = tpu.memref_slice %arg12[%rem3A_195, %dma_start3A_255] : memref<2x4x!tpu.dma_semaphore, #tpu.memory_space<semaphore_mem>> -> memref<1x1x!tpu.dma_semaphore, #tpu.memory_space<semaphore_mem>>
      %dma_start3A_267 = tpu.memref_squeeze %dma_start3A_266 : memref<1x1x!tpu.dma_semaphore, #tpu.memory_space<semaphore_mem>> -> memref<!tpu.dma_semaphore, #tpu.memory_space<semaphore_mem>>
      tpu.enqueue_indirect_dma source(%dma_start3A_265 : memref<10000x64xf32, #tpu.memory_space<hbm>>) target(%dma_start3A_259 : memref<128x64xf32, #tpu.memory_space<vmem>>) offsets(%dma_start3A_262 : memref<128xi32, #tpu.memory_space<vmem>>) semaphore(%dma_start3A_267 : memref<!tpu.dma_semaphore, #tpu.memory_space<semaphore_mem>>)
      %dma_start3A_268 = arith.constant 2 : i32
      %dma_start3A_269 = arith.constant 2 : i32
      %dma_start3A_270 = arith.constant 2 : i32
      %dma_start3A_271 = arith.constant 0 : i32
      %dma_start3A_272 = arith.constant 0 : i32
      %dma_start3A_273 = tpu.memref_slice %arg9[%rem3A_195, %dma_start3A_269, %dma_start3A_271, %dma_start3A_272] : memref<2x4x128x64xf32, #tpu.memory_space<vmem>> -> memref<1x1x128x64xf32, #tpu.memory_space<vmem>>
      %dma_start3A_274 = tpu.memref_squeeze %dma_start3A_273 : memref<1x1x128x64xf32, #tpu.memory_space<vmem>> -> memref<128x64xf32, #tpu.memory_space<vmem>>
      %dma_start3A_275 = arith.constant 0 : i32
      %dma_start3A_276 = tpu.memref_slice %arg7[%rem3A_197, %dma_start3A_268, %dma_start3A_275] : memref<3x4x128xi32, #tpu.memory_space<vmem>> -> memref<1x1x128xi32, #tpu.memory_space<vmem>>
      %dma_start3A_277 = tpu.memref_squeeze %dma_start3A_276 : memref<1x1x128xi32, #tpu.memory_space<vmem>> -> memref<128xi32, #tpu.memory_space<vmem>>
      %dma_start3A_278 = arith.constant 0 : i32
      %dma_start3A_279 = arith.constant 0 : i32
      %dma_start3A_280 = tpu.memref_slice %arg2[%dma_start3A_278, %dma_start3A_279] : memref<10000x64xf32, #tpu.memory_space<hbm>> -> memref<10000x64xf32, #tpu.memory_space<hbm>>
      %dma_start3A_281 = tpu.memref_slice %arg12[%rem3A_195, %dma_start3A_270] : memref<2x4x!tpu.dma_semaphore, #tpu.memory_space<semaphore_mem>> -> memref<1x1x!tpu.dma_semaphore, #tpu.memory_space<semaphore_mem>>
      %dma_start3A_282 = tpu.memref_squeeze %dma_start3A_281 : memref<1x1x!tpu.dma_semaphore, #tpu.memory_space<semaphore_mem>> -> memref<!tpu.dma_semaphore, #tpu.memory_space<semaphore_mem>>
      tpu.enqueue_indirect_dma source(%dma_start3A_280 : memref<10000x64xf32, #tpu.memory_space<hbm>>) target(%dma_start3A_274 : memref<128x64xf32, #tpu.memory_space<vmem>>) offsets(%dma_start3A_277 : memref<128xi32, #tpu.memory_space<vmem>>) semaphore(%dma_start3A_282 : memref<!tpu.dma_semaphore, #tpu.memory_space<semaphore_mem>>)
      %dma_start3A_283 = arith.constant 3 : i32
      %dma_start3A_284 = arith.constant 3 : i32
      %dma_start3A_285 = arith.constant 3 : i32
      %dma_start3A_286 = arith.constant 0 : i32
      %dma_start3A_287 = arith.constant 0 : i32
      %dma_start3A_288 = tpu.memref_slice %arg9[%rem3A_195, %dma_start3A_284, %dma_start3A_286, %dma_start3A_287] : memref<2x4x128x64xf32, #tpu.memory_space<vmem>> -> memref<1x1x128x64xf32, #tpu.memory_space<vmem>>
      %dma_start3A_289 = tpu.memref_squeeze %dma_start3A_288 : memref<1x1x128x64xf32, #tpu.memory_space<vmem>> -> memref<128x64xf32, #tpu.memory_space<vmem>>
      %dma_start3A_290 = arith.constant 0 : i32
      %dma_start3A_291 = tpu.memref_slice %arg7[%rem3A_197, %dma_start3A_283, %dma_start3A_290] : memref<3x4x128xi32, #tpu.memory_space<vmem>> -> memref<1x1x128xi32, #tpu.memory_space<vmem>>
      %dma_start3A_292 = tpu.memref_squeeze %dma_start3A_291 : memref<1x1x128xi32, #tpu.memory_space<vmem>> -> memref<128xi32, #tpu.memory_space<vmem>>
      %dma_start3A_293 = arith.constant 0 : i32
      %dma_start3A_294 = arith.constant 0 : i32
      %dma_start3A_295 = tpu.memref_slice %arg2[%dma_start3A_293, %dma_start3A_294] : memref<10000x64xf32, #tpu.memory_space<hbm>> -> memref<10000x64xf32, #tpu.memory_space<hbm>>
      %dma_start3A_296 = tpu.memref_slice %arg12[%rem3A_195, %dma_start3A_285] : memref<2x4x!tpu.dma_semaphore, #tpu.memory_space<semaphore_mem>> -> memref<1x1x!tpu.dma_semaphore, #tpu.memory_space<semaphore_mem>>
      %dma_start3A_297 = tpu.memref_squeeze %dma_start3A_296 : memref<1x1x!tpu.dma_semaphore, #tpu.memory_space<semaphore_mem>> -> memref<!tpu.dma_semaphore, #tpu.memory_space<semaphore_mem>>
      tpu.enqueue_indirect_dma source(%dma_start3A_295 : memref<10000x64xf32, #tpu.memory_space<hbm>>) target(%dma_start3A_289 : memref<128x64xf32, #tpu.memory_space<vmem>>) offsets(%dma_start3A_292 : memref<128xi32, #tpu.memory_space<vmem>>) semaphore(%dma_start3A_297 : memref<!tpu.dma_semaphore, #tpu.memory_space<semaphore_mem>>)
      %dma_wait3A_298 = arith.constant 0 : i32
      %dma_wait3A_299 = arith.constant 0 : i32
      %dma_wait3A_300 = arith.constant 0 : i32
      %dma_wait3A_301 = arith.constant 0 : i32
      %dma_wait3A_302 = arith.constant 0 : i32
      %dma_wait3A_303 = tpu.memref_slice %arg9[%rem3A_195, %dma_wait3A_299, %dma_wait3A_301, %dma_wait3A_302] : memref<2x4x128x64xf32, #tpu.memory_space<vmem>> -> memref<1x1x128x64xf32, #tpu.memory_space<vmem>>
      %dma_wait3A_304 = tpu.memref_squeeze %dma_wait3A_303 : memref<1x1x128x64xf32, #tpu.memory_space<vmem>> -> memref<128x64xf32, #tpu.memory_space<vmem>>
      %dma_wait3A_305 = arith.constant 0 : i32
      %dma_wait3A_306 = tpu.memref_slice %arg7[%rem3A_197, %dma_wait3A_298, %dma_wait3A_305] : memref<3x4x128xi32, #tpu.memory_space<vmem>> -> memref<1x1x128xi32, #tpu.memory_space<vmem>>
      %dma_wait3A_307 = tpu.memref_squeeze %dma_wait3A_306 : memref<1x1x128xi32, #tpu.memory_space<vmem>> -> memref<128xi32, #tpu.memory_space<vmem>>
      %dma_wait3A_308 = arith.constant 0 : i32
      %dma_wait3A_309 = arith.constant 0 : i32
      %dma_wait3A_310 = tpu.memref_slice %arg2[%dma_wait3A_308, %dma_wait3A_309] : memref<10000x64xf32, #tpu.memory_space<hbm>> -> memref<10000x64xf32, #tpu.memory_space<hbm>>
      %dma_wait3A_311 = tpu.memref_slice %arg12[%rem3A_195, %dma_wait3A_300] : memref<2x4x!tpu.dma_semaphore, #tpu.memory_space<semaphore_mem>> -> memref<1x1x!tpu.dma_semaphore, #tpu.memory_space<semaphore_mem>>
      %dma_wait3A_312 = tpu.memref_squeeze %dma_wait3A_311 : memref<1x1x!tpu.dma_semaphore, #tpu.memory_space<semaphore_mem>> -> memref<!tpu.dma_semaphore, #tpu.memory_space<semaphore_mem>>
      tpu.wait_indirect_dma semaphore(%dma_wait3A_312 : memref<!tpu.dma_semaphore, #tpu.memory_space<semaphore_mem>>) src(%dma_wait3A_310 : memref<10000x64xf32, #tpu.memory_space<hbm>>) dst(%dma_wait3A_304 : memref<128x64xf32, #tpu.memory_space<vmem>>)
      %dma_start3A_313 = arith.constant 0 : i32
      %dma_start3A_314 = arith.constant 0 : i32
      %dma_start3A_315 = arith.constant 0 : i32
      %dma_start3A_316 = arith.constant 0 : i32
      %dma_start3A_317 = arith.constant 0 : i32
      %dma_start3A_318 = tpu.memref_slice %arg9[%rem3A_195, %dma_start3A_313, %dma_start3A_316, %dma_start3A_317] : memref<2x4x128x64xf32, #tpu.memory_space<vmem>> -> memref<1x1x128x64xf32, #tpu.memory_space<vmem>>
      %dma_start3A_319 = tpu.memref_squeeze %dma_start3A_318 : memref<1x1x128x64xf32, #tpu.memory_space<vmem>> -> memref<128x64xf32, #tpu.memory_space<vmem>>
      %dma_start3A_320 = arith.constant 0 : i32
      %dma_start3A_321 = tpu.memref_slice %arg8[%rem3A_197, %dma_start3A_314, %dma_start3A_320] : memref<3x4x128xi32, #tpu.memory_space<vmem>> -> memref<1x1x128xi32, #tpu.memory_space<vmem>>
      %dma_start3A_322 = tpu.memref_squeeze %dma_start3A_321 : memref<1x1x128xi32, #tpu.memory_space<vmem>> -> memref<128xi32, #tpu.memory_space<vmem>>
      %dma_start3A_323 = arith.constant 0 : i32
      %dma_start3A_324 = arith.constant 0 : i32
      %dma_start3A_325 = tpu.memref_slice %arg10[%dma_start3A_323, %dma_start3A_324] : memref<10112x64xf32, #tpu.memory_space<vmem_shared>> -> memref<10112x64xf32, #tpu.memory_space<vmem_shared>>
      %dma_start3A_326 = tpu.memref_slice %arg13[%rem3A_195, %dma_start3A_315] : memref<2x4x!tpu.dma_semaphore, #tpu.memory_space<semaphore_mem>> -> memref<1x1x!tpu.dma_semaphore, #tpu.memory_space<semaphore_mem>>
      %dma_start3A_327 = tpu.memref_squeeze %dma_start3A_326 : memref<1x1x!tpu.dma_semaphore, #tpu.memory_space<semaphore_mem>> -> memref<!tpu.dma_semaphore, #tpu.memory_space<semaphore_mem>>
      tpu.enqueue_indirect_dma source(%dma_start3A_319 : memref<128x64xf32, #tpu.memory_space<vmem>>) target(%dma_start3A_325 : memref<10112x64xf32, #tpu.memory_space<vmem_shared>>) offsets(%dma_start3A_322 : memref<128xi32, #tpu.memory_space<vmem>>) semaphore(%dma_start3A_327 : memref<!tpu.dma_semaphore, #tpu.memory_space<semaphore_mem>>) {add = true}
      %dma_wait3A_328 = arith.constant 1 : i32
      %dma_wait3A_329 = arith.constant 1 : i32
      %dma_wait3A_330 = arith.constant 1 : i32
      %dma_wait3A_331 = arith.constant 0 : i32
      %dma_wait3A_332 = arith.constant 0 : i32
      %dma_wait3A_333 = tpu.memref_slice %arg9[%rem3A_195, %dma_wait3A_329, %dma_wait3A_331, %dma_wait3A_332] : memref<2x4x128x64xf32, #tpu.memory_space<vmem>> -> memref<1x1x128x64xf32, #tpu.memory_space<vmem>>
      %dma_wait3A_334 = tpu.memref_squeeze %dma_wait3A_333 : memref<1x1x128x64xf32, #tpu.memory_space<vmem>> -> memref<128x64xf32, #tpu.memory_space<vmem>>
      %dma_wait3A_335 = arith.constant 0 : i32
      %dma_wait3A_336 = tpu.memref_slice %arg7[%rem3A_197, %dma_wait3A_328, %dma_wait3A_335] : memref<3x4x128xi32, #tpu.memory_space<vmem>> -> memref<1x1x128xi32, #tpu.memory_space<vmem>>
      %dma_wait3A_337 = tpu.memref_squeeze %dma_wait3A_336 : memref<1x1x128xi32, #tpu.memory_space<vmem>> -> memref<128xi32, #tpu.memory_space<vmem>>
      %dma_wait3A_338 = arith.constant 0 : i32
      %dma_wait3A_339 = arith.constant 0 : i32
      %dma_wait3A_340 = tpu.memref_slice %arg2[%dma_wait3A_338, %dma_wait3A_339] : memref<10000x64xf32, #tpu.memory_space<hbm>> -> memref<10000x64xf32, #tpu.memory_space<hbm>>
      %dma_wait3A_341 = tpu.memref_slice %arg12[%rem3A_195, %dma_wait3A_330] : memref<2x4x!tpu.dma_semaphore, #tpu.memory_space<semaphore_mem>> -> memref<1x1x!tpu.dma_semaphore, #tpu.memory_space<semaphore_mem>>
      %dma_wait3A_342 = tpu.memref_squeeze %dma_wait3A_341 : memref<1x1x!tpu.dma_semaphore, #tpu.memory_space<semaphore_mem>> -> memref<!tpu.dma_semaphore, #tpu.memory_space<semaphore_mem>>
      tpu.wait_indirect_dma semaphore(%dma_wait3A_342 : memref<!tpu.dma_semaphore, #tpu.memory_space<semaphore_mem>>) src(%dma_wait3A_340 : memref<10000x64xf32, #tpu.memory_space<hbm>>) dst(%dma_wait3A_334 : memref<128x64xf32, #tpu.memory_space<vmem>>)
      %dma_start3A_343 = arith.constant 1 : i32
      %dma_start3A_344 = arith.constant 1 : i32
      %dma_start3A_345 = arith.constant 1 : i32
      %dma_start3A_346 = arith.constant 0 : i32
      %dma_start3A_347 = arith.constant 0 : i32
      %dma_start3A_348 = tpu.memref_slice %arg9[%rem3A_195, %dma_start3A_343, %dma_start3A_346, %dma_start3A_347] : memref<2x4x128x64xf32, #tpu.memory_space<vmem>> -> memref<1x1x128x64xf32, #tpu.memory_space<vmem>>
      %dma_start3A_349 = tpu.memref_squeeze %dma_start3A_348 : memref<1x1x128x64xf32, #tpu.memory_space<vmem>> -> memref<128x64xf32, #tpu.memory_space<vmem>>
      %dma_start3A_350 = arith.constant 0 : i32
      %dma_start3A_351 = tpu.memref_slice %arg8[%rem3A_197, %dma_start3A_344, %dma_start3A_350] : memref<3x4x128xi32, #tpu.memory_space<vmem>> -> memref<1x1x128xi32, #tpu.memory_space<vmem>>
      %dma_start3A_352 = tpu.memref_squeeze %dma_start3A_351 : memref<1x1x128xi32, #tpu.memory_space<vmem>> -> memref<128xi32, #tpu.memory_space<vmem>>
      %dma_start3A_353 = arith.constant 0 : i32
      %dma_start3A_354 = arith.constant 0 : i32
      %dma_start3A_355 = tpu.memref_slice %arg10[%dma_start3A_353, %dma_start3A_354] : memref<10112x64xf32, #tpu.memory_space<vmem_shared>> -> memref<10112x64xf32, #tpu.memory_space<vmem_shared>>
      %dma_start3A_356 = tpu.memref_slice %arg13[%rem3A_195, %dma_start3A_345] : memref<2x4x!tpu.dma_semaphore, #tpu.memory_space<semaphore_mem>> -> memref<1x1x!tpu.dma_semaphore, #tpu.memory_space<semaphore_mem>>
      %dma_start3A_357 = tpu.memref_squeeze %dma_start3A_356 : memref<1x1x!tpu.dma_semaphore, #tpu.memory_space<semaphore_mem>> -> memref<!tpu.dma_semaphore, #tpu.memory_space<semaphore_mem>>
      tpu.enqueue_indirect_dma source(%dma_start3A_349 : memref<128x64xf32, #tpu.memory_space<vmem>>) target(%dma_start3A_355 : memref<10112x64xf32, #tpu.memory_space<vmem_shared>>) offsets(%dma_start3A_352 : memref<128xi32, #tpu.memory_space<vmem>>) semaphore(%dma_start3A_357 : memref<!tpu.dma_semaphore, #tpu.memory_space<semaphore_mem>>) {add = true}
      %dma_wait3A_358 = arith.constant 2 : i32
      %dma_wait3A_359 = arith.constant 2 : i32
      %dma_wait3A_360 = arith.constant 2 : i32
      %dma_wait3A_361 = arith.constant 0 : i32
      %dma_wait3A_362 = arith.constant 0 : i32
      %dma_wait3A_363 = tpu.memref_slice %arg9[%rem3A_195, %dma_wait3A_359, %dma_wait3A_361, %dma_wait3A_362] : memref<2x4x128x64xf32, #tpu.memory_space<vmem>> -> memref<1x1x128x64xf32, #tpu.memory_space<vmem>>
      %dma_wait3A_364 = tpu.memref_squeeze %dma_wait3A_363 : memref<1x1x128x64xf32, #tpu.memory_space<vmem>> -> memref<128x64xf32, #tpu.memory_space<vmem>>
      %dma_wait3A_365 = arith.constant 0 : i32
      %dma_wait3A_366 = tpu.memref_slice %arg7[%rem3A_197, %dma_wait3A_358, %dma_wait3A_365] : memref<3x4x128xi32, #tpu.memory_space<vmem>> -> memref<1x1x128xi32, #tpu.memory_space<vmem>>
      %dma_wait3A_367 = tpu.memref_squeeze %dma_wait3A_366 : memref<1x1x128xi32, #tpu.memory_space<vmem>> -> memref<128xi32, #tpu.memory_space<vmem>>
      %dma_wait3A_368 = arith.constant 0 : i32
      %dma_wait3A_369 = arith.constant 0 : i32
      %dma_wait3A_370 = tpu.memref_slice %arg2[%dma_wait3A_368, %dma_wait3A_369] : memref<10000x64xf32, #tpu.memory_space<hbm>> -> memref<10000x64xf32, #tpu.memory_space<hbm>>
      %dma_wait3A_371 = tpu.memref_slice %arg12[%rem3A_195, %dma_wait3A_360] : memref<2x4x!tpu.dma_semaphore, #tpu.memory_space<semaphore_mem>> -> memref<1x1x!tpu.dma_semaphore, #tpu.memory_space<semaphore_mem>>
      %dma_wait3A_372 = tpu.memref_squeeze %dma_wait3A_371 : memref<1x1x!tpu.dma_semaphore, #tpu.memory_space<semaphore_mem>> -> memref<!tpu.dma_semaphore, #tpu.memory_space<semaphore_mem>>
      tpu.wait_indirect_dma semaphore(%dma_wait3A_372 : memref<!tpu.dma_semaphore, #tpu.memory_space<semaphore_mem>>) src(%dma_wait3A_370 : memref<10000x64xf32, #tpu.memory_space<hbm>>) dst(%dma_wait3A_364 : memref<128x64xf32, #tpu.memory_space<vmem>>)
      %dma_start3A_373 = arith.constant 2 : i32
      %dma_start3A_374 = arith.constant 2 : i32
      %dma_start3A_375 = arith.constant 2 : i32
      %dma_start3A_376 = arith.constant 0 : i32
      %dma_start3A_377 = arith.constant 0 : i32
      %dma_start3A_378 = tpu.memref_slice %arg9[%rem3A_195, %dma_start3A_373, %dma_start3A_376, %dma_start3A_377] : memref<2x4x128x64xf32, #tpu.memory_space<vmem>> -> memref<1x1x128x64xf32, #tpu.memory_space<vmem>>
      %dma_start3A_379 = tpu.memref_squeeze %dma_start3A_378 : memref<1x1x128x64xf32, #tpu.memory_space<vmem>> -> memref<128x64xf32, #tpu.memory_space<vmem>>
      %dma_start3A_380 = arith.constant 0 : i32
      %dma_start3A_381 = tpu.memref_slice %arg8[%rem3A_197, %dma_start3A_374, %dma_start3A_380] : memref<3x4x128xi32, #tpu.memory_space<vmem>> -> memref<1x1x128xi32, #tpu.memory_space<vmem>>
      %dma_start3A_382 = tpu.memref_squeeze %dma_start3A_381 : memref<1x1x128xi32, #tpu.memory_space<vmem>> -> memref<128xi32, #tpu.memory_space<vmem>>
      %dma_start3A_383 = arith.constant 0 : i32
      %dma_start3A_384 = arith.constant 0 : i32
      %dma_start3A_385 = tpu.memref_slice %arg10[%dma_start3A_383, %dma_start3A_384] : memref<10112x64xf32, #tpu.memory_space<vmem_shared>> -> memref<10112x64xf32, #tpu.memory_space<vmem_shared>>
      %dma_start3A_386 = tpu.memref_slice %arg13[%rem3A_195, %dma_start3A_375] : memref<2x4x!tpu.dma_semaphore, #tpu.memory_space<semaphore_mem>> -> memref<1x1x!tpu.dma_semaphore, #tpu.memory_space<semaphore_mem>>
      %dma_start3A_387 = tpu.memref_squeeze %dma_start3A_386 : memref<1x1x!tpu.dma_semaphore, #tpu.memory_space<semaphore_mem>> -> memref<!tpu.dma_semaphore, #tpu.memory_space<semaphore_mem>>
      tpu.enqueue_indirect_dma source(%dma_start3A_379 : memref<128x64xf32, #tpu.memory_space<vmem>>) target(%dma_start3A_385 : memref<10112x64xf32, #tpu.memory_space<vmem_shared>>) offsets(%dma_start3A_382 : memref<128xi32, #tpu.memory_space<vmem>>) semaphore(%dma_start3A_387 : memref<!tpu.dma_semaphore, #tpu.memory_space<semaphore_mem>>) {add = true}
      %dma_wait3A_388 = arith.constant 3 : i32
      %dma_wait3A_389 = arith.constant 3 : i32
      %dma_wait3A_390 = arith.constant 3 : i32
      %dma_wait3A_391 = arith.constant 0 : i32
      %dma_wait3A_392 = arith.constant 0 : i32
      %dma_wait3A_393 = tpu.memref_slice %arg9[%rem3A_195, %dma_wait3A_389, %dma_wait3A_391, %dma_wait3A_392] : memref<2x4x128x64xf32, #tpu.memory_space<vmem>> -> memref<1x1x128x64xf32, #tpu.memory_space<vmem>>
      %dma_wait3A_394 = tpu.memref_squeeze %dma_wait3A_393 : memref<1x1x128x64xf32, #tpu.memory_space<vmem>> -> memref<128x64xf32, #tpu.memory_space<vmem>>
      %dma_wait3A_395 = arith.constant 0 : i32
      %dma_wait3A_396 = tpu.memref_slice %arg7[%rem3A_197, %dma_wait3A_388, %dma_wait3A_395] : memref<3x4x128xi32, #tpu.memory_space<vmem>> -> memref<1x1x128xi32, #tpu.memory_space<vmem>>
      %dma_wait3A_397 = tpu.memref_squeeze %dma_wait3A_396 : memref<1x1x128xi32, #tpu.memory_space<vmem>> -> memref<128xi32, #tpu.memory_space<vmem>>
      %dma_wait3A_398 = arith.constant 0 : i32
      %dma_wait3A_399 = arith.constant 0 : i32
      %dma_wait3A_400 = tpu.memref_slice %arg2[%dma_wait3A_398, %dma_wait3A_399] : memref<10000x64xf32, #tpu.memory_space<hbm>> -> memref<10000x64xf32, #tpu.memory_space<hbm>>
      %dma_wait3A_401 = tpu.memref_slice %arg12[%rem3A_195, %dma_wait3A_390] : memref<2x4x!tpu.dma_semaphore, #tpu.memory_space<semaphore_mem>> -> memref<1x1x!tpu.dma_semaphore, #tpu.memory_space<semaphore_mem>>
      %dma_wait3A_402 = tpu.memref_squeeze %dma_wait3A_401 : memref<1x1x!tpu.dma_semaphore, #tpu.memory_space<semaphore_mem>> -> memref<!tpu.dma_semaphore, #tpu.memory_space<semaphore_mem>>
      tpu.wait_indirect_dma semaphore(%dma_wait3A_402 : memref<!tpu.dma_semaphore, #tpu.memory_space<semaphore_mem>>) src(%dma_wait3A_400 : memref<10000x64xf32, #tpu.memory_space<hbm>>) dst(%dma_wait3A_394 : memref<128x64xf32, #tpu.memory_space<vmem>>)
      %dma_start3A_403 = arith.constant 3 : i32
      %dma_start3A_404 = arith.constant 3 : i32
      %dma_start3A_405 = arith.constant 3 : i32
      %dma_start3A_406 = arith.constant 0 : i32
      %dma_start3A_407 = arith.constant 0 : i32
      %dma_start3A_408 = tpu.memref_slice %arg9[%rem3A_195, %dma_start3A_403, %dma_start3A_406, %dma_start3A_407] : memref<2x4x128x64xf32, #tpu.memory_space<vmem>> -> memref<1x1x128x64xf32, #tpu.memory_space<vmem>>
      %dma_start3A_409 = tpu.memref_squeeze %dma_start3A_408 : memref<1x1x128x64xf32, #tpu.memory_space<vmem>> -> memref<128x64xf32, #tpu.memory_space<vmem>>
      %dma_start3A_410 = arith.constant 0 : i32
      %dma_start3A_411 = tpu.memref_slice %arg8[%rem3A_197, %dma_start3A_404, %dma_start3A_410] : memref<3x4x128xi32, #tpu.memory_space<vmem>> -> memref<1x1x128xi32, #tpu.memory_space<vmem>>
      %dma_start3A_412 = tpu.memref_squeeze %dma_start3A_411 : memref<1x1x128xi32, #tpu.memory_space<vmem>> -> memref<128xi32, #tpu.memory_space<vmem>>
      %dma_start3A_413 = arith.constant 0 : i32
      %dma_start3A_414 = arith.constant 0 : i32
      %dma_start3A_415 = tpu.memref_slice %arg10[%dma_start3A_413, %dma_start3A_414] : memref<10112x64xf32, #tpu.memory_space<vmem_shared>> -> memref<10112x64xf32, #tpu.memory_space<vmem_shared>>
      %dma_start3A_416 = tpu.memref_slice %arg13[%rem3A_195, %dma_start3A_405] : memref<2x4x!tpu.dma_semaphore, #tpu.memory_space<semaphore_mem>> -> memref<1x1x!tpu.dma_semaphore, #tpu.memory_space<semaphore_mem>>
      %dma_start3A_417 = tpu.memref_squeeze %dma_start3A_416 : memref<1x1x!tpu.dma_semaphore, #tpu.memory_space<semaphore_mem>> -> memref<!tpu.dma_semaphore, #tpu.memory_space<semaphore_mem>>
      tpu.enqueue_indirect_dma source(%dma_start3A_409 : memref<128x64xf32, #tpu.memory_space<vmem>>) target(%dma_start3A_415 : memref<10112x64xf32, #tpu.memory_space<vmem_shared>>) offsets(%dma_start3A_412 : memref<128xi32, #tpu.memory_space<vmem>>) semaphore(%dma_start3A_417 : memref<!tpu.dma_semaphore, #tpu.memory_space<semaphore_mem>>) {add = true}
    }
    %scan3A_45 = arith.constant 20 : i32
    %dma_wait3A = arith.constant 0 : i32
    %dma_wait3A_46 = arith.constant 0 : i32
    %dma_wait3A_47 = arith.constant 0 : i32
    %dma_wait3A_48 = arith.constant 0 : i32
    %dma_wait3A_49 = arith.constant 0 : i32
    %dma_wait3A_50 = arith.constant 0 : i32
    %dma_wait3A_51 = arith.constant 0 : i32
    %dma_wait3A_52 = arith.constant 0 : i32
    %dma_wait3A_53 = tpu.memref_slice %arg9[%dma_wait3A, %dma_wait3A_46, %dma_wait3A_51, %dma_wait3A_52] : memref<2x4x128x64xf32, #tpu.memory_space<vmem>> -> memref<1x1x128x64xf32, #tpu.memory_space<vmem>>
    %dma_wait3A_54 = tpu.memref_squeeze %dma_wait3A_53 : memref<1x1x128x64xf32, #tpu.memory_space<vmem>> -> memref<128x64xf32, #tpu.memory_space<vmem>>
    %dma_wait3A_55 = arith.constant 0 : i32
    %dma_wait3A_56 = tpu.memref_slice %arg8[%dma_wait3A_47, %dma_wait3A_48, %dma_wait3A_55] : memref<3x4x128xi32, #tpu.memory_space<vmem>> -> memref<1x1x128xi32, #tpu.memory_space<vmem>>
    %dma_wait3A_57 = tpu.memref_squeeze %dma_wait3A_56 : memref<1x1x128xi32, #tpu.memory_space<vmem>> -> memref<128xi32, #tpu.memory_space<vmem>>
    %dma_wait3A_58 = arith.constant 0 : i32
    %dma_wait3A_59 = arith.constant 0 : i32
    %dma_wait3A_60 = tpu.memref_slice %arg10[%dma_wait3A_58, %dma_wait3A_59] : memref<10112x64xf32, #tpu.memory_space<vmem_shared>> -> memref<10112x64xf32, #tpu.memory_space<vmem_shared>>
    %dma_wait3A_61 = tpu.memref_slice %arg13[%dma_wait3A_49, %dma_wait3A_50] : memref<2x4x!tpu.dma_semaphore, #tpu.memory_space<semaphore_mem>> -> memref<1x1x!tpu.dma_semaphore, #tpu.memory_space<semaphore_mem>>
    %dma_wait3A_62 = tpu.memref_squeeze %dma_wait3A_61 : memref<1x1x!tpu.dma_semaphore, #tpu.memory_space<semaphore_mem>> -> memref<!tpu.dma_semaphore, #tpu.memory_space<semaphore_mem>>
    tpu.wait_indirect_dma semaphore(%dma_wait3A_62 : memref<!tpu.dma_semaphore, #tpu.memory_space<semaphore_mem>>) src(%dma_wait3A_54 : memref<128x64xf32, #tpu.memory_space<vmem>>) dst(%dma_wait3A_60 : memref<10112x64xf32, #tpu.memory_space<vmem_shared>>)
    %dma_wait3A_63 = arith.constant 0 : i32
    %dma_wait3A_64 = arith.constant 1 : i32
    %dma_wait3A_65 = arith.constant 0 : i32
    %dma_wait3A_66 = arith.constant 1 : i32
    %dma_wait3A_67 = arith.constant 0 : i32
    %dma_wait3A_68 = arith.constant 1 : i32
    %dma_wait3A_69 = arith.constant 0 : i32
    %dma_wait3A_70 = arith.constant 0 : i32
    %dma_wait3A_71 = tpu.memref_slice %arg9[%dma_wait3A_63, %dma_wait3A_64, %dma_wait3A_69, %dma_wait3A_70] : memref<2x4x128x64xf32, #tpu.memory_space<vmem>> -> memref<1x1x128x64xf32, #tpu.memory_space<vmem>>
    %dma_wait3A_72 = tpu.memref_squeeze %dma_wait3A_71 : memref<1x1x128x64xf32, #tpu.memory_space<vmem>> -> memref<128x64xf32, #tpu.memory_space<vmem>>
    %dma_wait3A_73 = arith.constant 0 : i32
    %dma_wait3A_74 = tpu.memref_slice %arg8[%dma_wait3A_65, %dma_wait3A_66, %dma_wait3A_73] : memref<3x4x128xi32, #tpu.memory_space<vmem>> -> memref<1x1x128xi32, #tpu.memory_space<vmem>>
    %dma_wait3A_75 = tpu.memref_squeeze %dma_wait3A_74 : memref<1x1x128xi32, #tpu.memory_space<vmem>> -> memref<128xi32, #tpu.memory_space<vmem>>
    %dma_wait3A_76 = arith.constant 0 : i32
    %dma_wait3A_77 = arith.constant 0 : i32
    %dma_wait3A_78 = tpu.memref_slice %arg10[%dma_wait3A_76, %dma_wait3A_77] : memref<10112x64xf32, #tpu.memory_space<vmem_shared>> -> memref<10112x64xf32, #tpu.memory_space<vmem_shared>>
    %dma_wait3A_79 = tpu.memref_slice %arg13[%dma_wait3A_67, %dma_wait3A_68] : memref<2x4x!tpu.dma_semaphore, #tpu.memory_space<semaphore_mem>> -> memref<1x1x!tpu.dma_semaphore, #tpu.memory_space<semaphore_mem>>
    %dma_wait3A_80 = tpu.memref_squeeze %dma_wait3A_79 : memref<1x1x!tpu.dma_semaphore, #tpu.memory_space<semaphore_mem>> -> memref<!tpu.dma_semaphore, #tpu.memory_space<semaphore_mem>>
    tpu.wait_indirect_dma semaphore(%dma_wait3A_80 : memref<!tpu.dma_semaphore, #tpu.memory_space<semaphore_mem>>) src(%dma_wait3A_72 : memref<128x64xf32, #tpu.memory_space<vmem>>) dst(%dma_wait3A_78 : memref<10112x64xf32, #tpu.memory_space<vmem_shared>>)
    %dma_wait3A_81 = arith.constant 0 : i32
    %dma_wait3A_82 = arith.constant 2 : i32
    %dma_wait3A_83 = arith.constant 0 : i32
    %dma_wait3A_84 = arith.constant 2 : i32
    %dma_wait3A_85 = arith.constant 0 : i32
    %dma_wait3A_86 = arith.constant 2 : i32
    %dma_wait3A_87 = arith.constant 0 : i32
    %dma_wait3A_88 = arith.constant 0 : i32
    %dma_wait3A_89 = tpu.memref_slice %arg9[%dma_wait3A_81, %dma_wait3A_82, %dma_wait3A_87, %dma_wait3A_88] : memref<2x4x128x64xf32, #tpu.memory_space<vmem>> -> memref<1x1x128x64xf32, #tpu.memory_space<vmem>>
    %dma_wait3A_90 = tpu.memref_squeeze %dma_wait3A_89 : memref<1x1x128x64xf32, #tpu.memory_space<vmem>> -> memref<128x64xf32, #tpu.memory_space<vmem>>
    %dma_wait3A_91 = arith.constant 0 : i32
    %dma_wait3A_92 = tpu.memref_slice %arg8[%dma_wait3A_83, %dma_wait3A_84, %dma_wait3A_91] : memref<3x4x128xi32, #tpu.memory_space<vmem>> -> memref<1x1x128xi32, #tpu.memory_space<vmem>>
    %dma_wait3A_93 = tpu.memref_squeeze %dma_wait3A_92 : memref<1x1x128xi32, #tpu.memory_space<vmem>> -> memref<128xi32, #tpu.memory_space<vmem>>
    %dma_wait3A_94 = arith.constant 0 : i32
    %dma_wait3A_95 = arith.constant 0 : i32
    %dma_wait3A_96 = tpu.memref_slice %arg10[%dma_wait3A_94, %dma_wait3A_95] : memref<10112x64xf32, #tpu.memory_space<vmem_shared>> -> memref<10112x64xf32, #tpu.memory_space<vmem_shared>>
    %dma_wait3A_97 = tpu.memref_slice %arg13[%dma_wait3A_85, %dma_wait3A_86] : memref<2x4x!tpu.dma_semaphore, #tpu.memory_space<semaphore_mem>> -> memref<1x1x!tpu.dma_semaphore, #tpu.memory_space<semaphore_mem>>
    %dma_wait3A_98 = tpu.memref_squeeze %dma_wait3A_97 : memref<1x1x!tpu.dma_semaphore, #tpu.memory_space<semaphore_mem>> -> memref<!tpu.dma_semaphore, #tpu.memory_space<semaphore_mem>>
    tpu.wait_indirect_dma semaphore(%dma_wait3A_98 : memref<!tpu.dma_semaphore, #tpu.memory_space<semaphore_mem>>) src(%dma_wait3A_90 : memref<128x64xf32, #tpu.memory_space<vmem>>) dst(%dma_wait3A_96 : memref<10112x64xf32, #tpu.memory_space<vmem_shared>>)
    %dma_wait3A_99 = arith.constant 0 : i32
    %dma_wait3A_100 = arith.constant 3 : i32
    %dma_wait3A_101 = arith.constant 0 : i32
    %dma_wait3A_102 = arith.constant 3 : i32
    %dma_wait3A_103 = arith.constant 0 : i32
    %dma_wait3A_104 = arith.constant 3 : i32
    %dma_wait3A_105 = arith.constant 0 : i32
    %dma_wait3A_106 = arith.constant 0 : i32
    %dma_wait3A_107 = tpu.memref_slice %arg9[%dma_wait3A_99, %dma_wait3A_100, %dma_wait3A_105, %dma_wait3A_106] : memref<2x4x128x64xf32, #tpu.memory_space<vmem>> -> memref<1x1x128x64xf32, #tpu.memory_space<vmem>>
    %dma_wait3A_108 = tpu.memref_squeeze %dma_wait3A_107 : memref<1x1x128x64xf32, #tpu.memory_space<vmem>> -> memref<128x64xf32, #tpu.memory_space<vmem>>
    %dma_wait3A_109 = arith.constant 0 : i32
    %dma_wait3A_110 = tpu.memref_slice %arg8[%dma_wait3A_101, %dma_wait3A_102, %dma_wait3A_109] : memref<3x4x128xi32, #tpu.memory_space<vmem>> -> memref<1x1x128xi32, #tpu.memory_space<vmem>>
    %dma_wait3A_111 = tpu.memref_squeeze %dma_wait3A_110 : memref<1x1x128xi32, #tpu.memory_space<vmem>> -> memref<128xi32, #tpu.memory_space<vmem>>
    %dma_wait3A_112 = arith.constant 0 : i32
    %dma_wait3A_113 = arith.constant 0 : i32
    %dma_wait3A_114 = tpu.memref_slice %arg10[%dma_wait3A_112, %dma_wait3A_113] : memref<10112x64xf32, #tpu.memory_space<vmem_shared>> -> memref<10112x64xf32, #tpu.memory_space<vmem_shared>>
    %dma_wait3A_115 = tpu.memref_slice %arg13[%dma_wait3A_103, %dma_wait3A_104] : memref<2x4x!tpu.dma_semaphore, #tpu.memory_space<semaphore_mem>> -> memref<1x1x!tpu.dma_semaphore, #tpu.memory_space<semaphore_mem>>
    %dma_wait3A_116 = tpu.memref_squeeze %dma_wait3A_115 : memref<1x1x!tpu.dma_semaphore, #tpu.memory_space<semaphore_mem>> -> memref<!tpu.dma_semaphore, #tpu.memory_space<semaphore_mem>>
    tpu.wait_indirect_dma semaphore(%dma_wait3A_116 : memref<!tpu.dma_semaphore, #tpu.memory_space<semaphore_mem>>) src(%dma_wait3A_108 : memref<128x64xf32, #tpu.memory_space<vmem>>) dst(%dma_wait3A_114 : memref<10112x64xf32, #tpu.memory_space<vmem_shared>>)
    %dma_wait3A_117 = arith.constant 1 : i32
    %dma_wait3A_118 = arith.constant 0 : i32
    %dma_wait3A_119 = arith.constant 1 : i32
    %dma_wait3A_120 = arith.constant 0 : i32
    %dma_wait3A_121 = arith.constant 1 : i32
    %dma_wait3A_122 = arith.constant 0 : i32
    %dma_wait3A_123 = arith.constant 0 : i32
    %dma_wait3A_124 = arith.constant 0 : i32
    %dma_wait3A_125 = tpu.memref_slice %arg9[%dma_wait3A_117, %dma_wait3A_118, %dma_wait3A_123, %dma_wait3A_124] : memref<2x4x128x64xf32, #tpu.memory_space<vmem>> -> memref<1x1x128x64xf32, #tpu.memory_space<vmem>>
    %dma_wait3A_126 = tpu.memref_squeeze %dma_wait3A_125 : memref<1x1x128x64xf32, #tpu.memory_space<vmem>> -> memref<128x64xf32, #tpu.memory_space<vmem>>
    %dma_wait3A_127 = arith.constant 0 : i32
    %dma_wait3A_128 = tpu.memref_slice %arg8[%dma_wait3A_119, %dma_wait3A_120, %dma_wait3A_127] : memref<3x4x128xi32, #tpu.memory_space<vmem>> -> memref<1x1x128xi32, #tpu.memory_space<vmem>>
    %dma_wait3A_129 = tpu.memref_squeeze %dma_wait3A_128 : memref<1x1x128xi32, #tpu.memory_space<vmem>> -> memref<128xi32, #tpu.memory_space<vmem>>
    %dma_wait3A_130 = arith.constant 0 : i32
    %dma_wait3A_131 = arith.constant 0 : i32
    %dma_wait3A_132 = tpu.memref_slice %arg10[%dma_wait3A_130, %dma_wait3A_131] : memref<10112x64xf32, #tpu.memory_space<vmem_shared>> -> memref<10112x64xf32, #tpu.memory_space<vmem_shared>>
    %dma_wait3A_133 = tpu.memref_slice %arg13[%dma_wait3A_121, %dma_wait3A_122] : memref<2x4x!tpu.dma_semaphore, #tpu.memory_space<semaphore_mem>> -> memref<1x1x!tpu.dma_semaphore, #tpu.memory_space<semaphore_mem>>
    %dma_wait3A_134 = tpu.memref_squeeze %dma_wait3A_133 : memref<1x1x!tpu.dma_semaphore, #tpu.memory_space<semaphore_mem>> -> memref<!tpu.dma_semaphore, #tpu.memory_space<semaphore_mem>>
    tpu.wait_indirect_dma semaphore(%dma_wait3A_134 : memref<!tpu.dma_semaphore, #tpu.memory_space<semaphore_mem>>) src(%dma_wait3A_126 : memref<128x64xf32, #tpu.memory_space<vmem>>) dst(%dma_wait3A_132 : memref<10112x64xf32, #tpu.memory_space<vmem_shared>>)
    %dma_wait3A_135 = arith.constant 1 : i32
    %dma_wait3A_136 = arith.constant 1 : i32
    %dma_wait3A_137 = arith.constant 1 : i32
    %dma_wait3A_138 = arith.constant 1 : i32
    %dma_wait3A_139 = arith.constant 1 : i32
    %dma_wait3A_140 = arith.constant 1 : i32
    %dma_wait3A_141 = arith.constant 0 : i32
    %dma_wait3A_142 = arith.constant 0 : i32
    %dma_wait3A_143 = tpu.memref_slice %arg9[%dma_wait3A_135, %dma_wait3A_136, %dma_wait3A_141, %dma_wait3A_142] : memref<2x4x128x64xf32, #tpu.memory_space<vmem>> -> memref<1x1x128x64xf32, #tpu.memory_space<vmem>>
    %dma_wait3A_144 = tpu.memref_squeeze %dma_wait3A_143 : memref<1x1x128x64xf32, #tpu.memory_space<vmem>> -> memref<128x64xf32, #tpu.memory_space<vmem>>
    %dma_wait3A_145 = arith.constant 0 : i32
    %dma_wait3A_146 = tpu.memref_slice %arg8[%dma_wait3A_137, %dma_wait3A_138, %dma_wait3A_145] : memref<3x4x128xi32, #tpu.memory_space<vmem>> -> memref<1x1x128xi32, #tpu.memory_space<vmem>>
    %dma_wait3A_147 = tpu.memref_squeeze %dma_wait3A_146 : memref<1x1x128xi32, #tpu.memory_space<vmem>> -> memref<128xi32, #tpu.memory_space<vmem>>
    %dma_wait3A_148 = arith.constant 0 : i32
    %dma_wait3A_149 = arith.constant 0 : i32
    %dma_wait3A_150 = tpu.memref_slice %arg10[%dma_wait3A_148, %dma_wait3A_149] : memref<10112x64xf32, #tpu.memory_space<vmem_shared>> -> memref<10112x64xf32, #tpu.memory_space<vmem_shared>>
    %dma_wait3A_151 = tpu.memref_slice %arg13[%dma_wait3A_139, %dma_wait3A_140] : memref<2x4x!tpu.dma_semaphore, #tpu.memory_space<semaphore_mem>> -> memref<1x1x!tpu.dma_semaphore, #tpu.memory_space<semaphore_mem>>
    %dma_wait3A_152 = tpu.memref_squeeze %dma_wait3A_151 : memref<1x1x!tpu.dma_semaphore, #tpu.memory_space<semaphore_mem>> -> memref<!tpu.dma_semaphore, #tpu.memory_space<semaphore_mem>>
    tpu.wait_indirect_dma semaphore(%dma_wait3A_152 : memref<!tpu.dma_semaphore, #tpu.memory_space<semaphore_mem>>) src(%dma_wait3A_144 : memref<128x64xf32, #tpu.memory_space<vmem>>) dst(%dma_wait3A_150 : memref<10112x64xf32, #tpu.memory_space<vmem_shared>>)
    %dma_wait3A_153 = arith.constant 1 : i32
    %dma_wait3A_154 = arith.constant 2 : i32
    %dma_wait3A_155 = arith.constant 1 : i32
    %dma_wait3A_156 = arith.constant 2 : i32
    %dma_wait3A_157 = arith.constant 1 : i32
    %dma_wait3A_158 = arith.constant 2 : i32
    %dma_wait3A_159 = arith.constant 0 : i32
    %dma_wait3A_160 = arith.constant 0 : i32
    %dma_wait3A_161 = tpu.memref_slice %arg9[%dma_wait3A_153, %dma_wait3A_154, %dma_wait3A_159, %dma_wait3A_160] : memref<2x4x128x64xf32, #tpu.memory_space<vmem>> -> memref<1x1x128x64xf32, #tpu.memory_space<vmem>>
    %dma_wait3A_162 = tpu.memref_squeeze %dma_wait3A_161 : memref<1x1x128x64xf32, #tpu.memory_space<vmem>> -> memref<128x64xf32, #tpu.memory_space<vmem>>
    %dma_wait3A_163 = arith.constant 0 : i32
    %dma_wait3A_164 = tpu.memref_slice %arg8[%dma_wait3A_155, %dma_wait3A_156, %dma_wait3A_163] : memref<3x4x128xi32, #tpu.memory_space<vmem>> -> memref<1x1x128xi32, #tpu.memory_space<vmem>>
    %dma_wait3A_165 = tpu.memref_squeeze %dma_wait3A_164 : memref<1x1x128xi32, #tpu.memory_space<vmem>> -> memref<128xi32, #tpu.memory_space<vmem>>
    %dma_wait3A_166 = arith.constant 0 : i32
    %dma_wait3A_167 = arith.constant 0 : i32
    %dma_wait3A_168 = tpu.memref_slice %arg10[%dma_wait3A_166, %dma_wait3A_167] : memref<10112x64xf32, #tpu.memory_space<vmem_shared>> -> memref<10112x64xf32, #tpu.memory_space<vmem_shared>>
    %dma_wait3A_169 = tpu.memref_slice %arg13[%dma_wait3A_157, %dma_wait3A_158] : memref<2x4x!tpu.dma_semaphore, #tpu.memory_space<semaphore_mem>> -> memref<1x1x!tpu.dma_semaphore, #tpu.memory_space<semaphore_mem>>
    %dma_wait3A_170 = tpu.memref_squeeze %dma_wait3A_169 : memref<1x1x!tpu.dma_semaphore, #tpu.memory_space<semaphore_mem>> -> memref<!tpu.dma_semaphore, #tpu.memory_space<semaphore_mem>>
    tpu.wait_indirect_dma semaphore(%dma_wait3A_170 : memref<!tpu.dma_semaphore, #tpu.memory_space<semaphore_mem>>) src(%dma_wait3A_162 : memref<128x64xf32, #tpu.memory_space<vmem>>) dst(%dma_wait3A_168 : memref<10112x64xf32, #tpu.memory_space<vmem_shared>>)
    %dma_wait3A_171 = arith.constant 1 : i32
    %dma_wait3A_172 = arith.constant 3 : i32
    %dma_wait3A_173 = arith.constant 1 : i32
    %dma_wait3A_174 = arith.constant 3 : i32
    %dma_wait3A_175 = arith.constant 1 : i32
    %dma_wait3A_176 = arith.constant 3 : i32
    %dma_wait3A_177 = arith.constant 0 : i32
    %dma_wait3A_178 = arith.constant 0 : i32
    %dma_wait3A_179 = tpu.memref_slice %arg9[%dma_wait3A_171, %dma_wait3A_172, %dma_wait3A_177, %dma_wait3A_178] : memref<2x4x128x64xf32, #tpu.memory_space<vmem>> -> memref<1x1x128x64xf32, #tpu.memory_space<vmem>>
    %dma_wait3A_180 = tpu.memref_squeeze %dma_wait3A_179 : memref<1x1x128x64xf32, #tpu.memory_space<vmem>> -> memref<128x64xf32, #tpu.memory_space<vmem>>
    %dma_wait3A_181 = arith.constant 0 : i32
    %dma_wait3A_182 = tpu.memref_slice %arg8[%dma_wait3A_173, %dma_wait3A_174, %dma_wait3A_181] : memref<3x4x128xi32, #tpu.memory_space<vmem>> -> memref<1x1x128xi32, #tpu.memory_space<vmem>>
    %dma_wait3A_183 = tpu.memref_squeeze %dma_wait3A_182 : memref<1x1x128xi32, #tpu.memory_space<vmem>> -> memref<128xi32, #tpu.memory_space<vmem>>
    %dma_wait3A_184 = arith.constant 0 : i32
    %dma_wait3A_185 = arith.constant 0 : i32
    %dma_wait3A_186 = tpu.memref_slice %arg10[%dma_wait3A_184, %dma_wait3A_185] : memref<10112x64xf32, #tpu.memory_space<vmem_shared>> -> memref<10112x64xf32, #tpu.memory_space<vmem_shared>>
    %dma_wait3A_187 = tpu.memref_slice %arg13[%dma_wait3A_175, %dma_wait3A_176] : memref<2x4x!tpu.dma_semaphore, #tpu.memory_space<semaphore_mem>> -> memref<1x1x!tpu.dma_semaphore, #tpu.memory_space<semaphore_mem>>
    %dma_wait3A_188 = tpu.memref_squeeze %dma_wait3A_187 : memref<1x1x!tpu.dma_semaphore, #tpu.memory_space<semaphore_mem>> -> memref<!tpu.dma_semaphore, #tpu.memory_space<semaphore_mem>>
    tpu.wait_indirect_dma semaphore(%dma_wait3A_188 : memref<!tpu.dma_semaphore, #tpu.memory_space<semaphore_mem>>) src(%dma_wait3A_180 : memref<128x64xf32, #tpu.memory_space<vmem>>) dst(%dma_wait3A_186 : memref<10112x64xf32, #tpu.memory_space<vmem_shared>>)
    %barrier3A_189 = arith.constant 0 : index
    tpu.barrier barrier_id(%barrier3A_189)
    %mul3A_190 = arith.constant 632 : i32
    %mul3A_191 = arith.muli %arg1, %mul3A_190 : i32
    %mul3A_192 = arith.constant 632 : i32
    %mul3A_193 = arith.muli %arg1, %mul3A_192 : i32
    "tpu.region"() ({
      %run_scoped3A = tpu.sem_alloc : memref<!tpu.dma_semaphore, #tpu.memory_space<semaphore_mem>>
      %dma_start3A_194 = arith.constant 0 : i32
      %dma_start3A_195 = tpu.memref_slice %arg6[%arg0, %mul3A_193, %dma_start3A_194] : memref<2x10112x64xf32, #tpu.memory_space<hbm>> -> memref<1x632x64xf32, #tpu.memory_space<hbm>>
      %dma_start3A_196 = tpu.memref_squeeze %dma_start3A_195 : memref<1x632x64xf32, #tpu.memory_space<hbm>> -> memref<632x64xf32, #tpu.memory_space<hbm>>
      %dma_start3A_197 = arith.constant 0 : i32
      %dma_start3A_198 = tpu.memref_slice %arg10[%mul3A_191, %dma_start3A_197] : memref<10112x64xf32, #tpu.memory_space<vmem_shared>> -> memref<632x64xf32, #tpu.memory_space<vmem_shared>>
      tpu.enqueue_dma source(%dma_start3A_198 : memref<632x64xf32, #tpu.memory_space<vmem_shared>>) target(%dma_start3A_196 : memref<632x64xf32, #tpu.memory_space<hbm>>) target_semaphore(%run_scoped3A : memref<!tpu.dma_semaphore, #tpu.memory_space<semaphore_mem>>)
      %dma_wait3A_199 = arith.constant 0 : i32
      %dma_wait3A_200 = tpu.memref_slice %arg6[%arg0, %mul3A_193, %dma_wait3A_199] : memref<2x10112x64xf32, #tpu.memory_space<hbm>> -> memref<1x632x64xf32, #tpu.memory_space<hbm>>
      %dma_wait3A_201 = tpu.memref_squeeze %dma_wait3A_200 : memref<1x632x64xf32, #tpu.memory_space<hbm>> -> memref<632x64xf32, #tpu.memory_space<hbm>>
      %dma_wait3A_202 = arith.constant 0 : i32
      %dma_wait3A_203 = tpu.memref_slice %arg10[%mul3A_191, %dma_wait3A_202] : memref<10112x64xf32, #tpu.memory_space<vmem_shared>> -> memref<632x64xf32, #tpu.memory_space<vmem_shared>>
      tpu.wait_dma2 semaphore(%run_scoped3A : memref<!tpu.dma_semaphore, #tpu.memory_space<semaphore_mem>>) src(%dma_wait3A_203 : memref<632x64xf32, #tpu.memory_space<vmem_shared>>) dst(%dma_wait3A_201 : memref<632x64xf32, #tpu.memory_space<hbm>>)
      tpu.yield
    }) : () -> ()
    return
  }
}

#map = affine_map<(d0, d1) -> (0, 0, 0)>
#map1 = affine_map<(d0, d1) -> (0, 0)>
module attributes {stable_mosaic.version = 14 : i64} {
  func.func @k(%arg0: i32, %arg1: i32, %arg2: memref<2x10000x72xf32, #tpu.memory_space<hbm>>, %arg3: memref<2560x128xi32, #tpu.memory_space<hbm>>, %arg4: memref<2560x128xi32, #tpu.memory_space<hbm>>, %arg5: memref<632x72xf32, #tpu.memory_space<hbm>>, %arg6: memref<2x10112x72xf32, #tpu.memory_space<hbm>>, %arg7: memref<3x4x128xi32, #tpu.memory_space<vmem>>, %arg8: memref<3x4x128xi32, #tpu.memory_space<vmem>>, %arg9: memref<2x4x128x72xf32, #tpu.memory_space<vmem>>, %arg10: memref<10112x72xf32, #tpu.memory_space<vmem_shared>>, %arg11: memref<3x2x!tpu.dma_semaphore, #tpu.memory_space<semaphore_mem>>, %arg12: memref<2x4x!tpu.dma_semaphore, #tpu.memory_space<semaphore_mem>>, %arg13: memref<2x4x!tpu.dma_semaphore, #tpu.memory_space<semaphore_mem>>) attributes {dimension_semantics = [#tpu.dimension_semantics<core_parallel>, #tpu.dimension_semantics<subcore_parallel>], iteration_bounds = array<i64: 2, 16>, scalar_prefetch = 0 : i64, scratch_operands = 7 : i64, tpu.core_type = #tpu.core_type<sc_vector_subcore>, window_params = [{transform_indices = #map}, {transform_indices = #map1}, {transform_indices = #map1}, {transform_indices = #map1}, {transform_indices = #map}]} {
    %mul3A = arith.constant 160 : i32
    %mul3A_0 = arith.muli %arg1, %mul3A : i32
    %mul3A_1 = arith.constant 632 : i32
    %mul3A_2 = arith.muli %arg1, %mul3A_1 : i32
    "tpu.region"() ({
      %run_scoped3A = tpu.sem_alloc : memref<!tpu.dma_semaphore, #tpu.memory_space<semaphore_mem>>
      %dma_start3A_190 = arith.constant 0 : i32
      %dma_start3A_191 = tpu.memref_slice %arg10[%mul3A_2, %dma_start3A_190] : memref<10112x72xf32, #tpu.memory_space<vmem_shared>> -> memref<632x72xf32, #tpu.memory_space<vmem_shared>>
      tpu.enqueue_dma source(%arg5 : memref<632x72xf32, #tpu.memory_space<hbm>>) target(%dma_start3A_191 : memref<632x72xf32, #tpu.memory_space<vmem_shared>>) target_semaphore(%run_scoped3A : memref<!tpu.dma_semaphore, #tpu.memory_space<semaphore_mem>>)
      %dma_wait3A_192 = arith.constant 0 : i32
      %dma_wait3A_193 = tpu.memref_slice %arg10[%mul3A_2, %dma_wait3A_192] : memref<10112x72xf32, #tpu.memory_space<vmem_shared>> -> memref<632x72xf32, #tpu.memory_space<vmem_shared>>
      tpu.wait_dma2 semaphore(%run_scoped3A : memref<!tpu.dma_semaphore, #tpu.memory_space<semaphore_mem>>) src(%arg5 : memref<632x72xf32, #tpu.memory_space<hbm>>) dst(%dma_wait3A_193 : memref<632x72xf32, #tpu.memory_space<vmem_shared>>)
      tpu.yield
    }) : () -> ()
    %barrier3A = arith.constant 0 : index
    tpu.barrier barrier_id(%barrier3A)
    %add3A = arith.constant 0 : i32
    %add3A_3 = arith.addi %mul3A_0, %add3A : i32
    %dma_start3A = arith.constant 0 : i32
    %dma_start3A_4 = arith.constant 0 : i32
    %dma_start3A_5 = arith.constant 0 : i32
    %dma_start3A_6 = arith.constant 0 : i32
    %dma_start3A_7 = arith.constant 0 : i32
    %dma_start3A_8 = tpu.memref_slice %arg7[%dma_start3A, %dma_start3A_6, %dma_start3A_7] : memref<3x4x128xi32, #tpu.memory_space<vmem>> -> memref<1x4x128xi32, #tpu.memory_space<vmem>>
    %dma_start3A_9 = tpu.memref_squeeze %dma_start3A_8 : memref<1x4x128xi32, #tpu.memory_space<vmem>> -> memref<4x128xi32, #tpu.memory_space<vmem>>
    %dma_start3A_10 = arith.constant 0 : i32
    %dma_start3A_11 = tpu.memref_slice %arg3[%add3A_3, %dma_start3A_10] : memref<2560x128xi32, #tpu.memory_space<hbm>> -> memref<4x128xi32, #tpu.memory_space<hbm>>
    %dma_start3A_12 = tpu.memref_slice %arg11[%dma_start3A_4, %dma_start3A_5] : memref<3x2x!tpu.dma_semaphore, #tpu.memory_space<semaphore_mem>> -> memref<1x1x!tpu.dma_semaphore, #tpu.memory_space<semaphore_mem>>
    %dma_start3A_13 = tpu.memref_squeeze %dma_start3A_12 : memref<1x1x!tpu.dma_semaphore, #tpu.memory_space<semaphore_mem>> -> memref<!tpu.dma_semaphore, #tpu.memory_space<semaphore_mem>>
    %dma_start3A_14 = arith.constant 0 : i32
    %dma_start3A_15 = arith.constant 0 : i32
    %dma_start3A_16 = tpu.memref_slice %arg7[%dma_start3A, %dma_start3A_14, %dma_start3A_15] : memref<3x4x128xi32, #tpu.memory_space<vmem>> -> memref<1x4x128xi32, #tpu.memory_space<vmem>>
    %dma_start3A_17 = tpu.memref_squeeze %dma_start3A_16 : memref<1x4x128xi32, #tpu.memory_space<vmem>> -> memref<4x128xi32, #tpu.memory_space<vmem>>
    %dma_start3A_18 = arith.constant 0 : i32
    %dma_start3A_19 = tpu.memref_slice %arg3[%add3A_3, %dma_start3A_18] : memref<2560x128xi32, #tpu.memory_space<hbm>> -> memref<4x128xi32, #tpu.memory_space<hbm>>
    tpu.enqueue_dma source(%dma_start3A_19 : memref<4x128xi32, #tpu.memory_space<hbm>>) target(%dma_start3A_17 : memref<4x128xi32, #tpu.memory_space<vmem>>) target_semaphore(%dma_start3A_13 : memref<!tpu.dma_semaphore, #tpu.memory_space<semaphore_mem>>)
    %dma_start3A_20 = arith.constant 0 : i32
    %dma_start3A_21 = arith.constant 0 : i32
    %dma_start3A_22 = arith.constant 1 : i32
    %dma_start3A_23 = arith.constant 0 : i32
    %dma_start3A_24 = arith.constant 0 : i32
    %dma_start3A_25 = tpu.memref_slice %arg8[%dma_start3A_20, %dma_start3A_23, %dma_start3A_24] : memref<3x4x128xi32, #tpu.memory_space<vmem>> -> memref<1x4x128xi32, #tpu.memory_space<vmem>>
    %dma_start3A_26 = tpu.memref_squeeze %dma_start3A_25 : memref<1x4x128xi32, #tpu.memory_space<vmem>> -> memref<4x128xi32, #tpu.memory_space<vmem>>
    %dma_start3A_27 = arith.constant 0 : i32
    %dma_start3A_28 = tpu.memref_slice %arg4[%add3A_3, %dma_start3A_27] : memref<2560x128xi32, #tpu.memory_space<hbm>> -> memref<4x128xi32, #tpu.memory_space<hbm>>
    %dma_start3A_29 = tpu.memref_slice %arg11[%dma_start3A_21, %dma_start3A_22] : memref<3x2x!tpu.dma_semaphore, #tpu.memory_space<semaphore_mem>> -> memref<1x1x!tpu.dma_semaphore, #tpu.memory_space<semaphore_mem>>
    %dma_start3A_30 = tpu.memref_squeeze %dma_start3A_29 : memref<1x1x!tpu.dma_semaphore, #tpu.memory_space<semaphore_mem>> -> memref<!tpu.dma_semaphore, #tpu.memory_space<semaphore_mem>>
    %dma_start3A_31 = arith.constant 0 : i32
    %dma_start3A_32 = arith.constant 0 : i32
    %dma_start3A_33 = tpu.memref_slice %arg8[%dma_start3A_20, %dma_start3A_31, %dma_start3A_32] : memref<3x4x128xi32, #tpu.memory_space<vmem>> -> memref<1x4x128xi32, #tpu.memory_space<vmem>>
    %dma_start3A_34 = tpu.memref_squeeze %dma_start3A_33 : memref<1x4x128xi32, #tpu.memory_space<vmem>> -> memref<4x128xi32, #tpu.memory_space<vmem>>
    %dma_start3A_35 = arith.constant 0 : i32
    %dma_start3A_36 = tpu.memref_slice %arg4[%add3A_3, %dma_start3A_35] : memref<2560x128xi32, #tpu.memory_space<hbm>> -> memref<4x128xi32, #tpu.memory_space<hbm>>
    tpu.enqueue_dma source(%dma_start3A_36 : memref<4x128xi32, #tpu.memory_space<hbm>>) target(%dma_start3A_34 : memref<4x128xi32, #tpu.memory_space<vmem>>) target_semaphore(%dma_start3A_30 : memref<!tpu.dma_semaphore, #tpu.memory_space<semaphore_mem>>)
    %scan3A = arith.constant 0 : i32
    %scan3A_37 = arith.constant 0 : i32
    %scan3A_38 = arith.constant 40 : i32
    %scan3A_39 = arith.addi %scan3A_37, %scan3A_38 : i32
    %scan3A_40 = arith.constant 1 : i32
    scf.for %scan3A_190 = %scan3A_37 to %scan3A_39 step %scan3A_40  : i32 {
      %rem3A = arith.constant 2 : i32
      %rem3A_191 = arith.remsi %scan3A_190, %rem3A : i32
      %rem3A_192 = arith.constant 3 : i32
      %rem3A_193 = arith.remsi %scan3A_190, %rem3A_192 : i32
      %ge3A = arith.constant 2 : i32
      %ge3A_194 = arith.cmpi sge, %scan3A_190, %ge3A : i32
      %convert_element_type3A = arith.extui %ge3A_194 : i1 to i32
      %cond3A = arith.constant 0 : i32
      %cond3A_195 = arith.cmpi ne, %convert_element_type3A, %cond3A : i32
      scf.if %cond3A_195 {
        %sub3A = arith.constant 2 : i32
        %sub3A_446 = arith.subi %scan3A_190, %sub3A : i32
        %rem3A_447 = arith.constant 3 : i32
        %rem3A_448 = arith.remsi %sub3A_446, %rem3A_447 : i32
        %dma_wait3A_449 = arith.constant 0 : i32
        %dma_wait3A_450 = arith.constant 0 : i32
        %dma_wait3A_451 = arith.constant 0 : i32
        %dma_wait3A_452 = arith.constant 0 : i32
        %dma_wait3A_453 = arith.constant 0 : i32
        %dma_wait3A_454 = tpu.memref_slice %arg9[%rem3A_191, %dma_wait3A_449, %dma_wait3A_452, %dma_wait3A_453] : memref<2x4x128x72xf32, #tpu.memory_space<vmem>> -> memref<1x1x128x72xf32, #tpu.memory_space<vmem>>
        %dma_wait3A_455 = tpu.memref_squeeze %dma_wait3A_454 : memref<1x1x128x72xf32, #tpu.memory_space<vmem>> -> memref<128x72xf32, #tpu.memory_space<vmem>>
        %dma_wait3A_456 = arith.constant 0 : i32
        %dma_wait3A_457 = tpu.memref_slice %arg8[%rem3A_448, %dma_wait3A_450, %dma_wait3A_456] : memref<3x4x128xi32, #tpu.memory_space<vmem>> -> memref<1x1x128xi32, #tpu.memory_space<vmem>>
        %dma_wait3A_458 = tpu.memref_squeeze %dma_wait3A_457 : memref<1x1x128xi32, #tpu.memory_space<vmem>> -> memref<128xi32, #tpu.memory_space<vmem>>
        %dma_wait3A_459 = arith.constant 0 : i32
        %dma_wait3A_460 = arith.constant 0 : i32
        %dma_wait3A_461 = tpu.memref_slice %arg10[%dma_wait3A_459, %dma_wait3A_460] : memref<10112x72xf32, #tpu.memory_space<vmem_shared>> -> memref<10112x72xf32, #tpu.memory_space<vmem_shared>>
        %dma_wait3A_462 = tpu.memref_slice %arg13[%rem3A_191, %dma_wait3A_451] : memref<2x4x!tpu.dma_semaphore, #tpu.memory_space<semaphore_mem>> -> memref<1x1x!tpu.dma_semaphore, #tpu.memory_space<semaphore_mem>>
        %dma_wait3A_463 = tpu.memref_squeeze %dma_wait3A_462 : memref<1x1x!tpu.dma_semaphore, #tpu.memory_space<semaphore_mem>> -> memref<!tpu.dma_semaphore, #tpu.memory_space<semaphore_mem>>
        tpu.wait_indirect_dma semaphore(%dma_wait3A_463 : memref<!tpu.dma_semaphore, #tpu.memory_space<semaphore_mem>>) src(%dma_wait3A_455 : memref<128x72xf32, #tpu.memory_space<vmem>>) dst(%dma_wait3A_461 : memref<10112x72xf32, #tpu.memory_space<vmem_shared>>)
        %dma_wait3A_464 = arith.constant 1 : i32
        %dma_wait3A_465 = arith.constant 1 : i32
        %dma_wait3A_466 = arith.constant 1 : i32
        %dma_wait3A_467 = arith.constant 0 : i32
        %dma_wait3A_468 = arith.constant 0 : i32
        %dma_wait3A_469 = tpu.memref_slice %arg9[%rem3A_191, %dma_wait3A_464, %dma_wait3A_467, %dma_wait3A_468] : memref<2x4x128x72xf32, #tpu.memory_space<vmem>> -> memref<1x1x128x72xf32, #tpu.memory_space<vmem>>
        %dma_wait3A_470 = tpu.memref_squeeze %dma_wait3A_469 : memref<1x1x128x72xf32, #tpu.memory_space<vmem>> -> memref<128x72xf32, #tpu.memory_space<vmem>>
        %dma_wait3A_471 = arith.constant 0 : i32
        %dma_wait3A_472 = tpu.memref_slice %arg8[%rem3A_448, %dma_wait3A_465, %dma_wait3A_471] : memref<3x4x128xi32, #tpu.memory_space<vmem>> -> memref<1x1x128xi32, #tpu.memory_space<vmem>>
        %dma_wait3A_473 = tpu.memref_squeeze %dma_wait3A_472 : memref<1x1x128xi32, #tpu.memory_space<vmem>> -> memref<128xi32, #tpu.memory_space<vmem>>
        %dma_wait3A_474 = arith.constant 0 : i32
        %dma_wait3A_475 = arith.constant 0 : i32
        %dma_wait3A_476 = tpu.memref_slice %arg10[%dma_wait3A_474, %dma_wait3A_475] : memref<10112x72xf32, #tpu.memory_space<vmem_shared>> -> memref<10112x72xf32, #tpu.memory_space<vmem_shared>>
        %dma_wait3A_477 = tpu.memref_slice %arg13[%rem3A_191, %dma_wait3A_466] : memref<2x4x!tpu.dma_semaphore, #tpu.memory_space<semaphore_mem>> -> memref<1x1x!tpu.dma_semaphore, #tpu.memory_space<semaphore_mem>>
        %dma_wait3A_478 = tpu.memref_squeeze %dma_wait3A_477 : memref<1x1x!tpu.dma_semaphore, #tpu.memory_space<semaphore_mem>> -> memref<!tpu.dma_semaphore, #tpu.memory_space<semaphore_mem>>
        tpu.wait_indirect_dma semaphore(%dma_wait3A_478 : memref<!tpu.dma_semaphore, #tpu.memory_space<semaphore_mem>>) src(%dma_wait3A_470 : memref<128x72xf32, #tpu.memory_space<vmem>>) dst(%dma_wait3A_476 : memref<10112x72xf32, #tpu.memory_space<vmem_shared>>)
        %dma_wait3A_479 = arith.constant 2 : i32
        %dma_wait3A_480 = arith.constant 2 : i32
        %dma_wait3A_481 = arith.constant 2 : i32
        %dma_wait3A_482 = arith.constant 0 : i32
        %dma_wait3A_483 = arith.constant 0 : i32
        %dma_wait3A_484 = tpu.memref_slice %arg9[%rem3A_191, %dma_wait3A_479, %dma_wait3A_482, %dma_wait3A_483] : memref<2x4x128x72xf32, #tpu.memory_space<vmem>> -> memref<1x1x128x72xf32, #tpu.memory_space<vmem>>
        %dma_wait3A_485 = tpu.memref_squeeze %dma_wait3A_484 : memref<1x1x128x72xf32, #tpu.memory_space<vmem>> -> memref<128x72xf32, #tpu.memory_space<vmem>>
        %dma_wait3A_486 = arith.constant 0 : i32
        %dma_wait3A_487 = tpu.memref_slice %arg8[%rem3A_448, %dma_wait3A_480, %dma_wait3A_486] : memref<3x4x128xi32, #tpu.memory_space<vmem>> -> memref<1x1x128xi32, #tpu.memory_space<vmem>>
        %dma_wait3A_488 = tpu.memref_squeeze %dma_wait3A_487 : memref<1x1x128xi32, #tpu.memory_space<vmem>> -> memref<128xi32, #tpu.memory_space<vmem>>
        %dma_wait3A_489 = arith.constant 0 : i32
        %dma_wait3A_490 = arith.constant 0 : i32
        %dma_wait3A_491 = tpu.memref_slice %arg10[%dma_wait3A_489, %dma_wait3A_490] : memref<10112x72xf32, #tpu.memory_space<vmem_shared>> -> memref<10112x72xf32, #tpu.memory_space<vmem_shared>>
        %dma_wait3A_492 = tpu.memref_slice %arg13[%rem3A_191, %dma_wait3A_481] : memref<2x4x!tpu.dma_semaphore, #tpu.memory_space<semaphore_mem>> -> memref<1x1x!tpu.dma_semaphore, #tpu.memory_space<semaphore_mem>>
        %dma_wait3A_493 = tpu.memref_squeeze %dma_wait3A_492 : memref<1x1x!tpu.dma_semaphore, #tpu.memory_space<semaphore_mem>> -> memref<!tpu.dma_semaphore, #tpu.memory_space<semaphore_mem>>
        tpu.wait_indirect_dma semaphore(%dma_wait3A_493 : memref<!tpu.dma_semaphore, #tpu.memory_space<semaphore_mem>>) src(%dma_wait3A_485 : memref<128x72xf32, #tpu.memory_space<vmem>>) dst(%dma_wait3A_491 : memref<10112x72xf32, #tpu.memory_space<vmem_shared>>)
        %dma_wait3A_494 = arith.constant 3 : i32
        %dma_wait3A_495 = arith.constant 3 : i32
        %dma_wait3A_496 = arith.constant 3 : i32
        %dma_wait3A_497 = arith.constant 0 : i32
        %dma_wait3A_498 = arith.constant 0 : i32
        %dma_wait3A_499 = tpu.memref_slice %arg9[%rem3A_191, %dma_wait3A_494, %dma_wait3A_497, %dma_wait3A_498] : memref<2x4x128x72xf32, #tpu.memory_space<vmem>> -> memref<1x1x128x72xf32, #tpu.memory_space<vmem>>
        %dma_wait3A_500 = tpu.memref_squeeze %dma_wait3A_499 : memref<1x1x128x72xf32, #tpu.memory_space<vmem>> -> memref<128x72xf32, #tpu.memory_space<vmem>>
        %dma_wait3A_501 = arith.constant 0 : i32
        %dma_wait3A_502 = tpu.memref_slice %arg8[%rem3A_448, %dma_wait3A_495, %dma_wait3A_501] : memref<3x4x128xi32, #tpu.memory_space<vmem>> -> memref<1x1x128xi32, #tpu.memory_space<vmem>>
        %dma_wait3A_503 = tpu.memref_squeeze %dma_wait3A_502 : memref<1x1x128xi32, #tpu.memory_space<vmem>> -> memref<128xi32, #tpu.memory_space<vmem>>
        %dma_wait3A_504 = arith.constant 0 : i32
        %dma_wait3A_505 = arith.constant 0 : i32
        %dma_wait3A_506 = tpu.memref_slice %arg10[%dma_wait3A_504, %dma_wait3A_505] : memref<10112x72xf32, #tpu.memory_space<vmem_shared>> -> memref<10112x72xf32, #tpu.memory_space<vmem_shared>>
        %dma_wait3A_507 = tpu.memref_slice %arg13[%rem3A_191, %dma_wait3A_496] : memref<2x4x!tpu.dma_semaphore, #tpu.memory_space<semaphore_mem>> -> memref<1x1x!tpu.dma_semaphore, #tpu.memory_space<semaphore_mem>>
        %dma_wait3A_508 = tpu.memref_squeeze %dma_wait3A_507 : memref<1x1x!tpu.dma_semaphore, #tpu.memory_space<semaphore_mem>> -> memref<!tpu.dma_semaphore, #tpu.memory_space<semaphore_mem>>
        tpu.wait_indirect_dma semaphore(%dma_wait3A_508 : memref<!tpu.dma_semaphore, #tpu.memory_space<semaphore_mem>>) src(%dma_wait3A_500 : memref<128x72xf32, #tpu.memory_space<vmem>>) dst(%dma_wait3A_506 : memref<10112x72xf32, #tpu.memory_space<vmem_shared>>)
      } else {
      }
      %dma_wait3A_196 = arith.constant 0 : i32
      %dma_wait3A_197 = arith.constant 0 : i32
      %dma_wait3A_198 = arith.constant 0 : i32
      %dma_wait3A_199 = tpu.memref_slice %arg7[%rem3A_193, %dma_wait3A_197, %dma_wait3A_198] : memref<3x4x128xi32, #tpu.memory_space<vmem>> -> memref<1x4x128xi32, #tpu.memory_space<vmem>>
      %dma_wait3A_200 = tpu.memref_squeeze %dma_wait3A_199 : memref<1x4x128xi32, #tpu.memory_space<vmem>> -> memref<4x128xi32, #tpu.memory_space<vmem>>
      %dma_wait3A_201 = arith.constant 0 : i32
      %dma_wait3A_202 = arith.constant 0 : i32
      %dma_wait3A_203 = tpu.memref_slice %arg3[%dma_wait3A_201, %dma_wait3A_202] : memref<2560x128xi32, #tpu.memory_space<hbm>> -> memref<4x128xi32, #tpu.memory_space<hbm>>
      %dma_wait3A_204 = tpu.memref_slice %arg11[%rem3A_193, %dma_wait3A_196] : memref<3x2x!tpu.dma_semaphore, #tpu.memory_space<semaphore_mem>> -> memref<1x1x!tpu.dma_semaphore, #tpu.memory_space<semaphore_mem>>
      %dma_wait3A_205 = tpu.memref_squeeze %dma_wait3A_204 : memref<1x1x!tpu.dma_semaphore, #tpu.memory_space<semaphore_mem>> -> memref<!tpu.dma_semaphore, #tpu.memory_space<semaphore_mem>>
      %dma_wait3A_206 = arith.constant 0 : i32
      %dma_wait3A_207 = arith.constant 0 : i32
      %dma_wait3A_208 = tpu.memref_slice %arg7[%rem3A_193, %dma_wait3A_206, %dma_wait3A_207] : memref<3x4x128xi32, #tpu.memory_space<vmem>> -> memref<1x4x128xi32, #tpu.memory_space<vmem>>
      %dma_wait3A_209 = tpu.memref_squeeze %dma_wait3A_208 : memref<1x4x128xi32, #tpu.memory_space<vmem>> -> memref<4x128xi32, #tpu.memory_space<vmem>>
      %dma_wait3A_210 = arith.constant 0 : i32
      %dma_wait3A_211 = arith.constant 0 : i32
      %dma_wait3A_212 = tpu.memref_slice %arg3[%dma_wait3A_210, %dma_wait3A_211] : memref<2560x128xi32, #tpu.memory_space<hbm>> -> memref<4x128xi32, #tpu.memory_space<hbm>>
      tpu.wait_dma2 semaphore(%dma_wait3A_205 : memref<!tpu.dma_semaphore, #tpu.memory_space<semaphore_mem>>) src(%dma_wait3A_212 : memref<4x128xi32, #tpu.memory_space<hbm>>) dst(%dma_wait3A_209 : memref<4x128xi32, #tpu.memory_space<vmem>>)
      %dma_wait3A_213 = arith.constant 1 : i32
      %dma_wait3A_214 = arith.constant 0 : i32
      %dma_wait3A_215 = arith.constant 0 : i32
      %dma_wait3A_216 = tpu.memref_slice %arg8[%rem3A_193, %dma_wait3A_214, %dma_wait3A_215] : memref<3x4x128xi32, #tpu.memory_space<vmem>> -> memref<1x4x128xi32, #tpu.memory_space<vmem>>
      %dma_wait3A_217 = tpu.memref_squeeze %dma_wait3A_216 : memref<1x4x128xi32, #tpu.memory_space<vmem>> -> memref<4x128xi32, #tpu.memory_space<vmem>>
      %dma_wait3A_218 = arith.constant 0 : i32
      %dma_wait3A_219 = arith.constant 0 : i32
      %dma_wait3A_220 = tpu.memref_slice %arg4[%dma_wait3A_218, %dma_wait3A_219] : memref<2560x128xi32, #tpu.memory_space<hbm>> -> memref<4x128xi32, #tpu.memory_space<hbm>>
      %dma_wait3A_221 = tpu.memref_slice %arg11[%rem3A_193, %dma_wait3A_213] : memref<3x2x!tpu.dma_semaphore, #tpu.memory_space<semaphore_mem>> -> memref<1x1x!tpu.dma_semaphore, #tpu.memory_space<semaphore_mem>>
      %dma_wait3A_222 = tpu.memref_squeeze %dma_wait3A_221 : memref<1x1x!tpu.dma_semaphore, #tpu.memory_space<semaphore_mem>> -> memref<!tpu.dma_semaphore, #tpu.memory_space<semaphore_mem>>
      %dma_wait3A_223 = arith.constant 0 : i32
      %dma_wait3A_224 = arith.constant 0 : i32
      %dma_wait3A_225 = tpu.memref_slice %arg8[%rem3A_193, %dma_wait3A_223, %dma_wait3A_224] : memref<3x4x128xi32, #tpu.memory_space<vmem>> -> memref<1x4x128xi32, #tpu.memory_space<vmem>>
      %dma_wait3A_226 = tpu.memref_squeeze %dma_wait3A_225 : memref<1x4x128xi32, #tpu.memory_space<vmem>> -> memref<4x128xi32, #tpu.memory_space<vmem>>
      %dma_wait3A_227 = arith.constant 0 : i32
      %dma_wait3A_228 = arith.constant 0 : i32
      %dma_wait3A_229 = tpu.memref_slice %arg4[%dma_wait3A_227, %dma_wait3A_228] : memref<2560x128xi32, #tpu.memory_space<hbm>> -> memref<4x128xi32, #tpu.memory_space<hbm>>
      tpu.wait_dma2 semaphore(%dma_wait3A_222 : memref<!tpu.dma_semaphore, #tpu.memory_space<semaphore_mem>>) src(%dma_wait3A_229 : memref<4x128xi32, #tpu.memory_space<hbm>>) dst(%dma_wait3A_226 : memref<4x128xi32, #tpu.memory_space<vmem>>)
      %lt3A = arith.constant 39 : i32
      %lt3A_230 = arith.cmpi slt, %scan3A_190, %lt3A : i32
      %convert_element_type3A_231 = arith.extui %lt3A_230 : i1 to i32
      %cond3A_232 = arith.constant 0 : i32
      %cond3A_233 = arith.cmpi ne, %convert_element_type3A_231, %cond3A_232 : i32
      scf.if %cond3A_233 {
        %add3A_446 = arith.constant 1 : i32
        %add3A_447 = arith.addi %scan3A_190, %add3A_446 : i32
        %add3A_448 = arith.constant 1 : i32
        %add3A_449 = arith.addi %scan3A_190, %add3A_448 : i32
        %rem3A_450 = arith.constant 3 : i32
        %rem3A_451 = arith.remsi %add3A_449, %rem3A_450 : i32
        %mul3A_452 = arith.constant 4 : i32
        %mul3A_453 = arith.muli %add3A_447, %mul3A_452 : i32
        %add3A_454 = arith.addi %mul3A_0, %mul3A_453 : i32
        %dma_start3A_455 = arith.constant 0 : i32
        %dma_start3A_456 = arith.constant 0 : i32
        %dma_start3A_457 = arith.constant 0 : i32
        %dma_start3A_458 = tpu.memref_slice %arg7[%rem3A_451, %dma_start3A_456, %dma_start3A_457] : memref<3x4x128xi32, #tpu.memory_space<vmem>> -> memref<1x4x128xi32, #tpu.memory_space<vmem>>
        %dma_start3A_459 = tpu.memref_squeeze %dma_start3A_458 : memref<1x4x128xi32, #tpu.memory_space<vmem>> -> memref<4x128xi32, #tpu.memory_space<vmem>>
        %dma_start3A_460 = arith.constant 0 : i32
        %dma_start3A_461 = tpu.memref_slice %arg3[%add3A_454, %dma_start3A_460] : memref<2560x128xi32, #tpu.memory_space<hbm>> -> memref<4x128xi32, #tpu.memory_space<hbm>>
        %dma_start3A_462 = tpu.memref_slice %arg11[%rem3A_451, %dma_start3A_455] : memref<3x2x!tpu.dma_semaphore, #tpu.memory_space<semaphore_mem>> -> memref<1x1x!tpu.dma_semaphore, #tpu.memory_space<semaphore_mem>>
        %dma_start3A_463 = tpu.memref_squeeze %dma_start3A_462 : memref<1x1x!tpu.dma_semaphore, #tpu.memory_space<semaphore_mem>> -> memref<!tpu.dma_semaphore, #tpu.memory_space<semaphore_mem>>
        %dma_start3A_464 = arith.constant 0 : i32
        %dma_start3A_465 = arith.constant 0 : i32
        %dma_start3A_466 = tpu.memref_slice %arg7[%rem3A_451, %dma_start3A_464, %dma_start3A_465] : memref<3x4x128xi32, #tpu.memory_space<vmem>> -> memref<1x4x128xi32, #tpu.memory_space<vmem>>
        %dma_start3A_467 = tpu.memref_squeeze %dma_start3A_466 : memref<1x4x128xi32, #tpu.memory_space<vmem>> -> memref<4x128xi32, #tpu.memory_space<vmem>>
        %dma_start3A_468 = arith.constant 0 : i32
        %dma_start3A_469 = tpu.memref_slice %arg3[%add3A_454, %dma_start3A_468] : memref<2560x128xi32, #tpu.memory_space<hbm>> -> memref<4x128xi32, #tpu.memory_space<hbm>>
        tpu.enqueue_dma source(%dma_start3A_469 : memref<4x128xi32, #tpu.memory_space<hbm>>) target(%dma_start3A_467 : memref<4x128xi32, #tpu.memory_space<vmem>>) target_semaphore(%dma_start3A_463 : memref<!tpu.dma_semaphore, #tpu.memory_space<semaphore_mem>>)
        %dma_start3A_470 = arith.constant 1 : i32
        %dma_start3A_471 = arith.constant 0 : i32
        %dma_start3A_472 = arith.constant 0 : i32
        %dma_start3A_473 = tpu.memref_slice %arg8[%rem3A_451, %dma_start3A_471, %dma_start3A_472] : memref<3x4x128xi32, #tpu.memory_space<vmem>> -> memref<1x4x128xi32, #tpu.memory_space<vmem>>
        %dma_start3A_474 = tpu.memref_squeeze %dma_start3A_473 : memref<1x4x128xi32, #tpu.memory_space<vmem>> -> memref<4x128xi32, #tpu.memory_space<vmem>>
        %dma_start3A_475 = arith.constant 0 : i32
        %dma_start3A_476 = tpu.memref_slice %arg4[%add3A_454, %dma_start3A_475] : memref<2560x128xi32, #tpu.memory_space<hbm>> -> memref<4x128xi32, #tpu.memory_space<hbm>>
        %dma_start3A_477 = tpu.memref_slice %arg11[%rem3A_451, %dma_start3A_470] : memref<3x2x!tpu.dma_semaphore, #tpu.memory_space<semaphore_mem>> -> memref<1x1x!tpu.dma_semaphore, #tpu.memory_space<semaphore_mem>>
        %dma_start3A_478 = tpu.memref_squeeze %dma_start3A_477 : memref<1x1x!tpu.dma_semaphore, #tpu.memory_space<semaphore_mem>> -> memref<!tpu.dma_semaphore, #tpu.memory_space<semaphore_mem>>
        %dma_start3A_479 = arith.constant 0 : i32
        %dma_start3A_480 = arith.constant 0 : i32
        %dma_start3A_481 = tpu.memref_slice %arg8[%rem3A_451, %dma_start3A_479, %dma_start3A_480] : memref<3x4x128xi32, #tpu.memory_space<vmem>> -> memref<1x4x128xi32, #tpu.memory_space<vmem>>
        %dma_start3A_482 = tpu.memref_squeeze %dma_start3A_481 : memref<1x4x128xi32, #tpu.memory_space<vmem>> -> memref<4x128xi32, #tpu.memory_space<vmem>>
        %dma_start3A_483 = arith.constant 0 : i32
        %dma_start3A_484 = tpu.memref_slice %arg4[%add3A_454, %dma_start3A_483] : memref<2560x128xi32, #tpu.memory_space<hbm>> -> memref<4x128xi32, #tpu.memory_space<hbm>>
        tpu.enqueue_dma source(%dma_start3A_484 : memref<4x128xi32, #tpu.memory_space<hbm>>) target(%dma_start3A_482 : memref<4x128xi32, #tpu.memory_space<vmem>>) target_semaphore(%dma_start3A_478 : memref<!tpu.dma_semaphore, #tpu.memory_space<semaphore_mem>>)
      } else {
      }
      %dma_start3A_234 = arith.constant 0 : i32
      %dma_start3A_235 = arith.constant 0 : i32
      %dma_start3A_236 = arith.constant 0 : i32
      %dma_start3A_237 = arith.constant 0 : i32
      %dma_start3A_238 = arith.constant 0 : i32
      %dma_start3A_239 = tpu.memref_slice %arg9[%rem3A_191, %dma_start3A_235, %dma_start3A_237, %dma_start3A_238] : memref<2x4x128x72xf32, #tpu.memory_space<vmem>> -> memref<1x1x128x72xf32, #tpu.memory_space<vmem>>
      %dma_start3A_240 = tpu.memref_squeeze %dma_start3A_239 : memref<1x1x128x72xf32, #tpu.memory_space<vmem>> -> memref<128x72xf32, #tpu.memory_space<vmem>>
      %dma_start3A_241 = arith.constant 0 : i32
      %dma_start3A_242 = tpu.memref_slice %arg7[%rem3A_193, %dma_start3A_234, %dma_start3A_241] : memref<3x4x128xi32, #tpu.memory_space<vmem>> -> memref<1x1x128xi32, #tpu.memory_space<vmem>>
      %dma_start3A_243 = tpu.memref_squeeze %dma_start3A_242 : memref<1x1x128xi32, #tpu.memory_space<vmem>> -> memref<128xi32, #tpu.memory_space<vmem>>
      %dma_start3A_244 = arith.constant 0 : i32
      %dma_start3A_245 = arith.constant 0 : i32
      %dma_start3A_246 = tpu.memref_slice %arg2[%arg0, %dma_start3A_244, %dma_start3A_245] : memref<2x10000x72xf32, #tpu.memory_space<hbm>> -> memref<1x10000x72xf32, #tpu.memory_space<hbm>>
      %dma_start3A_247 = tpu.memref_squeeze %dma_start3A_246 : memref<1x10000x72xf32, #tpu.memory_space<hbm>> -> memref<10000x72xf32, #tpu.memory_space<hbm>>
      %dma_start3A_248 = arith.constant 0 : i32
      %dma_start3A_249 = arith.constant 0 : i32
      %dma_start3A_250 = tpu.memref_slice %dma_start3A_247[%dma_start3A_248, %dma_start3A_249] : memref<10000x72xf32, #tpu.memory_space<hbm>> -> memref<10000x72xf32, #tpu.memory_space<hbm>>
      %dma_start3A_251 = tpu.memref_slice %arg12[%rem3A_191, %dma_start3A_236] : memref<2x4x!tpu.dma_semaphore, #tpu.memory_space<semaphore_mem>> -> memref<1x1x!tpu.dma_semaphore, #tpu.memory_space<semaphore_mem>>
      %dma_start3A_252 = tpu.memref_squeeze %dma_start3A_251 : memref<1x1x!tpu.dma_semaphore, #tpu.memory_space<semaphore_mem>> -> memref<!tpu.dma_semaphore, #tpu.memory_space<semaphore_mem>>
      tpu.enqueue_indirect_dma source(%dma_start3A_250 : memref<10000x72xf32, #tpu.memory_space<hbm>>) target(%dma_start3A_240 : memref<128x72xf32, #tpu.memory_space<vmem>>) offsets(%dma_start3A_243 : memref<128xi32, #tpu.memory_space<vmem>>) semaphore(%dma_start3A_252 : memref<!tpu.dma_semaphore, #tpu.memory_space<semaphore_mem>>)
      %dma_start3A_253 = arith.constant 1 : i32
      %dma_start3A_254 = arith.constant 1 : i32
      %dma_start3A_255 = arith.constant 1 : i32
      %dma_start3A_256 = arith.constant 0 : i32
      %dma_start3A_257 = arith.constant 0 : i32
      %dma_start3A_258 = tpu.memref_slice %arg9[%rem3A_191, %dma_start3A_254, %dma_start3A_256, %dma_start3A_257] : memref<2x4x128x72xf32, #tpu.memory_space<vmem>> -> memref<1x1x128x72xf32, #tpu.memory_space<vmem>>
      %dma_start3A_259 = tpu.memref_squeeze %dma_start3A_258 : memref<1x1x128x72xf32, #tpu.memory_space<vmem>> -> memref<128x72xf32, #tpu.memory_space<vmem>>
      %dma_start3A_260 = arith.constant 0 : i32
      %dma_start3A_261 = tpu.memref_slice %arg7[%rem3A_193, %dma_start3A_253, %dma_start3A_260] : memref<3x4x128xi32, #tpu.memory_space<vmem>> -> memref<1x1x128xi32, #tpu.memory_space<vmem>>
      %dma_start3A_262 = tpu.memref_squeeze %dma_start3A_261 : memref<1x1x128xi32, #tpu.memory_space<vmem>> -> memref<128xi32, #tpu.memory_space<vmem>>
      %dma_start3A_263 = arith.constant 0 : i32
      %dma_start3A_264 = arith.constant 0 : i32
      %dma_start3A_265 = tpu.memref_slice %arg2[%arg0, %dma_start3A_263, %dma_start3A_264] : memref<2x10000x72xf32, #tpu.memory_space<hbm>> -> memref<1x10000x72xf32, #tpu.memory_space<hbm>>
      %dma_start3A_266 = tpu.memref_squeeze %dma_start3A_265 : memref<1x10000x72xf32, #tpu.memory_space<hbm>> -> memref<10000x72xf32, #tpu.memory_space<hbm>>
      %dma_start3A_267 = arith.constant 0 : i32
      %dma_start3A_268 = arith.constant 0 : i32
      %dma_start3A_269 = tpu.memref_slice %dma_start3A_266[%dma_start3A_267, %dma_start3A_268] : memref<10000x72xf32, #tpu.memory_space<hbm>> -> memref<10000x72xf32, #tpu.memory_space<hbm>>
      %dma_start3A_270 = tpu.memref_slice %arg12[%rem3A_191, %dma_start3A_255] : memref<2x4x!tpu.dma_semaphore, #tpu.memory_space<semaphore_mem>> -> memref<1x1x!tpu.dma_semaphore, #tpu.memory_space<semaphore_mem>>
      %dma_start3A_271 = tpu.memref_squeeze %dma_start3A_270 : memref<1x1x!tpu.dma_semaphore, #tpu.memory_space<semaphore_mem>> -> memref<!tpu.dma_semaphore, #tpu.memory_space<semaphore_mem>>
      tpu.enqueue_indirect_dma source(%dma_start3A_269 : memref<10000x72xf32, #tpu.memory_space<hbm>>) target(%dma_start3A_259 : memref<128x72xf32, #tpu.memory_space<vmem>>) offsets(%dma_start3A_262 : memref<128xi32, #tpu.memory_space<vmem>>) semaphore(%dma_start3A_271 : memref<!tpu.dma_semaphore, #tpu.memory_space<semaphore_mem>>)
      %dma_start3A_272 = arith.constant 2 : i32
      %dma_start3A_273 = arith.constant 2 : i32
      %dma_start3A_274 = arith.constant 2 : i32
      %dma_start3A_275 = arith.constant 0 : i32
      %dma_start3A_276 = arith.constant 0 : i32
      %dma_start3A_277 = tpu.memref_slice %arg9[%rem3A_191, %dma_start3A_273, %dma_start3A_275, %dma_start3A_276] : memref<2x4x128x72xf32, #tpu.memory_space<vmem>> -> memref<1x1x128x72xf32, #tpu.memory_space<vmem>>
      %dma_start3A_278 = tpu.memref_squeeze %dma_start3A_277 : memref<1x1x128x72xf32, #tpu.memory_space<vmem>> -> memref<128x72xf32, #tpu.memory_space<vmem>>
      %dma_start3A_279 = arith.constant 0 : i32
      %dma_start3A_280 = tpu.memref_slice %arg7[%rem3A_193, %dma_start3A_272, %dma_start3A_279] : memref<3x4x128xi32, #tpu.memory_space<vmem>> -> memref<1x1x128xi32, #tpu.memory_space<vmem>>
      %dma_start3A_281 = tpu.memref_squeeze %dma_start3A_280 : memref<1x1x128xi32, #tpu.memory_space<vmem>> -> memref<128xi32, #tpu.memory_space<vmem>>
      %dma_start3A_282 = arith.constant 0 : i32
      %dma_start3A_283 = arith.constant 0 : i32
      %dma_start3A_284 = tpu.memref_slice %arg2[%arg0, %dma_start3A_282, %dma_start3A_283] : memref<2x10000x72xf32, #tpu.memory_space<hbm>> -> memref<1x10000x72xf32, #tpu.memory_space<hbm>>
      %dma_start3A_285 = tpu.memref_squeeze %dma_start3A_284 : memref<1x10000x72xf32, #tpu.memory_space<hbm>> -> memref<10000x72xf32, #tpu.memory_space<hbm>>
      %dma_start3A_286 = arith.constant 0 : i32
      %dma_start3A_287 = arith.constant 0 : i32
      %dma_start3A_288 = tpu.memref_slice %dma_start3A_285[%dma_start3A_286, %dma_start3A_287] : memref<10000x72xf32, #tpu.memory_space<hbm>> -> memref<10000x72xf32, #tpu.memory_space<hbm>>
      %dma_start3A_289 = tpu.memref_slice %arg12[%rem3A_191, %dma_start3A_274] : memref<2x4x!tpu.dma_semaphore, #tpu.memory_space<semaphore_mem>> -> memref<1x1x!tpu.dma_semaphore, #tpu.memory_space<semaphore_mem>>
      %dma_start3A_290 = tpu.memref_squeeze %dma_start3A_289 : memref<1x1x!tpu.dma_semaphore, #tpu.memory_space<semaphore_mem>> -> memref<!tpu.dma_semaphore, #tpu.memory_space<semaphore_mem>>
      tpu.enqueue_indirect_dma source(%dma_start3A_288 : memref<10000x72xf32, #tpu.memory_space<hbm>>) target(%dma_start3A_278 : memref<128x72xf32, #tpu.memory_space<vmem>>) offsets(%dma_start3A_281 : memref<128xi32, #tpu.memory_space<vmem>>) semaphore(%dma_start3A_290 : memref<!tpu.dma_semaphore, #tpu.memory_space<semaphore_mem>>)
      %dma_start3A_291 = arith.constant 3 : i32
      %dma_start3A_292 = arith.constant 3 : i32
      %dma_start3A_293 = arith.constant 3 : i32
      %dma_start3A_294 = arith.constant 0 : i32
      %dma_start3A_295 = arith.constant 0 : i32
      %dma_start3A_296 = tpu.memref_slice %arg9[%rem3A_191, %dma_start3A_292, %dma_start3A_294, %dma_start3A_295] : memref<2x4x128x72xf32, #tpu.memory_space<vmem>> -> memref<1x1x128x72xf32, #tpu.memory_space<vmem>>
      %dma_start3A_297 = tpu.memref_squeeze %dma_start3A_296 : memref<1x1x128x72xf32, #tpu.memory_space<vmem>> -> memref<128x72xf32, #tpu.memory_space<vmem>>
      %dma_start3A_298 = arith.constant 0 : i32
      %dma_start3A_299 = tpu.memref_slice %arg7[%rem3A_193, %dma_start3A_291, %dma_start3A_298] : memref<3x4x128xi32, #tpu.memory_space<vmem>> -> memref<1x1x128xi32, #tpu.memory_space<vmem>>
      %dma_start3A_300 = tpu.memref_squeeze %dma_start3A_299 : memref<1x1x128xi32, #tpu.memory_space<vmem>> -> memref<128xi32, #tpu.memory_space<vmem>>
      %dma_start3A_301 = arith.constant 0 : i32
      %dma_start3A_302 = arith.constant 0 : i32
      %dma_start3A_303 = tpu.memref_slice %arg2[%arg0, %dma_start3A_301, %dma_start3A_302] : memref<2x10000x72xf32, #tpu.memory_space<hbm>> -> memref<1x10000x72xf32, #tpu.memory_space<hbm>>
      %dma_start3A_304 = tpu.memref_squeeze %dma_start3A_303 : memref<1x10000x72xf32, #tpu.memory_space<hbm>> -> memref<10000x72xf32, #tpu.memory_space<hbm>>
      %dma_start3A_305 = arith.constant 0 : i32
      %dma_start3A_306 = arith.constant 0 : i32
      %dma_start3A_307 = tpu.memref_slice %dma_start3A_304[%dma_start3A_305, %dma_start3A_306] : memref<10000x72xf32, #tpu.memory_space<hbm>> -> memref<10000x72xf32, #tpu.memory_space<hbm>>
      %dma_start3A_308 = tpu.memref_slice %arg12[%rem3A_191, %dma_start3A_293] : memref<2x4x!tpu.dma_semaphore, #tpu.memory_space<semaphore_mem>> -> memref<1x1x!tpu.dma_semaphore, #tpu.memory_space<semaphore_mem>>
      %dma_start3A_309 = tpu.memref_squeeze %dma_start3A_308 : memref<1x1x!tpu.dma_semaphore, #tpu.memory_space<semaphore_mem>> -> memref<!tpu.dma_semaphore, #tpu.memory_space<semaphore_mem>>
      tpu.enqueue_indirect_dma source(%dma_start3A_307 : memref<10000x72xf32, #tpu.memory_space<hbm>>) target(%dma_start3A_297 : memref<128x72xf32, #tpu.memory_space<vmem>>) offsets(%dma_start3A_300 : memref<128xi32, #tpu.memory_space<vmem>>) semaphore(%dma_start3A_309 : memref<!tpu.dma_semaphore, #tpu.memory_space<semaphore_mem>>)
      %dma_wait3A_310 = arith.constant 0 : i32
      %dma_wait3A_311 = arith.constant 0 : i32
      %dma_wait3A_312 = arith.constant 0 : i32
      %dma_wait3A_313 = arith.constant 0 : i32
      %dma_wait3A_314 = arith.constant 0 : i32
      %dma_wait3A_315 = tpu.memref_slice %arg9[%rem3A_191, %dma_wait3A_311, %dma_wait3A_313, %dma_wait3A_314] : memref<2x4x128x72xf32, #tpu.memory_space<vmem>> -> memref<1x1x128x72xf32, #tpu.memory_space<vmem>>
      %dma_wait3A_316 = tpu.memref_squeeze %dma_wait3A_315 : memref<1x1x128x72xf32, #tpu.memory_space<vmem>> -> memref<128x72xf32, #tpu.memory_space<vmem>>
      %dma_wait3A_317 = arith.constant 0 : i32
      %dma_wait3A_318 = tpu.memref_slice %arg7[%rem3A_193, %dma_wait3A_310, %dma_wait3A_317] : memref<3x4x128xi32, #tpu.memory_space<vmem>> -> memref<1x1x128xi32, #tpu.memory_space<vmem>>
      %dma_wait3A_319 = tpu.memref_squeeze %dma_wait3A_318 : memref<1x1x128xi32, #tpu.memory_space<vmem>> -> memref<128xi32, #tpu.memory_space<vmem>>
      %dma_wait3A_320 = arith.constant 0 : i32
      %dma_wait3A_321 = arith.constant 0 : i32
      %dma_wait3A_322 = tpu.memref_slice %arg2[%arg0, %dma_wait3A_320, %dma_wait3A_321] : memref<2x10000x72xf32, #tpu.memory_space<hbm>> -> memref<1x10000x72xf32, #tpu.memory_space<hbm>>
      %dma_wait3A_323 = tpu.memref_squeeze %dma_wait3A_322 : memref<1x10000x72xf32, #tpu.memory_space<hbm>> -> memref<10000x72xf32, #tpu.memory_space<hbm>>
      %dma_wait3A_324 = arith.constant 0 : i32
      %dma_wait3A_325 = arith.constant 0 : i32
      %dma_wait3A_326 = tpu.memref_slice %dma_wait3A_323[%dma_wait3A_324, %dma_wait3A_325] : memref<10000x72xf32, #tpu.memory_space<hbm>> -> memref<10000x72xf32, #tpu.memory_space<hbm>>
      %dma_wait3A_327 = tpu.memref_slice %arg12[%rem3A_191, %dma_wait3A_312] : memref<2x4x!tpu.dma_semaphore, #tpu.memory_space<semaphore_mem>> -> memref<1x1x!tpu.dma_semaphore, #tpu.memory_space<semaphore_mem>>
      %dma_wait3A_328 = tpu.memref_squeeze %dma_wait3A_327 : memref<1x1x!tpu.dma_semaphore, #tpu.memory_space<semaphore_mem>> -> memref<!tpu.dma_semaphore, #tpu.memory_space<semaphore_mem>>
      tpu.wait_indirect_dma semaphore(%dma_wait3A_328 : memref<!tpu.dma_semaphore, #tpu.memory_space<semaphore_mem>>) src(%dma_wait3A_326 : memref<10000x72xf32, #tpu.memory_space<hbm>>) dst(%dma_wait3A_316 : memref<128x72xf32, #tpu.memory_space<vmem>>)
      %dma_start3A_329 = arith.constant 0 : i32
      %dma_start3A_330 = arith.constant 0 : i32
      %dma_start3A_331 = arith.constant 0 : i32
      %dma_start3A_332 = arith.constant 0 : i32
      %dma_start3A_333 = arith.constant 0 : i32
      %dma_start3A_334 = tpu.memref_slice %arg9[%rem3A_191, %dma_start3A_329, %dma_start3A_332, %dma_start3A_333] : memref<2x4x128x72xf32, #tpu.memory_space<vmem>> -> memref<1x1x128x72xf32, #tpu.memory_space<vmem>>
      %dma_start3A_335 = tpu.memref_squeeze %dma_start3A_334 : memref<1x1x128x72xf32, #tpu.memory_space<vmem>> -> memref<128x72xf32, #tpu.memory_space<vmem>>
      %dma_start3A_336 = arith.constant 0 : i32
      %dma_start3A_337 = tpu.memref_slice %arg8[%rem3A_193, %dma_start3A_330, %dma_start3A_336] : memref<3x4x128xi32, #tpu.memory_space<vmem>> -> memref<1x1x128xi32, #tpu.memory_space<vmem>>
      %dma_start3A_338 = tpu.memref_squeeze %dma_start3A_337 : memref<1x1x128xi32, #tpu.memory_space<vmem>> -> memref<128xi32, #tpu.memory_space<vmem>>
      %dma_start3A_339 = arith.constant 0 : i32
      %dma_start3A_340 = arith.constant 0 : i32
      %dma_start3A_341 = tpu.memref_slice %arg10[%dma_start3A_339, %dma_start3A_340] : memref<10112x72xf32, #tpu.memory_space<vmem_shared>> -> memref<10112x72xf32, #tpu.memory_space<vmem_shared>>
      %dma_start3A_342 = tpu.memref_slice %arg13[%rem3A_191, %dma_start3A_331] : memref<2x4x!tpu.dma_semaphore, #tpu.memory_space<semaphore_mem>> -> memref<1x1x!tpu.dma_semaphore, #tpu.memory_space<semaphore_mem>>
      %dma_start3A_343 = tpu.memref_squeeze %dma_start3A_342 : memref<1x1x!tpu.dma_semaphore, #tpu.memory_space<semaphore_mem>> -> memref<!tpu.dma_semaphore, #tpu.memory_space<semaphore_mem>>
      tpu.enqueue_indirect_dma source(%dma_start3A_335 : memref<128x72xf32, #tpu.memory_space<vmem>>) target(%dma_start3A_341 : memref<10112x72xf32, #tpu.memory_space<vmem_shared>>) offsets(%dma_start3A_338 : memref<128xi32, #tpu.memory_space<vmem>>) semaphore(%dma_start3A_343 : memref<!tpu.dma_semaphore, #tpu.memory_space<semaphore_mem>>) {add = true}
      %dma_wait3A_344 = arith.constant 1 : i32
      %dma_wait3A_345 = arith.constant 1 : i32
      %dma_wait3A_346 = arith.constant 1 : i32
      %dma_wait3A_347 = arith.constant 0 : i32
      %dma_wait3A_348 = arith.constant 0 : i32
      %dma_wait3A_349 = tpu.memref_slice %arg9[%rem3A_191, %dma_wait3A_345, %dma_wait3A_347, %dma_wait3A_348] : memref<2x4x128x72xf32, #tpu.memory_space<vmem>> -> memref<1x1x128x72xf32, #tpu.memory_space<vmem>>
      %dma_wait3A_350 = tpu.memref_squeeze %dma_wait3A_349 : memref<1x1x128x72xf32, #tpu.memory_space<vmem>> -> memref<128x72xf32, #tpu.memory_space<vmem>>
      %dma_wait3A_351 = arith.constant 0 : i32
      %dma_wait3A_352 = tpu.memref_slice %arg7[%rem3A_193, %dma_wait3A_344, %dma_wait3A_351] : memref<3x4x128xi32, #tpu.memory_space<vmem>> -> memref<1x1x128xi32, #tpu.memory_space<vmem>>
      %dma_wait3A_353 = tpu.memref_squeeze %dma_wait3A_352 : memref<1x1x128xi32, #tpu.memory_space<vmem>> -> memref<128xi32, #tpu.memory_space<vmem>>
      %dma_wait3A_354 = arith.constant 0 : i32
      %dma_wait3A_355 = arith.constant 0 : i32
      %dma_wait3A_356 = tpu.memref_slice %arg2[%arg0, %dma_wait3A_354, %dma_wait3A_355] : memref<2x10000x72xf32, #tpu.memory_space<hbm>> -> memref<1x10000x72xf32, #tpu.memory_space<hbm>>
      %dma_wait3A_357 = tpu.memref_squeeze %dma_wait3A_356 : memref<1x10000x72xf32, #tpu.memory_space<hbm>> -> memref<10000x72xf32, #tpu.memory_space<hbm>>
      %dma_wait3A_358 = arith.constant 0 : i32
      %dma_wait3A_359 = arith.constant 0 : i32
      %dma_wait3A_360 = tpu.memref_slice %dma_wait3A_357[%dma_wait3A_358, %dma_wait3A_359] : memref<10000x72xf32, #tpu.memory_space<hbm>> -> memref<10000x72xf32, #tpu.memory_space<hbm>>
      %dma_wait3A_361 = tpu.memref_slice %arg12[%rem3A_191, %dma_wait3A_346] : memref<2x4x!tpu.dma_semaphore, #tpu.memory_space<semaphore_mem>> -> memref<1x1x!tpu.dma_semaphore, #tpu.memory_space<semaphore_mem>>
      %dma_wait3A_362 = tpu.memref_squeeze %dma_wait3A_361 : memref<1x1x!tpu.dma_semaphore, #tpu.memory_space<semaphore_mem>> -> memref<!tpu.dma_semaphore, #tpu.memory_space<semaphore_mem>>
      tpu.wait_indirect_dma semaphore(%dma_wait3A_362 : memref<!tpu.dma_semaphore, #tpu.memory_space<semaphore_mem>>) src(%dma_wait3A_360 : memref<10000x72xf32, #tpu.memory_space<hbm>>) dst(%dma_wait3A_350 : memref<128x72xf32, #tpu.memory_space<vmem>>)
      %dma_start3A_363 = arith.constant 1 : i32
      %dma_start3A_364 = arith.constant 1 : i32
      %dma_start3A_365 = arith.constant 1 : i32
      %dma_start3A_366 = arith.constant 0 : i32
      %dma_start3A_367 = arith.constant 0 : i32
      %dma_start3A_368 = tpu.memref_slice %arg9[%rem3A_191, %dma_start3A_363, %dma_start3A_366, %dma_start3A_367] : memref<2x4x128x72xf32, #tpu.memory_space<vmem>> -> memref<1x1x128x72xf32, #tpu.memory_space<vmem>>
      %dma_start3A_369 = tpu.memref_squeeze %dma_start3A_368 : memref<1x1x128x72xf32, #tpu.memory_space<vmem>> -> memref<128x72xf32, #tpu.memory_space<vmem>>
      %dma_start3A_370 = arith.constant 0 : i32
      %dma_start3A_371 = tpu.memref_slice %arg8[%rem3A_193, %dma_start3A_364, %dma_start3A_370] : memref<3x4x128xi32, #tpu.memory_space<vmem>> -> memref<1x1x128xi32, #tpu.memory_space<vmem>>
      %dma_start3A_372 = tpu.memref_squeeze %dma_start3A_371 : memref<1x1x128xi32, #tpu.memory_space<vmem>> -> memref<128xi32, #tpu.memory_space<vmem>>
      %dma_start3A_373 = arith.constant 0 : i32
      %dma_start3A_374 = arith.constant 0 : i32
      %dma_start3A_375 = tpu.memref_slice %arg10[%dma_start3A_373, %dma_start3A_374] : memref<10112x72xf32, #tpu.memory_space<vmem_shared>> -> memref<10112x72xf32, #tpu.memory_space<vmem_shared>>
      %dma_start3A_376 = tpu.memref_slice %arg13[%rem3A_191, %dma_start3A_365] : memref<2x4x!tpu.dma_semaphore, #tpu.memory_space<semaphore_mem>> -> memref<1x1x!tpu.dma_semaphore, #tpu.memory_space<semaphore_mem>>
      %dma_start3A_377 = tpu.memref_squeeze %dma_start3A_376 : memref<1x1x!tpu.dma_semaphore, #tpu.memory_space<semaphore_mem>> -> memref<!tpu.dma_semaphore, #tpu.memory_space<semaphore_mem>>
      tpu.enqueue_indirect_dma source(%dma_start3A_369 : memref<128x72xf32, #tpu.memory_space<vmem>>) target(%dma_start3A_375 : memref<10112x72xf32, #tpu.memory_space<vmem_shared>>) offsets(%dma_start3A_372 : memref<128xi32, #tpu.memory_space<vmem>>) semaphore(%dma_start3A_377 : memref<!tpu.dma_semaphore, #tpu.memory_space<semaphore_mem>>) {add = true}
      %dma_wait3A_378 = arith.constant 2 : i32
      %dma_wait3A_379 = arith.constant 2 : i32
      %dma_wait3A_380 = arith.constant 2 : i32
      %dma_wait3A_381 = arith.constant 0 : i32
      %dma_wait3A_382 = arith.constant 0 : i32
      %dma_wait3A_383 = tpu.memref_slice %arg9[%rem3A_191, %dma_wait3A_379, %dma_wait3A_381, %dma_wait3A_382] : memref<2x4x128x72xf32, #tpu.memory_space<vmem>> -> memref<1x1x128x72xf32, #tpu.memory_space<vmem>>
      %dma_wait3A_384 = tpu.memref_squeeze %dma_wait3A_383 : memref<1x1x128x72xf32, #tpu.memory_space<vmem>> -> memref<128x72xf32, #tpu.memory_space<vmem>>
      %dma_wait3A_385 = arith.constant 0 : i32
      %dma_wait3A_386 = tpu.memref_slice %arg7[%rem3A_193, %dma_wait3A_378, %dma_wait3A_385] : memref<3x4x128xi32, #tpu.memory_space<vmem>> -> memref<1x1x128xi32, #tpu.memory_space<vmem>>
      %dma_wait3A_387 = tpu.memref_squeeze %dma_wait3A_386 : memref<1x1x128xi32, #tpu.memory_space<vmem>> -> memref<128xi32, #tpu.memory_space<vmem>>
      %dma_wait3A_388 = arith.constant 0 : i32
      %dma_wait3A_389 = arith.constant 0 : i32
      %dma_wait3A_390 = tpu.memref_slice %arg2[%arg0, %dma_wait3A_388, %dma_wait3A_389] : memref<2x10000x72xf32, #tpu.memory_space<hbm>> -> memref<1x10000x72xf32, #tpu.memory_space<hbm>>
      %dma_wait3A_391 = tpu.memref_squeeze %dma_wait3A_390 : memref<1x10000x72xf32, #tpu.memory_space<hbm>> -> memref<10000x72xf32, #tpu.memory_space<hbm>>
      %dma_wait3A_392 = arith.constant 0 : i32
      %dma_wait3A_393 = arith.constant 0 : i32
      %dma_wait3A_394 = tpu.memref_slice %dma_wait3A_391[%dma_wait3A_392, %dma_wait3A_393] : memref<10000x72xf32, #tpu.memory_space<hbm>> -> memref<10000x72xf32, #tpu.memory_space<hbm>>
      %dma_wait3A_395 = tpu.memref_slice %arg12[%rem3A_191, %dma_wait3A_380] : memref<2x4x!tpu.dma_semaphore, #tpu.memory_space<semaphore_mem>> -> memref<1x1x!tpu.dma_semaphore, #tpu.memory_space<semaphore_mem>>
      %dma_wait3A_396 = tpu.memref_squeeze %dma_wait3A_395 : memref<1x1x!tpu.dma_semaphore, #tpu.memory_space<semaphore_mem>> -> memref<!tpu.dma_semaphore, #tpu.memory_space<semaphore_mem>>
      tpu.wait_indirect_dma semaphore(%dma_wait3A_396 : memref<!tpu.dma_semaphore, #tpu.memory_space<semaphore_mem>>) src(%dma_wait3A_394 : memref<10000x72xf32, #tpu.memory_space<hbm>>) dst(%dma_wait3A_384 : memref<128x72xf32, #tpu.memory_space<vmem>>)
      %dma_start3A_397 = arith.constant 2 : i32
      %dma_start3A_398 = arith.constant 2 : i32
      %dma_start3A_399 = arith.constant 2 : i32
      %dma_start3A_400 = arith.constant 0 : i32
      %dma_start3A_401 = arith.constant 0 : i32
      %dma_start3A_402 = tpu.memref_slice %arg9[%rem3A_191, %dma_start3A_397, %dma_start3A_400, %dma_start3A_401] : memref<2x4x128x72xf32, #tpu.memory_space<vmem>> -> memref<1x1x128x72xf32, #tpu.memory_space<vmem>>
      %dma_start3A_403 = tpu.memref_squeeze %dma_start3A_402 : memref<1x1x128x72xf32, #tpu.memory_space<vmem>> -> memref<128x72xf32, #tpu.memory_space<vmem>>
      %dma_start3A_404 = arith.constant 0 : i32
      %dma_start3A_405 = tpu.memref_slice %arg8[%rem3A_193, %dma_start3A_398, %dma_start3A_404] : memref<3x4x128xi32, #tpu.memory_space<vmem>> -> memref<1x1x128xi32, #tpu.memory_space<vmem>>
      %dma_start3A_406 = tpu.memref_squeeze %dma_start3A_405 : memref<1x1x128xi32, #tpu.memory_space<vmem>> -> memref<128xi32, #tpu.memory_space<vmem>>
      %dma_start3A_407 = arith.constant 0 : i32
      %dma_start3A_408 = arith.constant 0 : i32
      %dma_start3A_409 = tpu.memref_slice %arg10[%dma_start3A_407, %dma_start3A_408] : memref<10112x72xf32, #tpu.memory_space<vmem_shared>> -> memref<10112x72xf32, #tpu.memory_space<vmem_shared>>
      %dma_start3A_410 = tpu.memref_slice %arg13[%rem3A_191, %dma_start3A_399] : memref<2x4x!tpu.dma_semaphore, #tpu.memory_space<semaphore_mem>> -> memref<1x1x!tpu.dma_semaphore, #tpu.memory_space<semaphore_mem>>
      %dma_start3A_411 = tpu.memref_squeeze %dma_start3A_410 : memref<1x1x!tpu.dma_semaphore, #tpu.memory_space<semaphore_mem>> -> memref<!tpu.dma_semaphore, #tpu.memory_space<semaphore_mem>>
      tpu.enqueue_indirect_dma source(%dma_start3A_403 : memref<128x72xf32, #tpu.memory_space<vmem>>) target(%dma_start3A_409 : memref<10112x72xf32, #tpu.memory_space<vmem_shared>>) offsets(%dma_start3A_406 : memref<128xi32, #tpu.memory_space<vmem>>) semaphore(%dma_start3A_411 : memref<!tpu.dma_semaphore, #tpu.memory_space<semaphore_mem>>) {add = true}
      %dma_wait3A_412 = arith.constant 3 : i32
      %dma_wait3A_413 = arith.constant 3 : i32
      %dma_wait3A_414 = arith.constant 3 : i32
      %dma_wait3A_415 = arith.constant 0 : i32
      %dma_wait3A_416 = arith.constant 0 : i32
      %dma_wait3A_417 = tpu.memref_slice %arg9[%rem3A_191, %dma_wait3A_413, %dma_wait3A_415, %dma_wait3A_416] : memref<2x4x128x72xf32, #tpu.memory_space<vmem>> -> memref<1x1x128x72xf32, #tpu.memory_space<vmem>>
      %dma_wait3A_418 = tpu.memref_squeeze %dma_wait3A_417 : memref<1x1x128x72xf32, #tpu.memory_space<vmem>> -> memref<128x72xf32, #tpu.memory_space<vmem>>
      %dma_wait3A_419 = arith.constant 0 : i32
      %dma_wait3A_420 = tpu.memref_slice %arg7[%rem3A_193, %dma_wait3A_412, %dma_wait3A_419] : memref<3x4x128xi32, #tpu.memory_space<vmem>> -> memref<1x1x128xi32, #tpu.memory_space<vmem>>
      %dma_wait3A_421 = tpu.memref_squeeze %dma_wait3A_420 : memref<1x1x128xi32, #tpu.memory_space<vmem>> -> memref<128xi32, #tpu.memory_space<vmem>>
      %dma_wait3A_422 = arith.constant 0 : i32
      %dma_wait3A_423 = arith.constant 0 : i32
      %dma_wait3A_424 = tpu.memref_slice %arg2[%arg0, %dma_wait3A_422, %dma_wait3A_423] : memref<2x10000x72xf32, #tpu.memory_space<hbm>> -> memref<1x10000x72xf32, #tpu.memory_space<hbm>>
      %dma_wait3A_425 = tpu.memref_squeeze %dma_wait3A_424 : memref<1x10000x72xf32, #tpu.memory_space<hbm>> -> memref<10000x72xf32, #tpu.memory_space<hbm>>
      %dma_wait3A_426 = arith.constant 0 : i32
      %dma_wait3A_427 = arith.constant 0 : i32
      %dma_wait3A_428 = tpu.memref_slice %dma_wait3A_425[%dma_wait3A_426, %dma_wait3A_427] : memref<10000x72xf32, #tpu.memory_space<hbm>> -> memref<10000x72xf32, #tpu.memory_space<hbm>>
      %dma_wait3A_429 = tpu.memref_slice %arg12[%rem3A_191, %dma_wait3A_414] : memref<2x4x!tpu.dma_semaphore, #tpu.memory_space<semaphore_mem>> -> memref<1x1x!tpu.dma_semaphore, #tpu.memory_space<semaphore_mem>>
      %dma_wait3A_430 = tpu.memref_squeeze %dma_wait3A_429 : memref<1x1x!tpu.dma_semaphore, #tpu.memory_space<semaphore_mem>> -> memref<!tpu.dma_semaphore, #tpu.memory_space<semaphore_mem>>
      tpu.wait_indirect_dma semaphore(%dma_wait3A_430 : memref<!tpu.dma_semaphore, #tpu.memory_space<semaphore_mem>>) src(%dma_wait3A_428 : memref<10000x72xf32, #tpu.memory_space<hbm>>) dst(%dma_wait3A_418 : memref<128x72xf32, #tpu.memory_space<vmem>>)
      %dma_start3A_431 = arith.constant 3 : i32
      %dma_start3A_432 = arith.constant 3 : i32
      %dma_start3A_433 = arith.constant 3 : i32
      %dma_start3A_434 = arith.constant 0 : i32
      %dma_start3A_435 = arith.constant 0 : i32
      %dma_start3A_436 = tpu.memref_slice %arg9[%rem3A_191, %dma_start3A_431, %dma_start3A_434, %dma_start3A_435] : memref<2x4x128x72xf32, #tpu.memory_space<vmem>> -> memref<1x1x128x72xf32, #tpu.memory_space<vmem>>
      %dma_start3A_437 = tpu.memref_squeeze %dma_start3A_436 : memref<1x1x128x72xf32, #tpu.memory_space<vmem>> -> memref<128x72xf32, #tpu.memory_space<vmem>>
      %dma_start3A_438 = arith.constant 0 : i32
      %dma_start3A_439 = tpu.memref_slice %arg8[%rem3A_193, %dma_start3A_432, %dma_start3A_438] : memref<3x4x128xi32, #tpu.memory_space<vmem>> -> memref<1x1x128xi32, #tpu.memory_space<vmem>>
      %dma_start3A_440 = tpu.memref_squeeze %dma_start3A_439 : memref<1x1x128xi32, #tpu.memory_space<vmem>> -> memref<128xi32, #tpu.memory_space<vmem>>
      %dma_start3A_441 = arith.constant 0 : i32
      %dma_start3A_442 = arith.constant 0 : i32
      %dma_start3A_443 = tpu.memref_slice %arg10[%dma_start3A_441, %dma_start3A_442] : memref<10112x72xf32, #tpu.memory_space<vmem_shared>> -> memref<10112x72xf32, #tpu.memory_space<vmem_shared>>
      %dma_start3A_444 = tpu.memref_slice %arg13[%rem3A_191, %dma_start3A_433] : memref<2x4x!tpu.dma_semaphore, #tpu.memory_space<semaphore_mem>> -> memref<1x1x!tpu.dma_semaphore, #tpu.memory_space<semaphore_mem>>
      %dma_start3A_445 = tpu.memref_squeeze %dma_start3A_444 : memref<1x1x!tpu.dma_semaphore, #tpu.memory_space<semaphore_mem>> -> memref<!tpu.dma_semaphore, #tpu.memory_space<semaphore_mem>>
      tpu.enqueue_indirect_dma source(%dma_start3A_437 : memref<128x72xf32, #tpu.memory_space<vmem>>) target(%dma_start3A_443 : memref<10112x72xf32, #tpu.memory_space<vmem_shared>>) offsets(%dma_start3A_440 : memref<128xi32, #tpu.memory_space<vmem>>) semaphore(%dma_start3A_445 : memref<!tpu.dma_semaphore, #tpu.memory_space<semaphore_mem>>) {add = true}
    }
    %scan3A_41 = arith.constant 40 : i32
    %dma_wait3A = arith.constant 0 : i32
    %dma_wait3A_42 = arith.constant 0 : i32
    %dma_wait3A_43 = arith.constant 2 : i32
    %dma_wait3A_44 = arith.constant 0 : i32
    %dma_wait3A_45 = arith.constant 0 : i32
    %dma_wait3A_46 = arith.constant 0 : i32
    %dma_wait3A_47 = arith.constant 0 : i32
    %dma_wait3A_48 = arith.constant 0 : i32
    %dma_wait3A_49 = tpu.memref_slice %arg9[%dma_wait3A, %dma_wait3A_42, %dma_wait3A_47, %dma_wait3A_48] : memref<2x4x128x72xf32, #tpu.memory_space<vmem>> -> memref<1x1x128x72xf32, #tpu.memory_space<vmem>>
    %dma_wait3A_50 = tpu.memref_squeeze %dma_wait3A_49 : memref<1x1x128x72xf32, #tpu.memory_space<vmem>> -> memref<128x72xf32, #tpu.memory_space<vmem>>
    %dma_wait3A_51 = arith.constant 0 : i32
    %dma_wait3A_52 = tpu.memref_slice %arg8[%dma_wait3A_43, %dma_wait3A_44, %dma_wait3A_51] : memref<3x4x128xi32, #tpu.memory_space<vmem>> -> memref<1x1x128xi32, #tpu.memory_space<vmem>>
    %dma_wait3A_53 = tpu.memref_squeeze %dma_wait3A_52 : memref<1x1x128xi32, #tpu.memory_space<vmem>> -> memref<128xi32, #tpu.memory_space<vmem>>
    %dma_wait3A_54 = arith.constant 0 : i32
    %dma_wait3A_55 = arith.constant 0 : i32
    %dma_wait3A_56 = tpu.memref_slice %arg10[%dma_wait3A_54, %dma_wait3A_55] : memref<10112x72xf32, #tpu.memory_space<vmem_shared>> -> memref<10112x72xf32, #tpu.memory_space<vmem_shared>>
    %dma_wait3A_57 = tpu.memref_slice %arg13[%dma_wait3A_45, %dma_wait3A_46] : memref<2x4x!tpu.dma_semaphore, #tpu.memory_space<semaphore_mem>> -> memref<1x1x!tpu.dma_semaphore, #tpu.memory_space<semaphore_mem>>
    %dma_wait3A_58 = tpu.memref_squeeze %dma_wait3A_57 : memref<1x1x!tpu.dma_semaphore, #tpu.memory_space<semaphore_mem>> -> memref<!tpu.dma_semaphore, #tpu.memory_space<semaphore_mem>>
    tpu.wait_indirect_dma semaphore(%dma_wait3A_58 : memref<!tpu.dma_semaphore, #tpu.memory_space<semaphore_mem>>) src(%dma_wait3A_50 : memref<128x72xf32, #tpu.memory_space<vmem>>) dst(%dma_wait3A_56 : memref<10112x72xf32, #tpu.memory_space<vmem_shared>>)
    %dma_wait3A_59 = arith.constant 0 : i32
    %dma_wait3A_60 = arith.constant 1 : i32
    %dma_wait3A_61 = arith.constant 2 : i32
    %dma_wait3A_62 = arith.constant 1 : i32
    %dma_wait3A_63 = arith.constant 0 : i32
    %dma_wait3A_64 = arith.constant 1 : i32
    %dma_wait3A_65 = arith.constant 0 : i32
    %dma_wait3A_66 = arith.constant 0 : i32
    %dma_wait3A_67 = tpu.memref_slice %arg9[%dma_wait3A_59, %dma_wait3A_60, %dma_wait3A_65, %dma_wait3A_66] : memref<2x4x128x72xf32, #tpu.memory_space<vmem>> -> memref<1x1x128x72xf32, #tpu.memory_space<vmem>>
    %dma_wait3A_68 = tpu.memref_squeeze %dma_wait3A_67 : memref<1x1x128x72xf32, #tpu.memory_space<vmem>> -> memref<128x72xf32, #tpu.memory_space<vmem>>
    %dma_wait3A_69 = arith.constant 0 : i32
    %dma_wait3A_70 = tpu.memref_slice %arg8[%dma_wait3A_61, %dma_wait3A_62, %dma_wait3A_69] : memref<3x4x128xi32, #tpu.memory_space<vmem>> -> memref<1x1x128xi32, #tpu.memory_space<vmem>>
    %dma_wait3A_71 = tpu.memref_squeeze %dma_wait3A_70 : memref<1x1x128xi32, #tpu.memory_space<vmem>> -> memref<128xi32, #tpu.memory_space<vmem>>
    %dma_wait3A_72 = arith.constant 0 : i32
    %dma_wait3A_73 = arith.constant 0 : i32
    %dma_wait3A_74 = tpu.memref_slice %arg10[%dma_wait3A_72, %dma_wait3A_73] : memref<10112x72xf32, #tpu.memory_space<vmem_shared>> -> memref<10112x72xf32, #tpu.memory_space<vmem_shared>>
    %dma_wait3A_75 = tpu.memref_slice %arg13[%dma_wait3A_63, %dma_wait3A_64] : memref<2x4x!tpu.dma_semaphore, #tpu.memory_space<semaphore_mem>> -> memref<1x1x!tpu.dma_semaphore, #tpu.memory_space<semaphore_mem>>
    %dma_wait3A_76 = tpu.memref_squeeze %dma_wait3A_75 : memref<1x1x!tpu.dma_semaphore, #tpu.memory_space<semaphore_mem>> -> memref<!tpu.dma_semaphore, #tpu.memory_space<semaphore_mem>>
    tpu.wait_indirect_dma semaphore(%dma_wait3A_76 : memref<!tpu.dma_semaphore, #tpu.memory_space<semaphore_mem>>) src(%dma_wait3A_68 : memref<128x72xf32, #tpu.memory_space<vmem>>) dst(%dma_wait3A_74 : memref<10112x72xf32, #tpu.memory_space<vmem_shared>>)
    %dma_wait3A_77 = arith.constant 0 : i32
    %dma_wait3A_78 = arith.constant 2 : i32
    %dma_wait3A_79 = arith.constant 2 : i32
    %dma_wait3A_80 = arith.constant 2 : i32
    %dma_wait3A_81 = arith.constant 0 : i32
    %dma_wait3A_82 = arith.constant 2 : i32
    %dma_wait3A_83 = arith.constant 0 : i32
    %dma_wait3A_84 = arith.constant 0 : i32
    %dma_wait3A_85 = tpu.memref_slice %arg9[%dma_wait3A_77, %dma_wait3A_78, %dma_wait3A_83, %dma_wait3A_84] : memref<2x4x128x72xf32, #tpu.memory_space<vmem>> -> memref<1x1x128x72xf32, #tpu.memory_space<vmem>>
    %dma_wait3A_86 = tpu.memref_squeeze %dma_wait3A_85 : memref<1x1x128x72xf32, #tpu.memory_space<vmem>> -> memref<128x72xf32, #tpu.memory_space<vmem>>
    %dma_wait3A_87 = arith.constant 0 : i32
    %dma_wait3A_88 = tpu.memref_slice %arg8[%dma_wait3A_79, %dma_wait3A_80, %dma_wait3A_87] : memref<3x4x128xi32, #tpu.memory_space<vmem>> -> memref<1x1x128xi32, #tpu.memory_space<vmem>>
    %dma_wait3A_89 = tpu.memref_squeeze %dma_wait3A_88 : memref<1x1x128xi32, #tpu.memory_space<vmem>> -> memref<128xi32, #tpu.memory_space<vmem>>
    %dma_wait3A_90 = arith.constant 0 : i32
    %dma_wait3A_91 = arith.constant 0 : i32
    %dma_wait3A_92 = tpu.memref_slice %arg10[%dma_wait3A_90, %dma_wait3A_91] : memref<10112x72xf32, #tpu.memory_space<vmem_shared>> -> memref<10112x72xf32, #tpu.memory_space<vmem_shared>>
    %dma_wait3A_93 = tpu.memref_slice %arg13[%dma_wait3A_81, %dma_wait3A_82] : memref<2x4x!tpu.dma_semaphore, #tpu.memory_space<semaphore_mem>> -> memref<1x1x!tpu.dma_semaphore, #tpu.memory_space<semaphore_mem>>
    %dma_wait3A_94 = tpu.memref_squeeze %dma_wait3A_93 : memref<1x1x!tpu.dma_semaphore, #tpu.memory_space<semaphore_mem>> -> memref<!tpu.dma_semaphore, #tpu.memory_space<semaphore_mem>>
    tpu.wait_indirect_dma semaphore(%dma_wait3A_94 : memref<!tpu.dma_semaphore, #tpu.memory_space<semaphore_mem>>) src(%dma_wait3A_86 : memref<128x72xf32, #tpu.memory_space<vmem>>) dst(%dma_wait3A_92 : memref<10112x72xf32, #tpu.memory_space<vmem_shared>>)
    %dma_wait3A_95 = arith.constant 0 : i32
    %dma_wait3A_96 = arith.constant 3 : i32
    %dma_wait3A_97 = arith.constant 2 : i32
    %dma_wait3A_98 = arith.constant 3 : i32
    %dma_wait3A_99 = arith.constant 0 : i32
    %dma_wait3A_100 = arith.constant 3 : i32
    %dma_wait3A_101 = arith.constant 0 : i32
    %dma_wait3A_102 = arith.constant 0 : i32
    %dma_wait3A_103 = tpu.memref_slice %arg9[%dma_wait3A_95, %dma_wait3A_96, %dma_wait3A_101, %dma_wait3A_102] : memref<2x4x128x72xf32, #tpu.memory_space<vmem>> -> memref<1x1x128x72xf32, #tpu.memory_space<vmem>>
    %dma_wait3A_104 = tpu.memref_squeeze %dma_wait3A_103 : memref<1x1x128x72xf32, #tpu.memory_space<vmem>> -> memref<128x72xf32, #tpu.memory_space<vmem>>
    %dma_wait3A_105 = arith.constant 0 : i32
    %dma_wait3A_106 = tpu.memref_slice %arg8[%dma_wait3A_97, %dma_wait3A_98, %dma_wait3A_105] : memref<3x4x128xi32, #tpu.memory_space<vmem>> -> memref<1x1x128xi32, #tpu.memory_space<vmem>>
    %dma_wait3A_107 = tpu.memref_squeeze %dma_wait3A_106 : memref<1x1x128xi32, #tpu.memory_space<vmem>> -> memref<128xi32, #tpu.memory_space<vmem>>
    %dma_wait3A_108 = arith.constant 0 : i32
    %dma_wait3A_109 = arith.constant 0 : i32
    %dma_wait3A_110 = tpu.memref_slice %arg10[%dma_wait3A_108, %dma_wait3A_109] : memref<10112x72xf32, #tpu.memory_space<vmem_shared>> -> memref<10112x72xf32, #tpu.memory_space<vmem_shared>>
    %dma_wait3A_111 = tpu.memref_slice %arg13[%dma_wait3A_99, %dma_wait3A_100] : memref<2x4x!tpu.dma_semaphore, #tpu.memory_space<semaphore_mem>> -> memref<1x1x!tpu.dma_semaphore, #tpu.memory_space<semaphore_mem>>
    %dma_wait3A_112 = tpu.memref_squeeze %dma_wait3A_111 : memref<1x1x!tpu.dma_semaphore, #tpu.memory_space<semaphore_mem>> -> memref<!tpu.dma_semaphore, #tpu.memory_space<semaphore_mem>>
    tpu.wait_indirect_dma semaphore(%dma_wait3A_112 : memref<!tpu.dma_semaphore, #tpu.memory_space<semaphore_mem>>) src(%dma_wait3A_104 : memref<128x72xf32, #tpu.memory_space<vmem>>) dst(%dma_wait3A_110 : memref<10112x72xf32, #tpu.memory_space<vmem_shared>>)
    %dma_wait3A_113 = arith.constant 1 : i32
    %dma_wait3A_114 = arith.constant 0 : i32
    %dma_wait3A_115 = arith.constant 0 : i32
    %dma_wait3A_116 = arith.constant 0 : i32
    %dma_wait3A_117 = arith.constant 1 : i32
    %dma_wait3A_118 = arith.constant 0 : i32
    %dma_wait3A_119 = arith.constant 0 : i32
    %dma_wait3A_120 = arith.constant 0 : i32
    %dma_wait3A_121 = tpu.memref_slice %arg9[%dma_wait3A_113, %dma_wait3A_114, %dma_wait3A_119, %dma_wait3A_120] : memref<2x4x128x72xf32, #tpu.memory_space<vmem>> -> memref<1x1x128x72xf32, #tpu.memory_space<vmem>>
    %dma_wait3A_122 = tpu.memref_squeeze %dma_wait3A_121 : memref<1x1x128x72xf32, #tpu.memory_space<vmem>> -> memref<128x72xf32, #tpu.memory_space<vmem>>
    %dma_wait3A_123 = arith.constant 0 : i32
    %dma_wait3A_124 = tpu.memref_slice %arg8[%dma_wait3A_115, %dma_wait3A_116, %dma_wait3A_123] : memref<3x4x128xi32, #tpu.memory_space<vmem>> -> memref<1x1x128xi32, #tpu.memory_space<vmem>>
    %dma_wait3A_125 = tpu.memref_squeeze %dma_wait3A_124 : memref<1x1x128xi32, #tpu.memory_space<vmem>> -> memref<128xi32, #tpu.memory_space<vmem>>
    %dma_wait3A_126 = arith.constant 0 : i32
    %dma_wait3A_127 = arith.constant 0 : i32
    %dma_wait3A_128 = tpu.memref_slice %arg10[%dma_wait3A_126, %dma_wait3A_127] : memref<10112x72xf32, #tpu.memory_space<vmem_shared>> -> memref<10112x72xf32, #tpu.memory_space<vmem_shared>>
    %dma_wait3A_129 = tpu.memref_slice %arg13[%dma_wait3A_117, %dma_wait3A_118] : memref<2x4x!tpu.dma_semaphore, #tpu.memory_space<semaphore_mem>> -> memref<1x1x!tpu.dma_semaphore, #tpu.memory_space<semaphore_mem>>
    %dma_wait3A_130 = tpu.memref_squeeze %dma_wait3A_129 : memref<1x1x!tpu.dma_semaphore, #tpu.memory_space<semaphore_mem>> -> memref<!tpu.dma_semaphore, #tpu.memory_space<semaphore_mem>>
    tpu.wait_indirect_dma semaphore(%dma_wait3A_130 : memref<!tpu.dma_semaphore, #tpu.memory_space<semaphore_mem>>) src(%dma_wait3A_122 : memref<128x72xf32, #tpu.memory_space<vmem>>) dst(%dma_wait3A_128 : memref<10112x72xf32, #tpu.memory_space<vmem_shared>>)
    %dma_wait3A_131 = arith.constant 1 : i32
    %dma_wait3A_132 = arith.constant 1 : i32
    %dma_wait3A_133 = arith.constant 0 : i32
    %dma_wait3A_134 = arith.constant 1 : i32
    %dma_wait3A_135 = arith.constant 1 : i32
    %dma_wait3A_136 = arith.constant 1 : i32
    %dma_wait3A_137 = arith.constant 0 : i32
    %dma_wait3A_138 = arith.constant 0 : i32
    %dma_wait3A_139 = tpu.memref_slice %arg9[%dma_wait3A_131, %dma_wait3A_132, %dma_wait3A_137, %dma_wait3A_138] : memref<2x4x128x72xf32, #tpu.memory_space<vmem>> -> memref<1x1x128x72xf32, #tpu.memory_space<vmem>>
    %dma_wait3A_140 = tpu.memref_squeeze %dma_wait3A_139 : memref<1x1x128x72xf32, #tpu.memory_space<vmem>> -> memref<128x72xf32, #tpu.memory_space<vmem>>
    %dma_wait3A_141 = arith.constant 0 : i32
    %dma_wait3A_142 = tpu.memref_slice %arg8[%dma_wait3A_133, %dma_wait3A_134, %dma_wait3A_141] : memref<3x4x128xi32, #tpu.memory_space<vmem>> -> memref<1x1x128xi32, #tpu.memory_space<vmem>>
    %dma_wait3A_143 = tpu.memref_squeeze %dma_wait3A_142 : memref<1x1x128xi32, #tpu.memory_space<vmem>> -> memref<128xi32, #tpu.memory_space<vmem>>
    %dma_wait3A_144 = arith.constant 0 : i32
    %dma_wait3A_145 = arith.constant 0 : i32
    %dma_wait3A_146 = tpu.memref_slice %arg10[%dma_wait3A_144, %dma_wait3A_145] : memref<10112x72xf32, #tpu.memory_space<vmem_shared>> -> memref<10112x72xf32, #tpu.memory_space<vmem_shared>>
    %dma_wait3A_147 = tpu.memref_slice %arg13[%dma_wait3A_135, %dma_wait3A_136] : memref<2x4x!tpu.dma_semaphore, #tpu.memory_space<semaphore_mem>> -> memref<1x1x!tpu.dma_semaphore, #tpu.memory_space<semaphore_mem>>
    %dma_wait3A_148 = tpu.memref_squeeze %dma_wait3A_147 : memref<1x1x!tpu.dma_semaphore, #tpu.memory_space<semaphore_mem>> -> memref<!tpu.dma_semaphore, #tpu.memory_space<semaphore_mem>>
    tpu.wait_indirect_dma semaphore(%dma_wait3A_148 : memref<!tpu.dma_semaphore, #tpu.memory_space<semaphore_mem>>) src(%dma_wait3A_140 : memref<128x72xf32, #tpu.memory_space<vmem>>) dst(%dma_wait3A_146 : memref<10112x72xf32, #tpu.memory_space<vmem_shared>>)
    %dma_wait3A_149 = arith.constant 1 : i32
    %dma_wait3A_150 = arith.constant 2 : i32
    %dma_wait3A_151 = arith.constant 0 : i32
    %dma_wait3A_152 = arith.constant 2 : i32
    %dma_wait3A_153 = arith.constant 1 : i32
    %dma_wait3A_154 = arith.constant 2 : i32
    %dma_wait3A_155 = arith.constant 0 : i32
    %dma_wait3A_156 = arith.constant 0 : i32
    %dma_wait3A_157 = tpu.memref_slice %arg9[%dma_wait3A_149, %dma_wait3A_150, %dma_wait3A_155, %dma_wait3A_156] : memref<2x4x128x72xf32, #tpu.memory_space<vmem>> -> memref<1x1x128x72xf32, #tpu.memory_space<vmem>>
    %dma_wait3A_158 = tpu.memref_squeeze %dma_wait3A_157 : memref<1x1x128x72xf32, #tpu.memory_space<vmem>> -> memref<128x72xf32, #tpu.memory_space<vmem>>
    %dma_wait3A_159 = arith.constant 0 : i32
    %dma_wait3A_160 = tpu.memref_slice %arg8[%dma_wait3A_151, %dma_wait3A_152, %dma_wait3A_159] : memref<3x4x128xi32, #tpu.memory_space<vmem>> -> memref<1x1x128xi32, #tpu.memory_space<vmem>>
    %dma_wait3A_161 = tpu.memref_squeeze %dma_wait3A_160 : memref<1x1x128xi32, #tpu.memory_space<vmem>> -> memref<128xi32, #tpu.memory_space<vmem>>
    %dma_wait3A_162 = arith.constant 0 : i32
    %dma_wait3A_163 = arith.constant 0 : i32
    %dma_wait3A_164 = tpu.memref_slice %arg10[%dma_wait3A_162, %dma_wait3A_163] : memref<10112x72xf32, #tpu.memory_space<vmem_shared>> -> memref<10112x72xf32, #tpu.memory_space<vmem_shared>>
    %dma_wait3A_165 = tpu.memref_slice %arg13[%dma_wait3A_153, %dma_wait3A_154] : memref<2x4x!tpu.dma_semaphore, #tpu.memory_space<semaphore_mem>> -> memref<1x1x!tpu.dma_semaphore, #tpu.memory_space<semaphore_mem>>
    %dma_wait3A_166 = tpu.memref_squeeze %dma_wait3A_165 : memref<1x1x!tpu.dma_semaphore, #tpu.memory_space<semaphore_mem>> -> memref<!tpu.dma_semaphore, #tpu.memory_space<semaphore_mem>>
    tpu.wait_indirect_dma semaphore(%dma_wait3A_166 : memref<!tpu.dma_semaphore, #tpu.memory_space<semaphore_mem>>) src(%dma_wait3A_158 : memref<128x72xf32, #tpu.memory_space<vmem>>) dst(%dma_wait3A_164 : memref<10112x72xf32, #tpu.memory_space<vmem_shared>>)
    %dma_wait3A_167 = arith.constant 1 : i32
    %dma_wait3A_168 = arith.constant 3 : i32
    %dma_wait3A_169 = arith.constant 0 : i32
    %dma_wait3A_170 = arith.constant 3 : i32
    %dma_wait3A_171 = arith.constant 1 : i32
    %dma_wait3A_172 = arith.constant 3 : i32
    %dma_wait3A_173 = arith.constant 0 : i32
    %dma_wait3A_174 = arith.constant 0 : i32
    %dma_wait3A_175 = tpu.memref_slice %arg9[%dma_wait3A_167, %dma_wait3A_168, %dma_wait3A_173, %dma_wait3A_174] : memref<2x4x128x72xf32, #tpu.memory_space<vmem>> -> memref<1x1x128x72xf32, #tpu.memory_space<vmem>>
    %dma_wait3A_176 = tpu.memref_squeeze %dma_wait3A_175 : memref<1x1x128x72xf32, #tpu.memory_space<vmem>> -> memref<128x72xf32, #tpu.memory_space<vmem>>
    %dma_wait3A_177 = arith.constant 0 : i32
    %dma_wait3A_178 = tpu.memref_slice %arg8[%dma_wait3A_169, %dma_wait3A_170, %dma_wait3A_177] : memref<3x4x128xi32, #tpu.memory_space<vmem>> -> memref<1x1x128xi32, #tpu.memory_space<vmem>>
    %dma_wait3A_179 = tpu.memref_squeeze %dma_wait3A_178 : memref<1x1x128xi32, #tpu.memory_space<vmem>> -> memref<128xi32, #tpu.memory_space<vmem>>
    %dma_wait3A_180 = arith.constant 0 : i32
    %dma_wait3A_181 = arith.constant 0 : i32
    %dma_wait3A_182 = tpu.memref_slice %arg10[%dma_wait3A_180, %dma_wait3A_181] : memref<10112x72xf32, #tpu.memory_space<vmem_shared>> -> memref<10112x72xf32, #tpu.memory_space<vmem_shared>>
    %dma_wait3A_183 = tpu.memref_slice %arg13[%dma_wait3A_171, %dma_wait3A_172] : memref<2x4x!tpu.dma_semaphore, #tpu.memory_space<semaphore_mem>> -> memref<1x1x!tpu.dma_semaphore, #tpu.memory_space<semaphore_mem>>
    %dma_wait3A_184 = tpu.memref_squeeze %dma_wait3A_183 : memref<1x1x!tpu.dma_semaphore, #tpu.memory_space<semaphore_mem>> -> memref<!tpu.dma_semaphore, #tpu.memory_space<semaphore_mem>>
    tpu.wait_indirect_dma semaphore(%dma_wait3A_184 : memref<!tpu.dma_semaphore, #tpu.memory_space<semaphore_mem>>) src(%dma_wait3A_176 : memref<128x72xf32, #tpu.memory_space<vmem>>) dst(%dma_wait3A_182 : memref<10112x72xf32, #tpu.memory_space<vmem_shared>>)
    %barrier3A_185 = arith.constant 0 : index
    tpu.barrier barrier_id(%barrier3A_185)
    %mul3A_186 = arith.constant 632 : i32
    %mul3A_187 = arith.muli %arg1, %mul3A_186 : i32
    %mul3A_188 = arith.constant 632 : i32
    %mul3A_189 = arith.muli %arg1, %mul3A_188 : i32
    "tpu.region"() ({
      %run_scoped3A = tpu.sem_alloc : memref<!tpu.dma_semaphore, #tpu.memory_space<semaphore_mem>>
      %dma_start3A_190 = arith.constant 0 : i32
      %dma_start3A_191 = tpu.memref_slice %arg6[%arg0, %mul3A_189, %dma_start3A_190] : memref<2x10112x72xf32, #tpu.memory_space<hbm>> -> memref<1x632x72xf32, #tpu.memory_space<hbm>>
      %dma_start3A_192 = tpu.memref_squeeze %dma_start3A_191 : memref<1x632x72xf32, #tpu.memory_space<hbm>> -> memref<632x72xf32, #tpu.memory_space<hbm>>
      %dma_start3A_193 = arith.constant 0 : i32
      %dma_start3A_194 = tpu.memref_slice %arg10[%mul3A_187, %dma_start3A_193] : memref<10112x72xf32, #tpu.memory_space<vmem_shared>> -> memref<632x72xf32, #tpu.memory_space<vmem_shared>>
      tpu.enqueue_dma source(%dma_start3A_194 : memref<632x72xf32, #tpu.memory_space<vmem_shared>>) target(%dma_start3A_192 : memref<632x72xf32, #tpu.memory_space<hbm>>) target_semaphore(%run_scoped3A : memref<!tpu.dma_semaphore, #tpu.memory_space<semaphore_mem>>)
      %dma_wait3A_195 = arith.constant 0 : i32
      %dma_wait3A_196 = tpu.memref_slice %arg6[%arg0, %mul3A_189, %dma_wait3A_195] : memref<2x10112x72xf32, #tpu.memory_space<hbm>> -> memref<1x632x72xf32, #tpu.memory_space<hbm>>
      %dma_wait3A_197 = tpu.memref_squeeze %dma_wait3A_196 : memref<1x632x72xf32, #tpu.memory_space<hbm>> -> memref<632x72xf32, #tpu.memory_space<hbm>>
      %dma_wait3A_198 = arith.constant 0 : i32
      %dma_wait3A_199 = tpu.memref_slice %arg10[%mul3A_187, %dma_wait3A_198] : memref<10112x72xf32, #tpu.memory_space<vmem_shared>> -> memref<632x72xf32, #tpu.memory_space<vmem_shared>>
      tpu.wait_dma2 semaphore(%run_scoped3A : memref<!tpu.dma_semaphore, #tpu.memory_space<semaphore_mem>>) src(%dma_wait3A_199 : memref<632x72xf32, #tpu.memory_space<vmem_shared>>) dst(%dma_wait3A_197 : memref<632x72xf32, #tpu.memory_space<hbm>>)
      tpu.yield
    }) : () -> ()
    return
  }
}

module attributes {stable_mosaic.version = 14 : i64} {
  func.func @body(%arg0: i32, %arg1: memref<1000x128xf32, #tpu.memory_space<vmem>>, %arg2: memref<1000x72xf32, #tpu.memory_space<vmem>>, %arg3: memref<1000x72xf32, #tpu.memory_space<vmem>>, %arg4: memref<128x128xf32, #tpu.memory_space<vmem>>, %arg5: memref<1x128xf32, #tpu.memory_space<vmem>>, %arg6: memref<128x128xf32, #tpu.memory_space<vmem>>, %arg7: memref<1x128xf32, #tpu.memory_space<vmem>>, %arg8: memref<128x128xf32, #tpu.memory_space<vmem>>, %arg9: memref<128x64xf32, #tpu.memory_space<vmem>>, %arg10: memref<128x64xf32, #tpu.memory_space<vmem>>, %arg11: memref<1x64xf32, #tpu.memory_space<vmem>>, %arg12: memref<1000x64xf32, #tpu.memory_space<vmem>>, %arg13: memref<1000x64xf32, #tpu.memory_space<vmem>>, %arg14: memref<1000x8xf32, #tpu.memory_space<vmem>>) attributes {dimension_semantics = [#tpu.dimension_semantics<arbitrary>], iteration_bounds = array<i64: 10>, scalar_prefetch = 0 : i64, scratch_operands = 0 : i64, tpu.core_type = #tpu.core_type<tc>, window_params = [{transform_indices = @transform_0, window_bounds = array<i64: 1000, 128>}, {transform_indices = @transform_1, window_bounds = array<i64: 1000, 72>}, {transform_indices = @transform_2, window_bounds = array<i64: 1000, 72>}, {pipeline_mode = #tpu.pipeline_mode<synchronous>, transform_indices = @transform_3, window_bounds = array<i64: 128, 128>}, {pipeline_mode = #tpu.pipeline_mode<synchronous>, transform_indices = @transform_4, window_bounds = array<i64: 1, 128>}, {pipeline_mode = #tpu.pipeline_mode<synchronous>, transform_indices = @transform_5, window_bounds = array<i64: 128, 128>}, {pipeline_mode = #tpu.pipeline_mode<synchronous>, transform_indices = @transform_6, window_bounds = array<i64: 1, 128>}, {pipeline_mode = #tpu.pipeline_mode<synchronous>, transform_indices = @transform_7, window_bounds = array<i64: 128, 128>}, {pipeline_mode = #tpu.pipeline_mode<synchronous>, transform_indices = @transform_8, window_bounds = array<i64: 128, 64>}, {pipeline_mode = #tpu.pipeline_mode<synchronous>, transform_indices = @transform_9, window_bounds = array<i64: 128, 64>}, {pipeline_mode = #tpu.pipeline_mode<synchronous>, transform_indices = @transform_10, window_bounds = array<i64: 1, 64>}, {transform_indices = @transform_11, window_bounds = array<i64: 1000, 64>}, {transform_indices = @transform_12, window_bounds = array<i64: 1000, 64>}, {transform_indices = @transform_13, window_bounds = array<i64: 1000, 8>}]} {
    %get3A = arith.constant 0 : index
    %get3A_0 = arith.constant 0 : index
    %get3A_1 = vector.load %arg2[%get3A, %get3A_0] : memref<1000x72xf32, #tpu.memory_space<vmem>>, vector<1000x64xf32>
    %get3A_2 = arith.constant 0 : index
    %get3A_3 = arith.constant 0 : index
    %get3A_4 = vector.load %arg3[%get3A_2, %get3A_3] : memref<1000x72xf32, #tpu.memory_space<vmem>>, vector<1000x64xf32>
    %concatenate3A = tpu.concatenate %get3A_1, %get3A_4 in 1 : vector<1000x64xf32>, vector<1000x64xf32> -> vector<1000x128xf32>
    %get3A_5 = arith.constant 0 : index
    %get3A_6 = arith.constant 64 : index
    %get3A_7 = vector.load %arg2[%get3A_5, %get3A_6] : memref<1000x72xf32, #tpu.memory_space<vmem>>, vector<1000x1xf32>
    %max3A = arith.constant 1.000000e+00 : f32
    %max3A_8 = vector.broadcast %max3A : f32 to vector<1000x1xf32>
    %max3A_9 = arith.maximumf %get3A_7, %max3A_8 : vector<1000x1xf32>
    %get3A_10 = arith.constant 0 : index
    %get3A_11 = arith.constant 0 : index
    %get3A_12 = vector.load %arg4[%get3A_10, %get3A_11] : memref<128x128xf32, #tpu.memory_space<vmem>>, vector<128x128xf32>
    %dot_general3A = arith.constant dense<0.000000e+00> : vector<1000x128xf32>
    %dot_general3A_13 = tpu.matmul %concatenate3A, %get3A_12, %dot_general3A {dimension_numbers = #tpu.dot_dimension_numbers<[1], [0], [0], [1], [0, 0, 1, 1], [], []>, transpose_lhs_hint = false} : vector<1000x128xf32>, vector<128x128xf32>, vector<1000x128xf32> -> vector<1000x128xf32>
    %get3A_14 = arith.constant 0 : index
    %get3A_15 = arith.constant 0 : index
    %get3A_16 = vector.load %arg5[%get3A_14, %get3A_15] : memref<1x128xf32, #tpu.memory_space<vmem>>, vector<1x128xf32>
    %mul3A = vector.broadcast %get3A_7 : vector<1000x1xf32> to vector<1000x128xf32>
    %mul3A_17 = vector.broadcast %get3A_16 : vector<1x128xf32> to vector<1000x128xf32>
    %mul3A_18 = arith.mulf %mul3A, %mul3A_17 : vector<1000x128xf32>
    %add3A = arith.addf %dot_general3A_13, %mul3A_18 : vector<1000x128xf32>
    %div3A = vector.broadcast %max3A_9 : vector<1000x1xf32> to vector<1000x128xf32>
    %div3A_19 = arith.divf %add3A, %div3A : vector<1000x128xf32>
    %get3A_20 = arith.constant 0 : index
    %get3A_21 = arith.constant 0 : index
    %get3A_22 = vector.load %arg1[%get3A_20, %get3A_21] : memref<1000x128xf32, #tpu.memory_space<vmem>>, vector<1000x128xf32>
    %get3A_23 = arith.constant 0 : index
    %get3A_24 = arith.constant 0 : index
    %get3A_25 = vector.load %arg4[%get3A_23, %get3A_24] : memref<128x128xf32, #tpu.memory_space<vmem>>, vector<128x128xf32>
    %dot_general3A_26 = arith.constant dense<0.000000e+00> : vector<1000x128xf32>
    %dot_general3A_27 = tpu.matmul %get3A_22, %get3A_25, %dot_general3A_26 {dimension_numbers = #tpu.dot_dimension_numbers<[1], [0], [0], [1], [0, 0, 1, 1], [], []>, transpose_lhs_hint = false} : vector<1000x128xf32>, vector<128x128xf32>, vector<1000x128xf32> -> vector<1000x128xf32>
    %get3A_28 = arith.constant 0 : index
    %get3A_29 = arith.constant 0 : index
    %get3A_30 = vector.load %arg5[%get3A_28, %get3A_29] : memref<1x128xf32, #tpu.memory_space<vmem>>, vector<1x128xf32>
    %add3A_31 = vector.broadcast %get3A_30 : vector<1x128xf32> to vector<1000x128xf32>
    %add3A_32 = arith.addf %dot_general3A_27, %add3A_31 : vector<1000x128xf32>
    %get3A_33 = arith.constant 0 : index
    %get3A_34 = arith.constant 0 : index
    %get3A_35 = vector.load %arg6[%get3A_33, %get3A_34] : memref<128x128xf32, #tpu.memory_space<vmem>>, vector<128x128xf32>
    %dot_general3A_36 = arith.constant dense<0.000000e+00> : vector<1000x128xf32>
    %dot_general3A_37 = tpu.matmul %div3A_19, %get3A_35, %dot_general3A_36 {dimension_numbers = #tpu.dot_dimension_numbers<[1], [0], [0], [1], [0, 0, 1, 1], [], []>, transpose_lhs_hint = false} : vector<1000x128xf32>, vector<128x128xf32>, vector<1000x128xf32> -> vector<1000x128xf32>
    %get3A_38 = arith.constant 0 : index
    %get3A_39 = arith.constant 0 : index
    %get3A_40 = vector.load %arg7[%get3A_38, %get3A_39] : memref<1x128xf32, #tpu.memory_space<vmem>>, vector<1x128xf32>
    %add3A_41 = vector.broadcast %get3A_40 : vector<1x128xf32> to vector<1000x128xf32>
    %add3A_42 = arith.addf %dot_general3A_37, %add3A_41 : vector<1000x128xf32>
    %get3A_43 = arith.constant 0 : index
    %get3A_44 = arith.constant 0 : index
    %get3A_45 = vector.load %arg8[%get3A_43, %get3A_44] : memref<128x128xf32, #tpu.memory_space<vmem>>, vector<128x128xf32>
    %dot_general3A_46 = arith.constant dense<0.000000e+00> : vector<1000x128xf32>
    %dot_general3A_47 = tpu.matmul %add3A_32, %get3A_45, %dot_general3A_46 {dimension_numbers = #tpu.dot_dimension_numbers<[1], [0], [0], [1], [0, 0, 1, 1], [], []>, transpose_lhs_hint = false} : vector<1000x128xf32>, vector<128x128xf32>, vector<1000x128xf32> -> vector<1000x128xf32>
    %add3A_48 = arith.addf %add3A_42, %dot_general3A_47 : vector<1000x128xf32>
    %max3A_49 = arith.constant 0.000000e+00 : f32
    %max3A_50 = vector.broadcast %max3A_49 : f32 to vector<1000x128xf32>
    %max3A_51 = arith.maximumf %add3A_48, %max3A_50 : vector<1000x128xf32>
    %get3A_52 = arith.constant 0 : index
    %get3A_53 = arith.constant 0 : index
    %get3A_54 = vector.load %arg9[%get3A_52, %get3A_53] : memref<128x64xf32, #tpu.memory_space<vmem>>, vector<128x64xf32>
    %dot_general3A_55 = arith.constant dense<0.000000e+00> : vector<1000x64xf32>
    %dot_general3A_56 = tpu.matmul %max3A_51, %get3A_54, %dot_general3A_55 {dimension_numbers = #tpu.dot_dimension_numbers<[1], [0], [0], [1], [0, 0, 1, 1], [], []>, transpose_lhs_hint = false} : vector<1000x128xf32>, vector<128x64xf32>, vector<1000x64xf32> -> vector<1000x64xf32>
    %swap3A = arith.constant 0 : index
    %swap3A_57 = arith.constant 0 : index
    %swap3A_58 = vector.load %arg12[%swap3A, %swap3A_57] : memref<1000x64xf32, #tpu.memory_space<vmem>>, vector<1000x64xf32>
    tpu.vector_store %arg12[%swap3A, %swap3A_57], %dot_general3A_56 {strides = array<i32>} : memref<1000x64xf32, #tpu.memory_space<vmem>>, vector<1000x64xf32>,
    %get3A_59 = arith.constant 0 : index
    %get3A_60 = arith.constant 0 : index
    %get3A_61 = vector.load %arg10[%get3A_59, %get3A_60] : memref<128x64xf32, #tpu.memory_space<vmem>>, vector<128x64xf32>
    %dot_general3A_62 = arith.constant dense<0.000000e+00> : vector<1000x64xf32>
    %dot_general3A_63 = tpu.matmul %max3A_51, %get3A_61, %dot_general3A_62 {dimension_numbers = #tpu.dot_dimension_numbers<[1], [0], [0], [1], [0, 0, 1, 1], [], []>, transpose_lhs_hint = false} : vector<1000x128xf32>, vector<128x64xf32>, vector<1000x64xf32> -> vector<1000x64xf32>
    %get3A_64 = arith.constant 0 : index
    %get3A_65 = arith.constant 0 : index
    %get3A_66 = vector.load %arg11[%get3A_64, %get3A_65] : memref<1x64xf32, #tpu.memory_space<vmem>>, vector<1x64xf32>
    %add3A_67 = vector.broadcast %get3A_66 : vector<1x64xf32> to vector<1000x64xf32>
    %add3A_68 = arith.addf %dot_general3A_63, %add3A_67 : vector<1000x64xf32>
    %swap3A_69 = arith.constant 0 : index
    %swap3A_70 = arith.constant 0 : index
    %swap3A_71 = vector.load %arg13[%swap3A_69, %swap3A_70] : memref<1000x64xf32, #tpu.memory_space<vmem>>, vector<1000x64xf32>
    tpu.vector_store %arg13[%swap3A_69, %swap3A_70], %add3A_68 {strides = array<i32>} : memref<1000x64xf32, #tpu.memory_space<vmem>>, vector<1000x64xf32>,
    %div3A_72 = arith.constant 1.000000e+00 : f32
    %div3A_73 = vector.broadcast %div3A_72 : f32 to vector<1000x1xf32>
    %div3A_74 = arith.divf %div3A_73, %max3A_9 : vector<1000x1xf32>
    %broadcast_in_dim3A = vector.shape_cast %div3A_74 : vector<1000x1xf32> to vector<1000x1xf32>
    %broadcast_in_dim3A_75 = vector.broadcast %broadcast_in_dim3A : vector<1000x1xf32> to vector<1000x8xf32>
    %swap3A_76 = arith.constant 0 : index
    %swap3A_77 = arith.constant 0 : index
    %swap3A_78 = vector.load %arg14[%swap3A_76, %swap3A_77] : memref<1000x8xf32, #tpu.memory_space<vmem>>, vector<1000x8xf32>
    tpu.vector_store %arg14[%swap3A_76, %swap3A_77], %broadcast_in_dim3A_75 {strides = array<i32>} : memref<1000x8xf32, #tpu.memory_space<vmem>>, vector<1000x8xf32>,
    return
  }
  func.func @transform_0(%arg0: i32) -> (i32, i32) {
    %c0_i32 = arith.constant 0 : i32
    %c0_i32_0 = arith.constant 0 : i32
    return %arg0, %c0_i32 : i32, i32
  }
  func.func @transform_1(%arg0: i32) -> (i32, i32) {
    %c0_i32 = arith.constant 0 : i32
    %c0_i32_0 = arith.constant 0 : i32
    return %arg0, %c0_i32 : i32, i32
  }
  func.func @transform_2(%arg0: i32) -> (i32, i32) {
    %c0_i32 = arith.constant 0 : i32
    %c0_i32_0 = arith.constant 0 : i32
    return %arg0, %c0_i32 : i32, i32
  }
  func.func @transform_3(%arg0: i32) -> (i32, i32) {
    %c0_i32 = arith.constant 0 : i32
    %c0_i32_0 = arith.constant 0 : i32
    %c0_i32_1 = arith.constant 0 : i32
    return %c0_i32, %c0_i32_0 : i32, i32
  }
  func.func @transform_4(%arg0: i32) -> (i32, i32) {
    %c0_i32 = arith.constant 0 : i32
    %c0_i32_0 = arith.constant 0 : i32
    %c0_i32_1 = arith.constant 0 : i32
    return %c0_i32, %c0_i32_0 : i32, i32
  }
  func.func @transform_5(%arg0: i32) -> (i32, i32) {
    %c0_i32 = arith.constant 0 : i32
    %c0_i32_0 = arith.constant 0 : i32
    %c0_i32_1 = arith.constant 0 : i32
    return %c0_i32, %c0_i32_0 : i32, i32
  }
  func.func @transform_6(%arg0: i32) -> (i32, i32) {
    %c0_i32 = arith.constant 0 : i32
    %c0_i32_0 = arith.constant 0 : i32
    %c0_i32_1 = arith.constant 0 : i32
    return %c0_i32, %c0_i32_0 : i32, i32
  }
  func.func @transform_7(%arg0: i32) -> (i32, i32) {
    %c0_i32 = arith.constant 0 : i32
    %c0_i32_0 = arith.constant 0 : i32
    %c0_i32_1 = arith.constant 0 : i32
    return %c0_i32, %c0_i32_0 : i32, i32
  }
  func.func @transform_8(%arg0: i32) -> (i32, i32) {
    %c0_i32 = arith.constant 0 : i32
    %c0_i32_0 = arith.constant 0 : i32
    %c0_i32_1 = arith.constant 0 : i32
    return %c0_i32, %c0_i32_0 : i32, i32
  }
  func.func @transform_9(%arg0: i32) -> (i32, i32) {
    %c0_i32 = arith.constant 0 : i32
    %c0_i32_0 = arith.constant 0 : i32
    %c0_i32_1 = arith.constant 0 : i32
    return %c0_i32, %c0_i32_0 : i32, i32
  }
  func.func @transform_10(%arg0: i32) -> (i32, i32) {
    %c0_i32 = arith.constant 0 : i32
    %c0_i32_0 = arith.constant 0 : i32
    %c0_i32_1 = arith.constant 0 : i32
    return %c0_i32, %c0_i32_0 : i32, i32
  }
  func.func @transform_11(%arg0: i32) -> (i32, i32) {
    %c0_i32 = arith.constant 0 : i32
    %c0_i32_0 = arith.constant 0 : i32
    return %arg0, %c0_i32 : i32, i32
  }
  func.func @transform_12(%arg0: i32) -> (i32, i32) {
    %c0_i32 = arith.constant 0 : i32
    %c0_i32_0 = arith.constant 0 : i32
    return %arg0, %c0_i32 : i32, i32
  }
  func.func @transform_13(%arg0: i32) -> (i32, i32) {
    %c0_i32 = arith.constant 0 : i32
    %c0_i32_0 = arith.constant 0 : i32
    return %arg0, %c0_i32 : i32, i32
  }
}

module attributes {stable_mosaic.version = 14 : i64} {
  func.func @body(%arg0: i32, %arg1: memref<1000x64xf32, #tpu.memory_space<vmem>>, %arg2: memref<1000x64xf32, #tpu.memory_space<vmem>>, %arg3: memref<1000x8xf32, #tpu.memory_space<vmem>>, %arg4: memref<1000x64xf32, #tpu.memory_space<vmem>>, %arg5: memref<1000x8xi32, #tpu.memory_space<vmem>>, %arg6: memref<64x64xf32, #tpu.memory_space<vmem>>, %arg7: memref<1x64xf32, #tpu.memory_space<vmem>>, %arg8: memref<64x64xf32, #tpu.memory_space<vmem>>, %arg9: memref<1x64xf32, #tpu.memory_space<vmem>>, %arg10: memref<64x64xf32, #tpu.memory_space<vmem>>, %arg11: memref<64x64xf32, #tpu.memory_space<vmem>>) attributes {dimension_semantics = [#tpu.dimension_semantics<arbitrary>], iteration_bounds = array<i64: 10>, scalar_prefetch = 0 : i64, scratch_operands = 1 : i64, tpu.core_type = #tpu.core_type<tc>, window_params = [{transform_indices = @transform_0, window_bounds = array<i64: 1000, 64>}, {transform_indices = @transform_1, window_bounds = array<i64: 1000, 64>}, {transform_indices = @transform_2, window_bounds = array<i64: 1000, 8>}, {transform_indices = @transform_3, window_bounds = array<i64: 1000, 64>}, {transform_indices = @transform_4, window_bounds = array<i64: 1000, 8>}, {pipeline_mode = #tpu.pipeline_mode<synchronous>, transform_indices = @transform_5, window_bounds = array<i64: 64, 64>}, {pipeline_mode = #tpu.pipeline_mode<synchronous>, transform_indices = @transform_6, window_bounds = array<i64: 1, 64>}, {pipeline_mode = #tpu.pipeline_mode<synchronous>, transform_indices = @transform_7, window_bounds = array<i64: 64, 64>}, {pipeline_mode = #tpu.pipeline_mode<synchronous>, transform_indices = @transform_8, window_bounds = array<i64: 1, 64>}, {pipeline_mode = #tpu.pipeline_mode<synchronous>, transform_indices = @transform_9, window_bounds = array<i64: 64, 64>}]} {
    %get3A = arith.constant 0 : index
    %get3A_0 = arith.constant 0 : index
    %get3A_1 = vector.load %arg1[%get3A, %get3A_0] : memref<1000x64xf32, #tpu.memory_space<vmem>>, vector<1000x64xf32>
    %get3A_2 = arith.constant 0 : index
    %get3A_3 = arith.constant 0 : index
    %get3A_4 = vector.load %arg2[%get3A_2, %get3A_3] : memref<1000x64xf32, #tpu.memory_space<vmem>>, vector<1000x64xf32>
    %add3A = arith.addf %get3A_1, %get3A_4 : vector<1000x64xf32>
    %get3A_5 = arith.constant 0 : index
    %get3A_6 = arith.constant 0 : index
    %get3A_7 = vector.load %arg3[%get3A_5, %get3A_6] : memref<1000x8xf32, #tpu.memory_space<vmem>>, vector<1000x1xf32>
    %mul3A = vector.broadcast %get3A_7 : vector<1000x1xf32> to vector<1000x64xf32>
    %mul3A_8 = arith.mulf %add3A, %mul3A : vector<1000x64xf32>
    %get3A_9 = arith.constant 0 : index
    %get3A_10 = arith.constant 0 : index
    %get3A_11 = vector.load %arg4[%get3A_9, %get3A_10] : memref<1000x64xf32, #tpu.memory_space<vmem>>, vector<1000x64xf32>
    %add3A_12 = arith.addf %mul3A_8, %get3A_11 : vector<1000x64xf32>
    %iota3A = tpu.iota {dimensions = array<i32: 1>} : vector<1000x64xi32>
    %get3A_13 = arith.constant 0 : index
    %get3A_14 = arith.constant 0 : index
    %get3A_15 = vector.load %arg5[%get3A_13, %get3A_14] : memref<1000x8xi32, #tpu.memory_space<vmem>>, vector<1000x1xi32>
    %eq3A = vector.broadcast %get3A_15 : vector<1000x1xi32> to vector<1000x64xi32>
    %eq3A_16 = arith.cmpi eq, %eq3A, %iota3A : vector<1000x64xi32>
    %convert_element_type3A = arith.extui %eq3A_16 : vector<1000x64xi1> to vector<1000x64xi32>
    %convert_element_type3A_17 = arith.sitofp %convert_element_type3A : vector<1000x64xi32> to vector<1000x64xf32>
    %dot_general3A = arith.constant dense<0.000000e+00> : vector<64x64xf32>
    %dot_general3A_18 = tpu.matmul %convert_element_type3A_17, %add3A_12, %dot_general3A {dimension_numbers = #tpu.dot_dimension_numbers<[0], [0], [1], [1], [0, 1, 1, 1], [], []>, transpose_lhs_hint = false} : vector<1000x64xf32>, vector<1000x64xf32>, vector<64x64xf32> -> vector<64x64xf32>
    %eq3A_19 = arith.constant 0 : i32
    %eq3A_20 = arith.cmpi eq, %arg0, %eq3A_19 : i32
    %convert_element_type3A_21 = arith.extui %eq3A_20 : i1 to i32
    %cond3A = arith.constant 0 : i32
    %cond3A_22 = arith.cmpi ne, %convert_element_type3A_21, %cond3A : i32
    scf.if %cond3A_22 {
      %swap3A = arith.constant 0 : index
      %swap3A_32 = arith.constant 0 : index
      %swap3A_33 = vector.load %arg11[%swap3A, %swap3A_32] : memref<64x64xf32, #tpu.memory_space<vmem>>, vector<64x64xf32>
      tpu.vector_store %arg11[%swap3A, %swap3A_32], %dot_general3A_18 {strides = array<i32>} : memref<64x64xf32, #tpu.memory_space<vmem>>, vector<64x64xf32>,
    } else {
    }
    %ne3A = arith.constant 0 : i32
    %ne3A_23 = arith.cmpi ne, %arg0, %ne3A : i32
    %convert_element_type3A_24 = arith.extui %ne3A_23 : i1 to i32
    %cond3A_25 = arith.constant 0 : i32
    %cond3A_26 = arith.cmpi ne, %convert_element_type3A_24, %cond3A_25 : i32
    scf.if %cond3A_26 {
      %get3A_32 = arith.constant 0 : index
      %get3A_33 = arith.constant 0 : index
      %get3A_34 = vector.load %arg11[%get3A_32, %get3A_33] : memref<64x64xf32, #tpu.memory_space<vmem>>, vector<64x64xf32>
      %add3A_35 = arith.addf %get3A_34, %dot_general3A_18 : vector<64x64xf32>
      %swap3A = arith.constant 0 : index
      %swap3A_36 = arith.constant 0 : index
      %swap3A_37 = vector.load %arg11[%swap3A, %swap3A_36] : memref<64x64xf32, #tpu.memory_space<vmem>>, vector<64x64xf32>
      tpu.vector_store %arg11[%swap3A, %swap3A_36], %add3A_35 {strides = array<i32>} : memref<64x64xf32, #tpu.memory_space<vmem>>, vector<64x64xf32>,
    } else {
    }
    %eq3A_27 = arith.constant 9 : i32
    %eq3A_28 = arith.cmpi eq, %arg0, %eq3A_27 : i32
    %convert_element_type3A_29 = arith.extui %eq3A_28 : i1 to i32
    %cond3A_30 = arith.constant 0 : i32
    %cond3A_31 = arith.cmpi ne, %convert_element_type3A_29, %cond3A_30 : i32
    scf.if %cond3A_31 {
      %get3A_32 = arith.constant 0 : index
      %get3A_33 = arith.constant 0 : index
      %get3A_34 = vector.load %arg11[%get3A_32, %get3A_33] : memref<64x64xf32, #tpu.memory_space<vmem>>, vector<64x64xf32>
      %get3A_35 = arith.constant 0 : index
      %get3A_36 = arith.constant 0 : index
      %get3A_37 = vector.load %arg6[%get3A_35, %get3A_36] : memref<64x64xf32, #tpu.memory_space<vmem>>, vector<64x64xf32>
      %dot_general3A_38 = arith.constant dense<0.000000e+00> : vector<64x64xf32>
      %dot_general3A_39 = tpu.matmul %get3A_34, %get3A_37, %dot_general3A_38 {dimension_numbers = #tpu.dot_dimension_numbers<[1], [0], [0], [1], [0, 0, 1, 1], [], []>, transpose_lhs_hint = false} : vector<64x64xf32>, vector<64x64xf32>, vector<64x64xf32> -> vector<64x64xf32>
      %get3A_40 = arith.constant 0 : index
      %get3A_41 = arith.constant 0 : index
      %get3A_42 = vector.load %arg7[%get3A_40, %get3A_41] : memref<1x64xf32, #tpu.memory_space<vmem>>, vector<1x64xf32>
      %add3A_43 = vector.broadcast %get3A_42 : vector<1x64xf32> to vector<64x64xf32>
      %add3A_44 = arith.addf %dot_general3A_39, %add3A_43 : vector<64x64xf32>
      %max3A = arith.constant 0.000000e+00 : f32
      %max3A_45 = vector.broadcast %max3A : f32 to vector<64x64xf32>
      %max3A_46 = arith.maximumf %add3A_44, %max3A_45 : vector<64x64xf32>
      %get3A_47 = arith.constant 0 : index
      %get3A_48 = arith.constant 0 : index
      %get3A_49 = vector.load %arg8[%get3A_47, %get3A_48] : memref<64x64xf32, #tpu.memory_space<vmem>>, vector<64x64xf32>
      %dot_general3A_50 = arith.constant dense<0.000000e+00> : vector<64x64xf32>
      %dot_general3A_51 = tpu.matmul %max3A_46, %get3A_49, %dot_general3A_50 {dimension_numbers = #tpu.dot_dimension_numbers<[1], [0], [0], [1], [0, 0, 1, 1], [], []>, transpose_lhs_hint = false} : vector<64x64xf32>, vector<64x64xf32>, vector<64x64xf32> -> vector<64x64xf32>
      %get3A_52 = arith.constant 0 : index
      %get3A_53 = arith.constant 0 : index
      %get3A_54 = vector.load %arg9[%get3A_52, %get3A_53] : memref<1x64xf32, #tpu.memory_space<vmem>>, vector<1x64xf32>
      %add3A_55 = vector.broadcast %get3A_54 : vector<1x64xf32> to vector<64x64xf32>
      %add3A_56 = arith.addf %dot_general3A_51, %add3A_55 : vector<64x64xf32>
      %swap3A = arith.constant 0 : index
      %swap3A_57 = arith.constant 0 : index
      %swap3A_58 = vector.load %arg10[%swap3A, %swap3A_57] : memref<64x64xf32, #tpu.memory_space<vmem>>, vector<64x64xf32>
      tpu.vector_store %arg10[%swap3A, %swap3A_57], %add3A_56 {strides = array<i32>} : memref<64x64xf32, #tpu.memory_space<vmem>>, vector<64x64xf32>,
    } else {
    }
    return
  }
  func.func @transform_0(%arg0: i32) -> (i32, i32) {
    %c0_i32 = arith.constant 0 : i32
    %c0_i32_0 = arith.constant 0 : i32
    return %arg0, %c0_i32 : i32, i32
  }
  func.func @transform_1(%arg0: i32) -> (i32, i32) {
    %c0_i32 = arith.constant 0 : i32
    %c0_i32_0 = arith.constant 0 : i32
    return %arg0, %c0_i32 : i32, i32
  }
  func.func @transform_2(%arg0: i32) -> (i32, i32) {
    %c0_i32 = arith.constant 0 : i32
    %c0_i32_0 = arith.constant 0 : i32
    return %arg0, %c0_i32 : i32, i32
  }
  func.func @transform_3(%arg0: i32) -> (i32, i32) {
    %c0_i32 = arith.constant 0 : i32
    %c0_i32_0 = arith.constant 0 : i32
    return %arg0, %c0_i32 : i32, i32
  }
  func.func @transform_4(%arg0: i32) -> (i32, i32) {
    %c0_i32 = arith.constant 0 : i32
    %c0_i32_0 = arith.constant 0 : i32
    return %arg0, %c0_i32 : i32, i32
  }
  func.func @transform_5(%arg0: i32) -> (i32, i32) {
    %c0_i32 = arith.constant 0 : i32
    %c0_i32_0 = arith.constant 0 : i32
    %c0_i32_1 = arith.constant 0 : i32
    return %c0_i32, %c0_i32_0 : i32, i32
  }
  func.func @transform_6(%arg0: i32) -> (i32, i32) {
    %c0_i32 = arith.constant 0 : i32
    %c0_i32_0 = arith.constant 0 : i32
    %c0_i32_1 = arith.constant 0 : i32
    return %c0_i32, %c0_i32_0 : i32, i32
  }
  func.func @transform_7(%arg0: i32) -> (i32, i32) {
    %c0_i32 = arith.constant 0 : i32
    %c0_i32_0 = arith.constant 0 : i32
    %c0_i32_1 = arith.constant 0 : i32
    return %c0_i32, %c0_i32_0 : i32, i32
  }
  func.func @transform_8(%arg0: i32) -> (i32, i32) {
    %c0_i32 = arith.constant 0 : i32
    %c0_i32_0 = arith.constant 0 : i32
    %c0_i32_1 = arith.constant 0 : i32
    return %c0_i32, %c0_i32_0 : i32, i32
  }
  func.func @transform_9(%arg0: i32) -> (i32, i32) {
    %c0_i32 = arith.constant 0 : i32
    %c0_i32_0 = arith.constant 0 : i32
    %c0_i32_1 = arith.constant 0 : i32
    return %c0_i32, %c0_i32_0 : i32, i32
  }
}

</mosaic_0001>

<sc_bundles>
// kernel: kernel.6.cloned.1.call-start
scs
__scs_entry_jumppad:
0x0: {  	(pc) =	sbr.rel $0x88, $3  }
0x1: {  	(tag) =	ssettag $0x0;
	lr =	simm.s32 $0x1  }
0x2: {  	[smem:$0x3F92] =	sst lr;
	_ =	strace $0xD0000000  }
0x3: {  	_ = 	snop  }
0x4: {  	_ = 	snop  }
0x5: {  	_ = 	snop  }
0x6: {  	_ = 	snop  }
0x7: {  	_ = 	snop  }
__scs_overlays_trampoline_lowered:
0x8: {  	[smem:$0x3FA1] =	sst s0  }
0x9: {  	[smem:$0x3FA2] =	sst s1  }
0xa: {  	[smem:$0x3FA3] =	sst s2  }
0xb: {  	[smem:$0x3FA4] =	sst s3  }
0xc: {  	[smem:$0x3FA5] =	sst s4  }
0xd: {  	[smem:$0x3FA6] =	sst s5  }
0xe: {  	[smem:$0x3FA7] =	sst s6  }
0xf: {  	[smem:$0x3FA8] =	sst s7  }
0x10: {  	[smem:$0x3FA9] =	sst s8  }
0x11: {  	[smem:$0x3FAA] =	sst s9;
	s0 =	simm.s32 @!p0 $0x0  }
0x12: {  	s1 =	sld [smem:$0x3F90];
	s0 =	simm.s32 @p0 $0x1  }
0x13: {  	[smem:$0x3FAB] =	sst s0;
	s0 =	simm.s32 @!p1 $0x0  }
0x14: {  	s2 =	sld [smem:$0x3F8F];
	s0 =	simm.s32 @p1 $0x1  }
0x15: {  	[smem:$0x3FAC] =	sst s0;
	s0 =	simm.s32 @!p2 $0x0  }
0x16: {  	s3 =	sld [smem:$0x3FDB];
	s0 =	simm.s32 @p2 $0x1  }
0x17: {  	s4 =	simm.s32 $0x1BF5;
	[smem:$0x3FAE] =	sst s0  }
0x18: {  	s0 =	sld [smem:$0x3F91];
	_ =	swait.ge [sflag:s4], $0x0  }
0x19: {  	s7 =	sld [smem:$0x3F92]  }
0x1a: {  	s8 =	sadd.s32 $0xFFFFE003, lr  }
0x1b: {  	s9 =	sadd.s32 $0xFFFFFEF7, lr;
	s5 =	simm.s32 $0xFFFFFFFF;
	p2 =	slt.u32 s8, $0xFFFFF086  }
0x1c: {  	p1 =	slt.u32 s9, $0xF7A;
	s5 =	simm.s32 @!p2 $0x0  }
0x1d: {  	s5 =	simm.s32 @p1 $0x1;
	p0 =	seq.s32 s7, s2  }
0x1e: {  	s7 =	smul.u32 @!p0 $0xF7A, s2;
	p2 =	seq.s32 @!p0 s5, $0x0  }
0x1f: {  	s9 =	smul.u32 $0xF7A, s1;
	s8 =	simm.s32 @!p0 $0x1BF5;
	p2 =	por !p2, p0  }
0x20: {  	[sflag:s8] =	ssyncset.s32 @!p0 $0xFFFFF086;
	s6 =	sadd.s32 @!p0 s3, s7;
	s7 =	simm.s32 @!p0 $0x108  }
0x21: {  	s3 =	sadd.s32 s3, s9;
	s6 =	sadd.s32 @!p0 $0x88, s6;
	s7 =	simm.s32 @p2 $0x1082  }
0x22: {  	[simem:s7], [sflag:s8] =	dma.local @!p0 [hbm:s6], $0xF7A  }
0x23: {  	s9 =	sor.u32 $0xD0000000, s2;
	s6 =	simm.s32 $0x108;
	_ =	swait.ge @!p0 [sflag:s8], $0x0  }
0x24: {  	s3 =	sadd.s32 $0x88, s3;
	s6 =	simm.s32 @!p1 $0x1082;
	[sflag:s4] =	ssyncset.s32 $0xFFFFF086  }
0x25: {  	[simem:s6], [sflag:s4] =	dma.local [hbm:s3], $0xF7A  }
0x26: {  	[smem:$0x3F92] =	sst s1;
	(tag) =	ssettag s2;
	_ =	strace s9  }
0x27: {  	s1 =	sld [smem:$0x3FA2]  }
0x28: {  	s2 =	sld [smem:$0x3FA3]  }
0x29: {  	s4 =	sld [smem:$0x3FA5]  }
0x2a: {  	p0 =	seq.s32 s5, $0x0;
	s5 =	sld [smem:$0x3FA6]  }
0x2b: {  	s6 =	sld [smem:$0x3FA7]  }
0x2c: {  	s7 =	sld [smem:$0x3FA8]  }
0x2d: {  	s3 =	simm.s32 $0x108;
	s8 =	sld [smem:$0x3FA9]  }
0x2e: {  	s3 =	simm.s32 @!p0 $0x1082;
	s9 =	sld [smem:$0x3FAA]  }
0x2f: {  	lr =	sadd.s32 s0, s3;
	s0 =	sld [smem:$0x3FA1]  }
0x30: {  	s3 =	sld [smem:$0x3FA4]  }
0x31: {  	[smem:$0x3FAD] =	sst s10  }
0x32: {  	s10 =	sld [smem:$0x3FAB];
	_ =	sdelay $0x3  }
0x33: {  	p0 =	seq.s32 s10, $0x1;
	s10 =	sld [smem:$0x3FAD];
	_ =	sdelay $0x3  }
0x34: {  	[smem:$0x3FAD] =	sst s10  }
0x35: {  	s10 =	sld [smem:$0x3FAC];
	_ =	sdelay $0x3  }
0x36: {  	p1 =	seq.s32 s10, $0x1;
	s10 =	sld [smem:$0x3FAD];
	_ =	sdelay $0x3  }
0x37: {  	[smem:$0x3FAD] =	sst s10  }
0x38: {  	s10 =	sld [smem:$0x3FAE]  }
0x39: {  	_ = 	snop;
	(pc) =	sbr.ind lr, $3  }
0x3a: {  	_ = 	snop  }
0x3b: {  	_ = 	snop  }
0x3c: {  	p2 =	seq.s32 s10, $0x1;
	s10 =	sld [smem:$0x3FAD]  }
0x3d: {  	_ =	shalt  }
0x3e: {  	_ =	shalt  }
0x3f: {  	_ =	shalt  }
0x40: {  	_ =	shalt  }
0x41: {  	_ =	shalt  }
0x42: {  	_ =	shalt  }
0x43: {  	_ =	shalt  }
0x44: {  	_ =	shalt  }
0x45: {  	_ =	shalt  }
0x46: {  	_ =	shalt  }
0x47: {  	_ =	shalt  }
0x48: {  	_ =	shalt  }
0x49: {  	_ =	shalt  }
0x4a: {  	_ =	shalt  }
0x4b: {  	_ =	shalt  }
0x4c: {  	_ =	shalt  }
0x4d: {  	_ =	shalt  }
0x4e: {  	_ =	shalt  }
0x4f: {  	_ =	shalt  }
0x50: {  	_ =	shalt  }
0x51: {  	_ =	shalt  }
0x52: {  	_ =	shalt  }
0x53: {  	_ =	shalt  }
0x54: {  	_ =	shalt  }
0x55: {  	_ =	shalt  }
0x56: {  	_ =	shalt  }
0x57: {  	_ =	shalt  }
0x58: {  	_ =	shalt  }
0x59: {  	_ =	shalt  }
0x5a: {  	_ =	shalt  }
0x5b: {  	_ =	shalt  }
0x5c: {  	_ =	shalt  }
0x5d: {  	_ =	shalt  }
0x5e: {  	_ =	shalt  }
0x5f: {  	_ =	shalt  }
0x60: {  	_ =	shalt  }
0x61: {  	_ =	shalt  }
0x62: {  	_ =	shalt  }
0x63: {  	_ =	shalt  }
0x64: {  	_ =	shalt  }
0x65: {  	_ =	shalt  }
0x66: {  	_ =	shalt  }
0x67: {  	_ =	shalt  }
0x68: {  	_ =	shalt  }
0x69: {  	_ =	shalt  }
0x6a: {  	_ =	shalt  }
0x6b: {  	_ =	shalt  }
0x6c: {  	_ =	shalt  }
0x6d: {  	_ =	shalt  }
0x6e: {  	_ =	shalt  }
0x6f: {  	_ =	shalt  }
0x70: {  	_ =	shalt  }
0x71: {  	_ =	shalt  }
0x72: {  	_ =	shalt  }
0x73: {  	_ =	shalt  }
0x74: {  	_ =	shalt  }
0x75: {  	_ =	shalt  }
0x76: {  	_ =	shalt  }
0x77: {  	_ =	shalt  }
0x78: {  	_ =	shalt  }
0x79: {  	_ =	shalt  }
0x7a: {  	_ =	shalt  }
0x7b: {  	_ =	shalt  }
0x7c: {  	_ =	shalt  }
0x7d: {  	_ =	shalt  }
0x7e: {  	_ =	shalt  }
0x7f: {  	_ =	shalt  }
0x80: {  	_ =	shalt  }
0x81: {  	_ =	shalt  }
0x82: {  	_ =	shalt  }
0x83: {  	_ =	shalt  }
0x84: {  	_ =	shalt  }
0x85: {  	_ =	shalt  }
0x86: {  	_ =	shalt  }
0x87: {  	_ =	shalt  }
.Lfunc_end0:
.L_simem_size_0:
called_computation_lowered:
.L_overlay_start_0:
0x88: {  	s2 =	sld [smem:$0x3FD9]  }
0x89: {  	s3 =	sld [smem:$0x3FFE];
	_ =	sdelay $0x1  }
0x8a: {  	s1 =	srdreg.scid  }
0x8b: {  	s0 =	sand.u32 $0x1, s1  }
0x8c: {  	s16 =	sshll.u32 s0, $0xA;
	s2 =	sadd.s32 s3, s2  }
0x8d: {  	s2 =	sadd.s32 s2, s16  }
0x8e: {  	[smem:$0x3FB9] =	sst s2  }
0x8f: {  	_ = 	snop  }
0x90: {  	(tm) =	ssettm $0x1  }
0x91: {  	s17 =	sld [smem:$0x3FFB];
	_ =	sdelay $0x3  }
0x92: {  	_ =	strace s17  }
0x93: {  	s2 =	sld [smem:$0x3FFC];
	_ =	sdelay $0x3  }
0x94: {  	_ =	strace s2  }
0x95: {  	s2 =	sld [smem:$0x3FFD];
	_ =	sdelay $0x3  }
0x96: {  	_ =	strace s2  }
0x97: {  	_ =	strace $0x8FFFFFFF  }
0x98: {  	s18 =	sld [smem:$0x3FDB];
	_ =	sdelay $0x1  }
0x99: {  	s19 =	simm.s32 $_scs_section_size  }
0x9a: {  	s4 =	simm.s32 $_size__tile_overlayer_lowered;
	s5 =	simm.s32 $_tile_overlayer_lowered  }
0x9b: {  	s22 =	simm.s32 $0x1BFF;
	s21 =	sshll.u32 s5, $0x1;
	s2 =	sadd.s32 s19, s18  }
0x9c: {  	s6 =	simm.s32 $0x0;
	s20 =	sshll.u32 s4, $0x1;
	s4 =	sadd.s32 s21, s2  }
0x9d: {  	[timem:s6], [sflag:s22] =	dma.local [hbm:s4], s20  }
0x9e: {  	_ =	swait.ge [sflag:s22], s20  }
0x9f: {  	s3 =	ssub.s32 $0x0, s20;
	[sflag:s22] =	ssyncset.done $0x0  }
0xa0: {  	[sflag:s22] =	ssyncadd.s32 s3;
	_ =	sdelay $0x1  }
0xa1: {  	s23 =	simm.s32 $0x1B8B  }
0xa2: {  	_ =	swait.ge [sflag:s23], $0x1  }
0xa3: {  	[sflag:s23] =	ssyncset.done $0x0  }
0xa4: {  	s25 =	simm.s32 $0x1B8E;
	s24 =	sld [smem:$0x3FFE];
	[sflag:s23] =	ssyncadd.s32 $0xFFFFFFFF  }
0xa5: {  	s26 =	simm.s32 $execute0_lowered;
	[smem:$0x3FD2] =	sst s25  }
0xa6: {  	s4 =	sshll.u32 s26, $0x1;
	_ =	strace $0x80000046;
	[dreg:$0x1] =	wrdreg $0xFFFFFFFF  }
0xa7: {  	s28 =	simm.s32 $_size_execute0_lowered;
	s2 =	sadd.s32 s2, s4;
	[dreg:$0x0] =	wrdreg $0x0  }
0xa8: {  	s4 =	sshll.u32 s28, $0x1;
	[dreg:$0x2] =	wrdreg s2  }
0xa9: {  	[dreg:$0x3] =	wrdreg s4  }
0xaa: {  	[dreg:$0x4] =	wrdreg $0xC0  }
0xab: {  	_ =	task [dreg:s6], $0x5FFFF  }
0xac: {  	[dreg:$0x1] =	wrdreg $0xFFFFFFFF  }
0xad: {  	[dreg:$0x0] =	wrdreg $0x60  }
0xae: {  	[dreg:$0x2] =	wrdreg s24  }
0xaf: {  	[dreg:$0x3] =	wrdreg $0x12C000  }
0xb0: {  	[dreg:$0x4] =	wrdreg $0x9  }
0xb1: {  	_ =	task.clear_ibuf [dreg:s6], $0x5FFFF;
	_ =	strace $0x90000046  }
0xb2: {  	s29 =	simm.s32 $0x9;
	_ =	strace $0x80000048  }
0xb3: {  	_ =	swait.ge [sflag:s29], $0x1  }
0xb4: {  	[sflag:s29] =	ssyncadd.s32 $0xFFFFFFFF  }
0xb5: {  	_ =	strace $0x90000048  }
0xb6: {  	_ =	sfence  }
0xb7: {  	s30 =	sld [smem:$0x0];
	_ =	sdelay $0x2  }
0xb8: {  	s31 =	sshll.u32 s1, $0xD;
	s1 =	sshrl.u32 s1, $0x2  }
0xb9: {  	s3 =	sand.u32 $0x4000, s31;
	s1 =	sadd.s32 s1, s30  }
0xba: {  	s0 =	sor.u32 s3, s0;
	s1 =	sshll.u32 s1, $0x11  }
0xbb: {  	s0 =	sor.u32 s1, s0  }
0xbc: {  	s0 =	sadd.s32 $0x8F2B, s0  }
0xbd: {  	[sflag:s0] =	ssyncadd.remote.s32 $0x1  }
0xbe: {  	_ =	sfence.sel $0xFFFF  }
0xbf: {  	[dreg:$0x0] =	wrdreg $0xFFFFFFFF;
	(pc) =	sbr.abs _section_cstart, $3  }
0xc0: {  	[dreg:$0x1] =	wrdreg $0xFFFFFFFF  }
0xc1: {  	_ =	task.clear_ibuf [dreg:s6], $0x2FFFF;
	_ =	strace $0x9FFFFFFF  }
0xc2: {  	(tm) =	ssettm $0x7FFFFFFF  }
0xc3: {  	_ =	shalt  }
tec
execute0_lowered:
.L_overlay_start_1:
0x0: {  	(tag) =	ssettag $0x1  }
0x1: {  	s7 =	rddreg [dreg:$0x0]  }
0x2: {  	s1 =	rddreg [dreg:$0x1]  }
0x3: {  	s2 =	srdreg.scid;
	s25 =	simm.s32 $0x0;
	s0 =	stileid.u32  }
0x4: {  	s17 =	simm.s32 $0x80;
	s18 =	simm.s32 $0xF;
	s19 =	simm.s32 $0x10  }
0x5: {  	s20 =	simm.s32 $0x11;
	s21 =	simm.s32 $0x12;
	s22 =	simm.s32 $0x13  }
0x6: {  	s23 =	simm.s32 $0x14;
	s24 =	simm.s32 $0x15;
	s8 =	sand.u32 $0x1, s2  }
0x7: {  	[smem:$0x7FF] =	sst s25;
	s9 =	smul.u32 $0xB1C0, s0;
	s5 =	sadd.s32 $0x2EE00, s7  }
0x8: {  	s26 =	sadd.s32 $0x42E00, s7;
	s13 =	smul.u32 $0xA00, s0;
	s28 =	sshll.u32 s0, $0x6  }
0x9: {  	s25 =	simm.s32 $0x16;
	s4 =	smul.u32 $0x15F90, s8;
	_ =	strace $0x80000047  }
0xa: {  	s10 =	smul.u32 $0xB1C00, s8;
	[dreg:$0x3] =	wrdreg s26;
	s8 =	ssub.s32 $0x2, s8  }
0xb: {  	s26 =	simm.s32 $0x0;
	s12 =	sshrl.u32 s8, $0x1;
	s16 =	sadd.s32 s9, s1  }
0xc: {  	s30 =	sadd.s32 s5, s13;
	s11 =	sadd.s32 s4, s7;
	s4 =	sadd.s32 $0x38E00, s7  }
0xd: {  	s10 =	sadd.s32 s9, s10;
	s15 =	ssub.s32 s8, s12;
	[dreg:$0x5] =	wrdreg s30  }
0xe: {  	s10 =	sshrl.u32 s10, $0x3;
	s29 =	sadd.s32 s4, s13;
	s11 =	sadd.s32 $0x2E00, s11  }
0xf: {  	s13 =	smax.u32 s15, $0x1;
	s15 =	simm.s32 $0x17;
	s14 =	sadd.s32 s10, s7  }
0x10: {  	s7 =	sor.u32 $0x1C17, s28;
	[dreg:$0x4] =	wrdreg s29;
	s31 =	sadd.s32 $0x44600, s14  }
0x11: {  	s10 =	smul.u32 $0x5000, s0;
	s14 =	sshrl.u32 s16, $0x3;
	[dreg:$0x6] =	wrdreg s31  }
.LBB2_1:
0x12: {  	s0 =	rddreg [dreg:$0x3]  }
0x13: {  	[spmem:s14], [sflag:s7] =	dma.local [hbm:s0], $0x1638  }
0x14: {  	_ =	swait.ge [sflag:s15], $0x1638  }
0x15: {  	[sflag:s15] =	ssyncset.done $0x0  }
0x16: {  	[sflag:s15] =	ssyncadd.s32 $0xFFFFE9C8  }
0x17: {  	[bflag:$0x0] =	sbarrier.arrive $0xFFFF  }
0x18: {  	s30 =	simm.s32 $0x0;
	s2 =	rddreg [dreg:$0x4]  }
0x19: {  	[tilespmem:s30], [sflag:$0x1] =	stream.linear.gather [hbm4b:s2+s30], $0x200, $0x38;
	[tilespmem:$0x1DDC0] =	vst v63  }
0x1a: {  	s3 =	simm.s32 $0x600;
	s28 =	simm.s32 $0x0;
	s31 =	rddreg [dreg:$0x5]  }
0x1b: {  	[tilespmem:s3], [sflag:$0x2] =	stream.linear.gather [hbm4b:s31+s30], $0x200, $0x38;
	[tilespmem:$0x1DDC0] =	vst v63  }
.LBB2_2:
0x1c: {  	s29 =	sand.u32 $0x1, s28;
	p1 =	slt.u32 s28, $0x2  }
0x1d: {  	s30 =	sshll.u32 @!p1 s29, $0x2  }
0x1e: {  	s31 =	sadd.s32 @!p1 $0xF, s30  }
0x1f: {  	_ =	swait.ge @!p1 [sflag:s31], $0x2400  }
0x20: {  	s0 =	smul.u32 $0xAB, s28;
	[sflag:s31] =	ssyncset.done @!p1 $0x0  }
0x21: {  	[sflag:s31] =	ssyncadd.s32 @!p1 $0xFFFFDC00;
	s31 =	sor.u32 @!p1 $0x10, s30  }
0x22: {  	s0 =	sshrl.u32 s0, $0x9;
	_ =	swait.ge @!p1 [sflag:s31], $0x2400  }
0x23: {  	s0 =	sand.u32 $0x7F, s0;
	[sflag:s31] =	ssyncset.done @!p1 $0x0  }
0x24: {  	s0 =	smul.u32 $0x3, s0;
	[sflag:s31] =	ssyncadd.s32 @!p1 $0xFFFFDC00;
	s31 =	sor.u32 @!p1 $0x11, s30  }
0x25: {  	_ =	swait.ge @!p1 [sflag:s31], $0x2400  }
0x26: {  	p0 =	seq.s32 s28, $0x27;
	s0 =	ssub.s32 s28, s0;
	[sflag:s31] =	ssyncset.done @!p1 $0x0  }
0x27: {  	s28 =	sadd.s32 @!p0 $0x1, s28;
	s30 =	sor.u32 @!p1 $0x12, s30;
	[sflag:s31] =	ssyncadd.s32 @!p1 $0xFFFFDC00  }
0x28: {  	s31 =	smul.u32 @!p0 $0xAB, s28;
	_ =	swait.ge @!p1 [sflag:s30], $0x2400  }
0x29: {  	s6 =	simm.s32 @!p0 $0x0;
	s0 =	sand.u32 $0xFF, s0;
	[sflag:s30] =	ssyncset.done @!p1 $0x0  }
0x2a: {  	s8 =	sshllo.u32 s0, $0x1;
	s31 =	sshrl.u32 @!p0 s31, $0x9;
	[sflag:s30] =	ssyncadd.s32 @!p1 $0xFFFFDC00  }
0x2b: {  	s2 =	sshll.u32 s0, $0x1;
	s31 =	sand.u32 @!p0 $0x7F, s31;
	_ =	swait.ge [sflag:s8], $0x200  }
0x2c: {  	s30 =	sshll.u32 @!p0 s28, $0x9;
	s31 =	smul.u32 @!p0 $0x3, s31;
	[sflag:s8] =	ssyncset.done $0x0  }
0x2d: {  	s2 =	sadd.s32 $0x2, s2;
	s30 =	sadd.s32 @!p0 s10, s30;
	[sflag:s8] =	ssyncadd.s32 $0xFFFFFE00  }
0x2e: {  	s30 =	sshrl.u32 @!p0 s30, $0x3;
	s31 =	ssub.s32 @!p0 s28, s31;
	_ =	swait.ge [sflag:s2], $0x200  }
0x2f: {  	s3 =	sadd.s32 @!p0 s4, s30;
	s31 =	sand.u32 @!p0 $0xFF, s31;
	[sflag:s2] =	ssyncset.done $0x0  }
0x30: {  	s16 =	sshllo.u32 @!p0 s31, $0x1;
	[sflag:s2] =	ssyncadd.s32 $0xFFFFFE00;
	s2 =	sshll.u32 @!p0 s31, $0x9  }
0x31: {  	[tilespmem:s2], [sflag:s16] =	stream.linear.gather @!p0 [hbm4b:s3+s6], $0x200, $0x38;
	[tilespmem:$0x1DDC0] =	vst v63  }
0x32: {  	s9 =	smul.u32 $0x24000, s29;
	s3 =	sshll.u32 @!p0 s31, $0x1  }
0x33: {  	s2 =	sadd.s32 @!p0 $0x600, s2;
	s16 =	sadd.s32 @!p0 s5, s30;
	s3 =	sadd.s32 @!p0 $0x2, s3  }
0x34: {  	[tilespmem:s2], [sflag:s3] =	stream.linear.gather @!p0 [hbm4b:s16+s6], $0x200, $0x38;
	[tilespmem:$0x1DDC0] =	vst v63  }
0x35: {  	s2 =	sshrl.u32 s9, $0x2;
	s3 =	sshll.u32 s29, $0x2  }
0x36: {  	s0 =	sshll.u32 s0, $0x9;
	s6 =	sor.u32 $0xC00, s2;
	s16 =	sadd.s32 $0x7, s3  }
0x37: {  	[tilespmem:s6], [sflag:s16] =	stream.indirect.gather [hbm4b:s11+s17], $0x48, s0, s17, $0xb8;
	[tilespmem:$0x1DDC0] =	vst v63  }
0x38: {  	s12 =	sor.u32 $0x80, s0;
	s29 =	sadd.s32 $0x3000, s2;
	s31 =	sor.u32 $0x8, s3  }
0x39: {  	[tilespmem:s29], [sflag:s31] =	stream.indirect.gather [hbm4b:s11+s17], $0x48, s12, s17, $0xb8;
	[tilespmem:$0x1DDC0] =	vst v63  }
0x3a: {  	s8 =	sor.u32 $0x100, s0;
	s30 =	sadd.s32 $0x5400, s2;
	s9 =	sor.u32 $0x9, s3  }
0x3b: {  	[tilespmem:s30], [sflag:s9] =	stream.indirect.gather [hbm4b:s11+s17], $0x48, s8, s17, $0xb8;
	[tilespmem:$0x1DDC0] =	vst v63  }
0x3c: {  	s2 =	sadd.s32 $0x7800, s2;
	s12 =	sor.u32 $0xA, s3;
	s8 =	sor.u32 $0x180, s0  }
0x3d: {  	[tilespmem:s2], [sflag:s12] =	stream.indirect.gather [hbm4b:s11+s17], $0x48, s8, s17, $0xb8;
	[tilespmem:$0x1DDC0] =	vst v63  }
0x3e: {  	_ =	swait.ge [sflag:s16], $0x2400  }
0x3f: {  	[sflag:s16] =	ssyncset.done $0x0  }
0x40: {  	s8 =	sadd.s32 $0x600, s0;
	[sflag:s16] =	ssyncadd.s32 $0xFFFFDC00;
	s16 =	sadd.s32 $0xF, s3  }
0x41: {  	[spmem:s1] =	stream.indirect.scatter.add.f32 [tilespmem:s6], [sflag:s16], $0x48, s8, s17, $0xb8;
	[tilespmem:$0x1DDC0] =	vst v63  }
0x42: {  	_ =	swait.ge [sflag:s31], $0x2400  }
0x43: {  	[sflag:s31] =	ssyncset.done $0x0  }
0x44: {  	s8 =	sadd.s32 $0x680, s0;
	s16 =	sor.u32 $0x10, s3;
	[sflag:s31] =	ssyncadd.s32 $0xFFFFDC00  }
0x45: {  	[spmem:s1] =	stream.indirect.scatter.add.f32 [tilespmem:s29], [sflag:s16], $0x48, s8, s17, $0xb8;
	[tilespmem:$0x1DDC0] =	vst v63  }
0x46: {  	s28 =	simm.s32 @p0 $0x28;
	_ =	swait.ge [sflag:s9], $0x2400  }
0x47: {  	p0 =	sne.s32 s28, $0x28;
	[sflag:s9] =	ssyncset.done $0x0  }
0x48: {  	s31 =	sor.u32 $0x11, s3;
	s29 =	sadd.s32 $0x700, s0;
	[sflag:s9] =	ssyncadd.s32 $0xFFFFDC00  }
0x49: {  	[spmem:s1] =	stream.indirect.scatter.add.f32 [tilespmem:s30], [sflag:s31], $0x48, s29, s17, $0xb8;
	[tilespmem:$0x1DDC0] =	vst v63  }
.Ltmp0:
0x4a: {  	_ = 	snop;
	(pc) =	sbr.rel @p0 .LBB2_2-.Ltmp0, $4  }
0x4b: {  	_ =	swait.ge [sflag:s12], $0x2400  }
0x4c: {  	[sflag:s12] =	ssyncset.done $0x0  }
0x4d: {  	s3 =	sor.u32 $0x12, s3;
	s0 =	sadd.s32 $0x780, s0;
	[sflag:s12] =	ssyncadd.s32 $0xFFFFDC00  }
0x4e: {  	[spmem:s1] =	stream.indirect.scatter.add.f32 [tilespmem:s2], [sflag:s3], $0x48, s0, s17, $0xb8;
	[tilespmem:$0x1DDC0] =	vst v63  }
0x4f: {  	_ =	swait.ge [sflag:s18], $0x2400  }
0x50: {  	[sflag:s18] =	ssyncset.done $0x0  }
0x51: {  	[sflag:s18] =	ssyncadd.s32 $0xFFFFDC00  }
0x52: {  	_ =	swait.ge [sflag:s19], $0x2400  }
0x53: {  	[sflag:s19] =	ssyncset.done $0x0  }
0x54: {  	[sflag:s19] =	ssyncadd.s32 $0xFFFFDC00  }
0x55: {  	_ =	swait.ge [sflag:s20], $0x2400  }
0x56: {  	[sflag:s20] =	ssyncset.done $0x0  }
0x57: {  	[sflag:s20] =	ssyncadd.s32 $0xFFFFDC00  }
0x58: {  	_ =	swait.ge [sflag:s21], $0x2400  }
0x59: {  	[sflag:s21] =	ssyncset.done $0x0  }
0x5a: {  	[sflag:s21] =	ssyncadd.s32 $0xFFFFDC00  }
0x5b: {  	_ =	swait.ge [sflag:s22], $0x2400  }
0x5c: {  	[sflag:s22] =	ssyncset.done $0x0  }
0x5d: {  	[sflag:s22] =	ssyncadd.s32 $0xFFFFDC00  }
0x5e: {  	_ =	swait.ge [sflag:s23], $0x2400  }
0x5f: {  	[sflag:s23] =	ssyncset.done $0x0  }
0x60: {  	[sflag:s23] =	ssyncadd.s32 $0xFFFFDC00  }
0x61: {  	_ =	swait.ge [sflag:s24], $0x2400  }
0x62: {  	[sflag:s24] =	ssyncset.done $0x0  }
0x63: {  	[sflag:s24] =	ssyncadd.s32 $0xFFFFDC00  }
0x64: {  	_ =	swait.ge [sflag:s25], $0x2400  }
0x65: {  	[sflag:s25] =	ssyncset.done $0x0  }
0x66: {  	s26 =	sadd.s32 $0x1, s26;
	[sflag:s25] =	ssyncadd.s32 $0xFFFFDC00  }
0x67: {  	p0 =	sne.s32 s26, s13;
	[bflag:$0x0] =	sbarrier.arrive $0xFFFF  }
.Ltmp1:
0x68: {  	s0 =	rddreg [dreg:$0x6];
	(pc) =	sbr.rel @p0 .LBB2_1-.Ltmp1, $4  }
0x69: {  	[hbm:s0], [sflag:s7] =	dma.local [spmem:s14], $0x1638  }
0x6a: {  	_ =	swait.ge [sflag:s15], $0x1638  }
0x6b: {  	[sflag:s15] =	ssyncset.done $0x0  }
0x6c: {  	[sflag:s15] =	ssyncadd.s32 $0xFFFFE9C8  }
0x6d: {  	_ =	sfence.sel $0x180000  }
0x6e: {  	[bflag:$0x0] =	sbarrier.arrive $0xFFFF  }
0x6f: {  	_ =	strace $0x90000047  }
0x70: {  	s0 =	stileid.u32;
	[bflag:$0x2] =	sbarrier.arrive $0xFFFF  }
0x71: {  	p0 =	sne.s32 s0, $0x0;
	s0 =	rddreg [dreg:$0x2]  }
0x72: {  	s0 =	sadd.s32 @!p0 $0x100000, s0  }
0x73: {  	[sflag:s0] =	ssyncadd.tile.s32 @!p0 $0x1;
	_ =	shalt  }
.Lfunc_end2:
_tile_overlayer_lowered:
.L_overlay_start_2:
0x74: {  	(tag) =	ssettag $0x2  }
0x75: {  	s0 =	rddreg [dreg:$0x0];
	s2 =	stileid.u32  }
0x76: {  	s1 =	rddreg [dreg:$0x1];
	p0 =	sne.s32 s2, $0x0  }
0x77: {  	s3 =	rddreg [dreg:$0x2];
	[bflag:$0x3] =	sbarrier.arrive $0xFFFF;
	s2 =	simm.s32 @!p0 $0x1C17  }
0x78: {  	[timem:s3], [sflag:s2] =	dma.local @!p0 [hbm:s0], s1  }
0x79: {  	s0 =	simm.s32 @!p0 $0x17  }
0x7a: {  	_ =	swait.ge @!p0 [sflag:s0], s1  }
0x7b: {  	s1 =	ssub.s32 @!p0 $0x0, s1;
	[sflag:s0] =	ssyncset.done @!p0 $0x0  }
0x7c: {  	[sflag:s0] =	ssyncadd.s32 @!p0 s1  }
0x7d: {  	[bflag:$0x3] =	sbarrier.arrive $0xFFFF  }
0x7e: {  	_ =	shalt  }

// kernel: kernel.9.cloned.1.call-start
scs
__scs_entry_jumppad:
0x0: {  	(pc) =	sbr.rel $0x88, $3  }
0x1: {  	(tag) =	ssettag $0x0;
	lr =	simm.s32 $0x1  }
0x2: {  	[smem:$0x3F92] =	sst lr;
	_ =	strace $0xD0000000  }
0x3: {  	_ = 	snop  }
0x4: {  	_ = 	snop  }
0x5: {  	_ = 	snop  }
0x6: {  	_ = 	snop  }
0x7: {  	_ = 	snop  }
__scs_overlays_trampoline_lowered:
0x8: {  	[smem:$0x3FA1] =	sst s0  }
0x9: {  	[smem:$0x3FA2] =	sst s1  }
0xa: {  	[smem:$0x3FA3] =	sst s2  }
0xb: {  	[smem:$0x3FA4] =	sst s3  }
0xc: {  	[smem:$0x3FA5] =	sst s4  }
0xd: {  	[smem:$0x3FA6] =	sst s5  }
0xe: {  	[smem:$0x3FA7] =	sst s6  }
0xf: {  	[smem:$0x3FA8] =	sst s7  }
0x10: {  	[smem:$0x3FA9] =	sst s8  }
0x11: {  	[smem:$0x3FAA] =	sst s9;
	s0 =	simm.s32 @!p0 $0x0  }
0x12: {  	s1 =	sld [smem:$0x3F90];
	s0 =	simm.s32 @p0 $0x1  }
0x13: {  	[smem:$0x3FAB] =	sst s0;
	s0 =	simm.s32 @!p1 $0x0  }
0x14: {  	s2 =	sld [smem:$0x3F8F];
	s0 =	simm.s32 @p1 $0x1  }
0x15: {  	[smem:$0x3FAC] =	sst s0;
	s0 =	simm.s32 @!p2 $0x0  }
0x16: {  	s3 =	sld [smem:$0x3FDB];
	s0 =	simm.s32 @p2 $0x1  }
0x17: {  	s4 =	simm.s32 $0x1BF5;
	[smem:$0x3FAE] =	sst s0  }
0x18: {  	s0 =	sld [smem:$0x3F91];
	_ =	swait.ge [sflag:s4], $0x0  }
0x19: {  	s7 =	sld [smem:$0x3F92]  }
0x1a: {  	s8 =	sadd.s32 $0xFFFFE003, lr  }
0x1b: {  	s9 =	sadd.s32 $0xFFFFFEF7, lr;
	s5 =	simm.s32 $0xFFFFFFFF;
	p2 =	slt.u32 s8, $0xFFFFF086  }
0x1c: {  	p1 =	slt.u32 s9, $0xF7A;
	s5 =	simm.s32 @!p2 $0x0  }
0x1d: {  	s5 =	simm.s32 @p1 $0x1;
	p0 =	seq.s32 s7, s2  }
0x1e: {  	s7 =	smul.u32 @!p0 $0xF7A, s2;
	p2 =	seq.s32 @!p0 s5, $0x0  }
0x1f: {  	s9 =	smul.u32 $0xF7A, s1;
	s8 =	simm.s32 @!p0 $0x1BF5;
	p2 =	por !p2, p0  }
0x20: {  	[sflag:s8] =	ssyncset.s32 @!p0 $0xFFFFF086;
	s6 =	sadd.s32 @!p0 s3, s7;
	s7 =	simm.s32 @!p0 $0x108  }
0x21: {  	s3 =	sadd.s32 s3, s9;
	s6 =	sadd.s32 @!p0 $0x88, s6;
	s7 =	simm.s32 @p2 $0x1082  }
0x22: {  	[simem:s7], [sflag:s8] =	dma.local @!p0 [hbm:s6], $0xF7A  }
0x23: {  	s9 =	sor.u32 $0xD0000000, s2;
	s6 =	simm.s32 $0x108;
	_ =	swait.ge @!p0 [sflag:s8], $0x0  }
0x24: {  	s3 =	sadd.s32 $0x88, s3;
	s6 =	simm.s32 @!p1 $0x1082;
	[sflag:s4] =	ssyncset.s32 $0xFFFFF086  }
0x25: {  	[simem:s6], [sflag:s4] =	dma.local [hbm:s3], $0xF7A  }
0x26: {  	[smem:$0x3F92] =	sst s1;
	(tag) =	ssettag s2;
	_ =	strace s9  }
0x27: {  	s1 =	sld [smem:$0x3FA2]  }
0x28: {  	s2 =	sld [smem:$0x3FA3]  }
0x29: {  	s4 =	sld [smem:$0x3FA5]  }
0x2a: {  	p0 =	seq.s32 s5, $0x0;
	s5 =	sld [smem:$0x3FA6]  }
0x2b: {  	s6 =	sld [smem:$0x3FA7]  }
0x2c: {  	s7 =	sld [smem:$0x3FA8]  }
0x2d: {  	s3 =	simm.s32 $0x108;
	s8 =	sld [smem:$0x3FA9]  }
0x2e: {  	s3 =	simm.s32 @!p0 $0x1082;
	s9 =	sld [smem:$0x3FAA]  }
0x2f: {  	lr =	sadd.s32 s0, s3;
	s0 =	sld [smem:$0x3FA1]  }
0x30: {  	s3 =	sld [smem:$0x3FA4]  }
0x31: {  	[smem:$0x3FAD] =	sst s10  }
0x32: {  	s10 =	sld [smem:$0x3FAB];
	_ =	sdelay $0x3  }
0x33: {  	p0 =	seq.s32 s10, $0x1;
	s10 =	sld [smem:$0x3FAD];
	_ =	sdelay $0x3  }
0x34: {  	[smem:$0x3FAD] =	sst s10  }
0x35: {  	s10 =	sld [smem:$0x3FAC];
	_ =	sdelay $0x3  }
0x36: {  	p1 =	seq.s32 s10, $0x1;
	s10 =	sld [smem:$0x3FAD];
	_ =	sdelay $0x3  }
0x37: {  	[smem:$0x3FAD] =	sst s10  }
0x38: {  	s10 =	sld [smem:$0x3FAE]  }
0x39: {  	_ = 	snop;
	(pc) =	sbr.ind lr, $3  }
0x3a: {  	_ = 	snop  }
0x3b: {  	_ = 	snop  }
0x3c: {  	p2 =	seq.s32 s10, $0x1;
	s10 =	sld [smem:$0x3FAD]  }
0x3d: {  	_ =	shalt  }
0x3e: {  	_ =	shalt  }
0x3f: {  	_ =	shalt  }
0x40: {  	_ =	shalt  }
0x41: {  	_ =	shalt  }
0x42: {  	_ =	shalt  }
0x43: {  	_ =	shalt  }
0x44: {  	_ =	shalt  }
0x45: {  	_ =	shalt  }
0x46: {  	_ =	shalt  }
0x47: {  	_ =	shalt  }
0x48: {  	_ =	shalt  }
0x49: {  	_ =	shalt  }
0x4a: {  	_ =	shalt  }
0x4b: {  	_ =	shalt  }
0x4c: {  	_ =	shalt  }
0x4d: {  	_ =	shalt  }
0x4e: {  	_ =	shalt  }
0x4f: {  	_ =	shalt  }
0x50: {  	_ =	shalt  }
0x51: {  	_ =	shalt  }
0x52: {  	_ =	shalt  }
0x53: {  	_ =	shalt  }
0x54: {  	_ =	shalt  }
0x55: {  	_ =	shalt  }
0x56: {  	_ =	shalt  }
0x57: {  	_ =	shalt  }
0x58: {  	_ =	shalt  }
0x59: {  	_ =	shalt  }
0x5a: {  	_ =	shalt  }
0x5b: {  	_ =	shalt  }
0x5c: {  	_ =	shalt  }
0x5d: {  	_ =	shalt  }
0x5e: {  	_ =	shalt  }
0x5f: {  	_ =	shalt  }
0x60: {  	_ =	shalt  }
0x61: {  	_ =	shalt  }
0x62: {  	_ =	shalt  }
0x63: {  	_ =	shalt  }
0x64: {  	_ =	shalt  }
0x65: {  	_ =	shalt  }
0x66: {  	_ =	shalt  }
0x67: {  	_ =	shalt  }
0x68: {  	_ =	shalt  }
0x69: {  	_ =	shalt  }
0x6a: {  	_ =	shalt  }
0x6b: {  	_ =	shalt  }
0x6c: {  	_ =	shalt  }
0x6d: {  	_ =	shalt  }
0x6e: {  	_ =	shalt  }
0x6f: {  	_ =	shalt  }
0x70: {  	_ =	shalt  }
0x71: {  	_ =	shalt  }
0x72: {  	_ =	shalt  }
0x73: {  	_ =	shalt  }
0x74: {  	_ =	shalt  }
0x75: {  	_ =	shalt  }
0x76: {  	_ =	shalt  }
0x77: {  	_ =	shalt  }
0x78: {  	_ =	shalt  }
0x79: {  	_ =	shalt  }
0x7a: {  	_ =	shalt  }
0x7b: {  	_ =	shalt  }
0x7c: {  	_ =	shalt  }
0x7d: {  	_ =	shalt  }
0x7e: {  	_ =	shalt  }
0x7f: {  	_ =	shalt  }
0x80: {  	_ =	shalt  }
0x81: {  	_ =	shalt  }
0x82: {  	_ =	shalt  }
0x83: {  	_ =	shalt  }
0x84: {  	_ =	shalt  }
0x85: {  	_ =	shalt  }
0x86: {  	_ =	shalt  }
0x87: {  	_ =	shalt  }
.Lfunc_end0:
.L_simem_size_0:
called_computation.1_lowered:
.L_overlay_start_0:
0x88: {  	s2 =	sld [smem:$0x3FD9]  }
0x89: {  	s3 =	sld [smem:$0x3FFE];
	_ =	sdelay $0x1  }
0x8a: {  	s1 =	srdreg.scid  }
0x8b: {  	s0 =	sand.u32 $0x1, s1  }
0x8c: {  	s16 =	sshll.u32 s0, $0xA;
	s2 =	sadd.s32 s3, s2  }
0x8d: {  	s2 =	sadd.s32 s2, s16  }
0x8e: {  	[smem:$0x3FB9] =	sst s2  }
0x8f: {  	_ = 	snop  }
0x90: {  	(tm) =	ssettm $0x1  }
0x91: {  	s17 =	sld [smem:$0x3FFB];
	_ =	sdelay $0x3  }
0x92: {  	_ =	strace s17  }
0x93: {  	s2 =	sld [smem:$0x3FFC];
	_ =	sdelay $0x3  }
0x94: {  	_ =	strace s2  }
0x95: {  	s2 =	sld [smem:$0x3FFD];
	_ =	sdelay $0x3  }
0x96: {  	_ =	strace s2  }
0x97: {  	_ =	strace $0x8FFFFFFF  }
0x98: {  	s18 =	sld [smem:$0x3FDB];
	_ =	sdelay $0x1  }
0x99: {  	s19 =	simm.s32 $_scs_section_size  }
0x9a: {  	s4 =	simm.s32 $_size__tile_overlayer_lowered;
	s5 =	simm.s32 $_tile_overlayer_lowered  }
0x9b: {  	s22 =	simm.s32 $0x1BFF;
	s21 =	sshll.u32 s5, $0x1;
	s2 =	sadd.s32 s19, s18  }
0x9c: {  	s6 =	simm.s32 $0x0;
	s20 =	sshll.u32 s4, $0x1;
	s4 =	sadd.s32 s21, s2  }
0x9d: {  	[timem:s6], [sflag:s22] =	dma.local [hbm:s4], s20  }
0x9e: {  	_ =	swait.ge [sflag:s22], s20  }
0x9f: {  	s3 =	ssub.s32 $0x0, s20;
	[sflag:s22] =	ssyncset.done $0x0  }
0xa0: {  	[sflag:s22] =	ssyncadd.s32 s3;
	_ =	sdelay $0x1  }
0xa1: {  	s23 =	simm.s32 $0x1B8B  }
0xa2: {  	_ =	swait.ge [sflag:s23], $0x1  }
0xa3: {  	[sflag:s23] =	ssyncset.done $0x0  }
0xa4: {  	s25 =	simm.s32 $0x1B8E;
	s24 =	sld [smem:$0x3FFE];
	[sflag:s23] =	ssyncadd.s32 $0xFFFFFFFF  }
0xa5: {  	s26 =	simm.s32 $execute0_lowered;
	[smem:$0x3FD2] =	sst s25  }
0xa6: {  	s4 =	sshll.u32 s26, $0x1;
	_ =	strace $0x80000049;
	[dreg:$0x1] =	wrdreg $0xFFFFFFFF  }
0xa7: {  	s28 =	simm.s32 $_size_execute0_lowered;
	s2 =	sadd.s32 s2, s4;
	[dreg:$0x0] =	wrdreg $0x0  }
0xa8: {  	s4 =	sshll.u32 s28, $0x1;
	[dreg:$0x2] =	wrdreg s2  }
0xa9: {  	[dreg:$0x3] =	wrdreg s4  }
0xaa: {  	[dreg:$0x4] =	wrdreg $0xC0  }
0xab: {  	_ =	task [dreg:s6], $0x5FFFF  }
0xac: {  	[dreg:$0x1] =	wrdreg $0xFFFFFFFF  }
0xad: {  	[dreg:$0x0] =	wrdreg $0x60  }
0xae: {  	[dreg:$0x2] =	wrdreg s24  }
0xaf: {  	[dreg:$0x3] =	wrdreg $0x10C000  }
0xb0: {  	[dreg:$0x4] =	wrdreg $0x9  }
0xb1: {  	_ =	task.clear_ibuf [dreg:s6], $0x5FFFF;
	_ =	strace $0x90000049  }
0xb2: {  	s29 =	simm.s32 $0x9;
	_ =	strace $0x8000004B  }
0xb3: {  	_ =	swait.ge [sflag:s29], $0x1  }
0xb4: {  	[sflag:s29] =	ssyncadd.s32 $0xFFFFFFFF  }
0xb5: {  	_ =	strace $0x9000004B  }
0xb6: {  	_ =	sfence  }
0xb7: {  	s30 =	sld [smem:$0x0];
	_ =	sdelay $0x2  }
0xb8: {  	s31 =	sshll.u32 s1, $0xD;
	s1 =	sshrl.u32 s1, $0x2  }
0xb9: {  	s3 =	sand.u32 $0x4000, s31;
	s1 =	sadd.s32 s1, s30  }
0xba: {  	s0 =	sor.u32 s3, s0;
	s1 =	sshll.u32 s1, $0x11  }
0xbb: {  	s0 =	sor.u32 s1, s0  }
0xbc: {  	s0 =	sadd.s32 $0x8F2B, s0  }
0xbd: {  	[sflag:s0] =	ssyncadd.remote.s32 $0x1  }
0xbe: {  	_ =	sfence.sel $0xFFFF  }
0xbf: {  	[dreg:$0x0] =	wrdreg $0xFFFFFFFF;
	(pc) =	sbr.abs _section_cstart, $3  }
0xc0: {  	[dreg:$0x1] =	wrdreg $0xFFFFFFFF  }
0xc1: {  	_ =	task.clear_ibuf [dreg:s6], $0x2FFFF;
	_ =	strace $0x9FFFFFFF  }
0xc2: {  	(tm) =	ssettm $0x7FFFFFFF  }
0xc3: {  	_ =	shalt  }
tec
execute0_lowered:
.L_overlay_start_1:
0x0: {  	(tag) =	ssettag $0x1  }
0x1: {  	s8 =	rddreg [dreg:$0x0]  }
0x2: {  	s2 =	rddreg [dreg:$0x1]  }
0x3: {  	s1 =	simm.s32 $0x0;
	s4 =	srdreg.scid;
	s0 =	stileid.u32  }
0x4: {  	s15 =	simm.s32 $0x17;
	s17 =	simm.s32 $0x14;
	s18 =	simm.s32 $0x80  }
0x5: {  	s19 =	simm.s32 $0xF;
	s20 =	simm.s32 $0x10;
	s21 =	simm.s32 $0x11  }
0x6: {  	s22 =	simm.s32 $0x12;
	[smem:$0x7FF] =	sst s1;
	s9 =	sand.u32 $0x1, s4  }
0x7: {  	s10 =	smul.u32 $0x9E00, s0;
	s6 =	sshll.u32 s0, $0x1;
	s4 =	sadd.s32 $0x2E00, s8  }
0x8: {  	s5 =	sadd.s32 $0x38E00, s8;
	s23 =	sadd.s32 $0x16800, s8;
	s25 =	sshll.u32 s0, $0x6  }
0x9: {  	_ =	strace $0x8000004A;
	s7 =	smul.u32 $0x9E000, s9;
	s11 =	ssub.s32 s6, s9  }
0xa: {  	s6 =	sadd.s32 $0x2EE00, s8;
	[dreg:$0x3] =	wrdreg s23;
	s9 =	ssub.s32 $0x2, s9  }
0xb: {  	s23 =	simm.s32 $0x13;
	s11 =	smul.u32 $0x50, s11;
	s24 =	sshrl.u32 s9, $0x1  }
0xc: {  	s14 =	sadd.s32 s10, s2;
	s12 =	sadd.s32 s10, s7;
	s13 =	ssub.s32 s9, s24  }
0xd: {  	s14 =	sshrl.u32 s14, $0x3;
	s12 =	sshrl.u32 s12, $0x3;
	s11 =	sadd.s32 $0x50, s11  }
0xe: {  	s24 =	simm.s32 $0x15;
	s12 =	sadd.s32 s12, s8;
	s26 =	sshll.u32 s11, $0x4  }
0xf: {  	s13 =	smax.u32 s13, $0x1;
	s28 =	sand.u32 $0x1FFFFF00, s26;
	s31 =	sadd.s32 $0x42E00, s12  }
0x10: {  	s8 =	sor.u32 $0x1C17, s25;
	s29 =	sadd.s32 s5, s28;
	[dreg:$0x6] =	wrdreg s31  }
0x11: {  	s11 =	sshll.u32 s11, $0x7;
	s30 =	sadd.s32 s6, s28;
	[dreg:$0x4] =	wrdreg s29  }
0x12: {  	s25 =	simm.s32 $0x16;
	s26 =	simm.s32 $0x0;
	[dreg:$0x5] =	wrdreg s30  }
.LBB2_1:
0x13: {  	s0 =	rddreg [dreg:$0x3]  }
0x14: {  	[spmem:s14], [sflag:s8] =	dma.local [hbm:s0], $0x13C0  }
0x15: {  	_ =	swait.ge [sflag:s15], $0x13C0  }
0x16: {  	[sflag:s15] =	ssyncset.done $0x0  }
0x17: {  	[sflag:s15] =	ssyncadd.s32 $0xFFFFEC40  }
0x18: {  	[bflag:$0x0] =	sbarrier.arrive $0xFFFF  }
0x19: {  	s30 =	simm.s32 $0x0;
	s1 =	rddreg [dreg:$0x4]  }
0x1a: {  	[tilespmem:s30], [sflag:$0x1] =	stream.linear.gather [hbm4b:s1+s30], $0x200, $0x38;
	[tilespmem:$0x1AA00] =	vst v63  }
0x1b: {  	s3 =	simm.s32 $0x600;
	s28 =	simm.s32 $0x0;
	s31 =	rddreg [dreg:$0x5]  }
0x1c: {  	[tilespmem:s3], [sflag:$0x2] =	stream.linear.gather [hbm4b:s31+s30], $0x200, $0x38;
	[tilespmem:$0x1AA00] =	vst v63  }
.LBB2_2:
0x1d: {  	s29 =	sand.u32 $0x1, s28;
	p1 =	slt.u32 s28, $0x2  }
0x1e: {  	s30 =	sshll.u32 @!p1 s29, $0x2  }
0x1f: {  	s31 =	sadd.s32 @!p1 $0xF, s30  }
0x20: {  	_ =	swait.ge @!p1 [sflag:s31], $0x2000  }
0x21: {  	[sflag:s31] =	ssyncset.done @!p1 $0x0  }
0x22: {  	[sflag:s31] =	ssyncadd.s32 @!p1 $0xFFFFE000;
	s31 =	sor.u32 @!p1 $0x10, s30  }
0x23: {  	s0 =	smul.u32 $0xAB, s28;
	_ =	swait.ge @!p1 [sflag:s31], $0x2000  }
0x24: {  	[sflag:s31] =	ssyncset.done @!p1 $0x0  }
0x25: {  	s0 =	sshrl.u32 s0, $0x9;
	[sflag:s31] =	ssyncadd.s32 @!p1 $0xFFFFE000;
	s31 =	sor.u32 @!p1 $0x11, s30  }
0x26: {  	s0 =	sand.u32 $0x7F, s0;
	_ =	swait.ge @!p1 [sflag:s31], $0x2000  }
0x27: {  	s0 =	smul.u32 $0x3, s0;
	[sflag:s31] =	ssyncset.done @!p1 $0x0  }
0x28: {  	p0 =	seq.s32 s28, $0x13;
	s30 =	sor.u32 @!p1 $0x12, s30;
	[sflag:s31] =	ssyncadd.s32 @!p1 $0xFFFFE000  }
0x29: {  	s0 =	ssub.s32 s28, s0;
	s28 =	sadd.s32 @!p0 $0x1, s28;
	_ =	swait.ge @!p1 [sflag:s30], $0x2000  }
0x2a: {  	s0 =	sand.u32 $0xFF, s0;
	s31 =	smul.u32 @!p0 $0xAB, s28;
	[sflag:s30] =	ssyncset.done @!p1 $0x0  }
0x2b: {  	s10 =	sshllo.u32 s0, $0x1;
	[sflag:s30] =	ssyncadd.s32 @!p1 $0xFFFFE000  }
0x2c: {  	s31 =	sshrl.u32 @!p0 s31, $0x9;
	_ =	swait.ge [sflag:s10], $0x200  }
0x2d: {  	s1 =	sshll.u32 s0, $0x1;
	s31 =	sand.u32 @!p0 $0x7F, s31;
	[sflag:s10] =	ssyncset.done $0x0  }
0x2e: {  	s1 =	sadd.s32 $0x2, s1;
	s30 =	smul.u32 @!p0 $0x3, s31;
	[sflag:s10] =	ssyncadd.s32 $0xFFFFFE00  }
0x2f: {  	_ =	swait.ge [sflag:s1], $0x200  }
0x30: {  	s31 =	sshll.u32 @!p0 s28, $0x9;
	s30 =	ssub.s32 @!p0 s28, s30;
	[sflag:s1] =	ssyncset.done $0x0  }
0x31: {  	s30 =	sand.u32 @!p0 $0xFF, s30;
	[sflag:s1] =	ssyncadd.s32 $0xFFFFFE00;
	s1 =	sadd.s32 @!p0 s11, s31  }
0x32: {  	s7 =	simm.s32 @!p0 $0x0;
	s16 =	sshll.u32 @!p0 s30, $0x1;
	s1 =	sshrl.u32 @!p0 s1, $0x3  }
0x33: {  	s31 =	sshll.u32 @!p0 s30, $0x9;
	s30 =	sshllo.u32 @!p0 s30, $0x1;
	s3 =	sadd.s32 @!p0 s5, s1  }
0x34: {  	[tilespmem:s31], [sflag:s30] =	stream.linear.gather @!p0 [hbm4b:s3+s7], $0x200, $0x38;
	[tilespmem:$0x1AA00] =	vst v63  }
0x35: {  	s16 =	sadd.s32 @!p0 $0x2, s16;
	s1 =	sadd.s32 @!p0 s6, s1;
	s3 =	sadd.s32 @!p0 $0x600, s31  }
0x36: {  	[tilespmem:s3], [sflag:s16] =	stream.linear.gather @!p0 [hbm4b:s1+s7], $0x200, $0x38;
	[tilespmem:$0x1AA00] =	vst v63  }
0x37: {  	s1 =	sshll.u32 s29, $0xF;
	s3 =	sshll.u32 s29, $0x2  }
0x38: {  	s0 =	sshll.u32 s0, $0x9;
	s7 =	sor.u32 $0xC00, s1;
	s16 =	sadd.s32 $0x7, s3  }
0x39: {  	[tilespmem:s7], [sflag:s16] =	stream.indirect.gather [hbm4b:s4+s18], $0x40, s0, s18, $0xb8;
	[tilespmem:$0x1AA00] =	vst v63  }
0x3a: {  	s12 =	sor.u32 $0x80, s0;
	s29 =	sor.u32 $0x2C00, s1;
	s31 =	sor.u32 $0x8, s3  }
0x3b: {  	[tilespmem:s29], [sflag:s31] =	stream.indirect.gather [hbm4b:s4+s18], $0x40, s12, s18, $0xb8;
	[tilespmem:$0x1AA00] =	vst v63  }
0x3c: {  	s9 =	sor.u32 $0x100, s0;
	s30 =	sor.u32 $0x4C00, s1;
	s10 =	sor.u32 $0x9, s3  }
0x3d: {  	[tilespmem:s30], [sflag:s10] =	stream.indirect.gather [hbm4b:s4+s18], $0x40, s9, s18, $0xb8;
	[tilespmem:$0x1AA00] =	vst v63  }
0x3e: {  	s1 =	sor.u32 $0x6C00, s1;
	s12 =	sor.u32 $0xA, s3;
	s9 =	sor.u32 $0x180, s0  }
0x3f: {  	[tilespmem:s1], [sflag:s12] =	stream.indirect.gather [hbm4b:s4+s18], $0x40, s9, s18, $0xb8;
	[tilespmem:$0x1AA00] =	vst v63  }
0x40: {  	_ =	swait.ge [sflag:s16], $0x2000  }
0x41: {  	[sflag:s16] =	ssyncset.done $0x0  }
0x42: {  	s9 =	sadd.s32 $0x600, s0;
	[sflag:s16] =	ssyncadd.s32 $0xFFFFE000;
	s16 =	sadd.s32 $0xF, s3  }
0x43: {  	[spmem:s2] =	stream.indirect.scatter.add.f32 [tilespmem:s7], [sflag:s16], $0x40, s9, s18, $0xb8;
	[tilespmem:$0x1AA00] =	vst v63  }
0x44: {  	_ =	swait.ge [sflag:s31], $0x2000  }
0x45: {  	[sflag:s31] =	ssyncset.done $0x0  }
0x46: {  	s9 =	sadd.s32 $0x680, s0;
	s16 =	sor.u32 $0x10, s3;
	[sflag:s31] =	ssyncadd.s32 $0xFFFFE000  }
0x47: {  	[spmem:s2] =	stream.indirect.scatter.add.f32 [tilespmem:s29], [sflag:s16], $0x40, s9, s18, $0xb8;
	[tilespmem:$0x1AA00] =	vst v63  }
0x48: {  	s28 =	simm.s32 @p0 $0x14;
	_ =	swait.ge [sflag:s10], $0x2000  }
0x49: {  	p0 =	sne.s32 s28, $0x14;
	[sflag:s10] =	ssyncset.done $0x0  }
0x4a: {  	s31 =	sor.u32 $0x11, s3;
	s29 =	sadd.s32 $0x700, s0;
	[sflag:s10] =	ssyncadd.s32 $0xFFFFE000  }
0x4b: {  	[spmem:s2] =	stream.indirect.scatter.add.f32 [tilespmem:s30], [sflag:s31], $0x40, s29, s18, $0xb8;
	[tilespmem:$0x1AA00] =	vst v63  }
.Ltmp0:
0x4c: {  	_ = 	snop;
	(pc) =	sbr.rel @p0 .LBB2_2-.Ltmp0, $4  }
0x4d: {  	_ =	swait.ge [sflag:s12], $0x2000  }
0x4e: {  	[sflag:s12] =	ssyncset.done $0x0  }
0x4f: {  	s3 =	sor.u32 $0x12, s3;
	s0 =	sadd.s32 $0x780, s0;
	[sflag:s12] =	ssyncadd.s32 $0xFFFFE000  }
0x50: {  	[spmem:s2] =	stream.indirect.scatter.add.f32 [tilespmem:s1], [sflag:s3], $0x40, s0, s18, $0xb8;
	[tilespmem:$0x1AA00] =	vst v63  }
0x51: {  	_ =	swait.ge [sflag:s19], $0x2000  }
0x52: {  	[sflag:s19] =	ssyncset.done $0x0  }
0x53: {  	[sflag:s19] =	ssyncadd.s32 $0xFFFFE000  }
0x54: {  	_ =	swait.ge [sflag:s20], $0x2000  }
0x55: {  	[sflag:s20] =	ssyncset.done $0x0  }
0x56: {  	[sflag:s20] =	ssyncadd.s32 $0xFFFFE000  }
0x57: {  	_ =	swait.ge [sflag:s21], $0x2000  }
0x58: {  	[sflag:s21] =	ssyncset.done $0x0  }
0x59: {  	[sflag:s21] =	ssyncadd.s32 $0xFFFFE000  }
0x5a: {  	_ =	swait.ge [sflag:s22], $0x2000  }
0x5b: {  	[sflag:s22] =	ssyncset.done $0x0  }
0x5c: {  	[sflag:s22] =	ssyncadd.s32 $0xFFFFE000  }
0x5d: {  	_ =	swait.ge [sflag:s23], $0x2000  }
0x5e: {  	[sflag:s23] =	ssyncset.done $0x0  }
0x5f: {  	[sflag:s23] =	ssyncadd.s32 $0xFFFFE000  }
0x60: {  	_ =	swait.ge [sflag:s17], $0x2000  }
0x61: {  	[sflag:s17] =	ssyncset.done $0x0  }
0x62: {  	[sflag:s17] =	ssyncadd.s32 $0xFFFFE000  }
0x63: {  	_ =	swait.ge [sflag:s24], $0x2000  }
0x64: {  	[sflag:s24] =	ssyncset.done $0x0  }
0x65: {  	[sflag:s24] =	ssyncadd.s32 $0xFFFFE000  }
0x66: {  	_ =	swait.ge [sflag:s25], $0x2000  }
0x67: {  	[sflag:s25] =	ssyncset.done $0x0  }
0x68: {  	s26 =	sadd.s32 $0x1, s26;
	[sflag:s25] =	ssyncadd.s32 $0xFFFFE000  }
0x69: {  	p0 =	sne.s32 s26, s13;
	[bflag:$0x0] =	sbarrier.arrive $0xFFFF  }
.Ltmp1:
0x6a: {  	s0 =	rddreg [dreg:$0x6];
	(pc) =	sbr.rel @p0 .LBB2_1-.Ltmp1, $4  }
0x6b: {  	[hbm:s0], [sflag:s8] =	dma.local [spmem:s14], $0x13C0  }
0x6c: {  	_ =	swait.ge [sflag:s15], $0x13C0  }
0x6d: {  	[sflag:s15] =	ssyncset.done $0x0  }
0x6e: {  	[sflag:s15] =	ssyncadd.s32 $0xFFFFEC40  }
0x6f: {  	_ =	sfence.sel $0x180000  }
0x70: {  	[bflag:$0x0] =	sbarrier.arrive $0xFFFF  }
0x71: {  	_ =	strace $0x9000004A  }
0x72: {  	s0 =	stileid.u32;
	[bflag:$0x2] =	sbarrier.arrive $0xFFFF  }
0x73: {  	p0 =	sne.s32 s0, $0x0;
	s0 =	rddreg [dreg:$0x2]  }
0x74: {  	s0 =	sadd.s32 @!p0 $0x100000, s0  }
0x75: {  	[sflag:s0] =	ssyncadd.tile.s32 @!p0 $0x1;
	_ =	shalt  }
.Lfunc_end2:
_tile_overlayer_lowered:
.L_overlay_start_2:
0x76: {  	(tag) =	ssettag $0x2  }
0x77: {  	s0 =	rddreg [dreg:$0x0];
	s2 =	stileid.u32  }
0x78: {  	s1 =	rddreg [dreg:$0x1];
	p0 =	sne.s32 s2, $0x0  }
0x79: {  	s3 =	rddreg [dreg:$0x2];
	[bflag:$0x3] =	sbarrier.arrive $0xFFFF;
	s2 =	simm.s32 @!p0 $0x1C17  }
0x7a: {  	[timem:s3], [sflag:s2] =	dma.local @!p0 [hbm:s0], s1  }
0x7b: {  	s0 =	simm.s32 @!p0 $0x17  }
0x7c: {  	_ =	swait.ge @!p0 [sflag:s0], s1  }
0x7d: {  	s1 =	ssub.s32 @!p0 $0x0, s1;
	[sflag:s0] =	ssyncset.done @!p0 $0x0  }
0x7e: {  	[sflag:s0] =	ssyncadd.s32 @!p0 s1  }
0x7f: {  	[bflag:$0x3] =	sbarrier.arrive $0xFFFF  }
0x80: {  	_ =	shalt  }

</sc_bundles>
